<compile_context>
chip_gen: v7x
topology: tpu7x:2x2x1
jax: 0.10.2.dev20260603
libtpu: 0.0.44.dev20260713+nightly
codegen_flags: <defaults>
</compile_context>

<pallas_src>
import functools

import jax
import jax.numpy as jnp
from jax import lax
from jax.experimental import pallas as pl
from jax.experimental.pallas import tpu as pltpu
from jax.experimental.pallas import tpu_sc as plsc

N_NODES = 100000
DIM = 128
N_EDGES = 1600000
N_PAD = 100352
SLICE = N_PAD // 16
NCHUNK = SLICE // 16
N_CORES = 2
N_SUB = 16
EPC = N_EDGES // N_CORES
EPT = EPC // N_SUB
EW = 10000
NWIN = EPT // EW

_mesh = plsc.VectorSubcoreMesh(core_axis_name="c", subcore_axis_name="s")


def _esplit_body(e_ref, src_ref, dst_ref):
    src_ref[...] = e_ref[0, :]
    dst_ref[...] = e_ref[1, :]


def _esplit(edge_index):
    eb = 204800
    return pl.pallas_call(
        _esplit_body,
        grid=((N_EDGES + eb - 1) // eb,),
        in_specs=[pl.BlockSpec((2, eb), lambda i: (0, i))],
        out_specs=[
            pl.BlockSpec((eb,), lambda i: (i,)),
            pl.BlockSpec((eb,), lambda i: (i,)),
        ],
        out_shape=[jax.ShapeDtypeStruct((N_EDGES,), jnp.int32)] * 2,
    )(edge_index)


def _proj_body(x_ref, w_ref, p_ref, s_ref):
    y = lax.dot_general(w_ref[...], x_ref[...], (((1,), (1,)), ((), ())),
                        preferred_element_type=jnp.float32)
    p_ref[...] = y[0].reshape(-1, DIM)
    s_ref[...] = y[1].reshape(-1, DIM)


def _proj(x, w2):
    br = 2048
    rows = N_PAD // DIM
    return pl.pallas_call(
        _proj_body,
        grid=(N_PAD // br,),
        in_specs=[
            pl.BlockSpec((br, DIM), lambda i: (i, 0)),
            pl.BlockSpec((2, DIM), lambda i: (0, 0)),
        ],
        out_specs=[
            pl.BlockSpec((br // DIM, DIM), lambda i: (i, 0)),
            pl.BlockSpec((br // DIM, DIM), lambda i: (i, 0)),
        ],
        out_shape=[jax.ShapeDtypeStruct((rows, DIM), jnp.float32)] * 2,
    )(x, w2)


def _mp_body(stage_mode, *refs):
    if stage_mode == 0:
        (p0, src_h, dst_h, pa_o, pb_o, *rest) = refs
    else:
        (pa_i, pb_i, hp_i, cvec, src_h, dst_h, pa_o, pb_o, h_o, *rest) = refs
    (h_sh, acc_sh, buf_a, buf_b, buf_c, hbuf, cbuf,
     srcb0, srcb1, dstb0, dstb1, dstb2, valb0, valb1, valb2,
     sem_s0, sem_s1, sem_d0, sem_d1, sem_v0, sem_v1, sem_v2) = rest
    srcb = (srcb0, srcb1)
    dstb = (dstb0, dstb1, dstb2)
    valb = (valb0, valb1, valb2)
    sem_s = (sem_s0, sem_s1)
    sem_d = (sem_d0, sem_d1)
    sem_v = (sem_v0, sem_v1, sem_v2)
    c = lax.axis_index("c")
    s = lax.axis_index("s")
    sl = pl.ds(s * SLICE, SLICE)

    if stage_mode == 0:
        pltpu.sync_copy(p0.at[sl], hbuf)
    else:
        pltpu.sync_copy(pa_i.at[sl], buf_a)
        pltpu.sync_copy(pb_i.at[sl], buf_b)
        pltpu.sync_copy(hp_i.at[sl], buf_c)
        pltpu.sync_copy(cvec, cbuf)
        wn = cbuf[pl.ds(0, 16)]
        bn = cbuf[pl.ds(16, 16)]
        ws = cbuf[pl.ds(32, 16)]

        def ew_step(i, carry):
            d = pl.ds(i * 16, 16)
            hbuf[d] = jnp.maximum(
                wn * (buf_a[d] + buf_b[d]) + bn + ws * buf_c[d], 0.0)
            return carry

        lax.fori_loop(0, NCHUNK, ew_step, 0)

    pltpu.sync_copy(hbuf, h_sh.at[sl])
    if stage_mode != 0:
        @pl.when(c == 0)
        def _():
            pltpu.sync_copy(hbuf, h_o.at[sl])

    def z_step(i, carry):
        buf_a[pl.ds(i * 16, 16)] = jnp.zeros((16,), jnp.float32)
        return carry

    lax.fori_loop(0, NCHUNK, z_step, 0)
    pltpu.sync_copy(buf_a, acc_sh.at[sl])
    plsc.subcore_barrier()

    ebase = c * EPC + s * EPT

    def idx_start(k):
        wb = ebase + k * EW
        return (
            pltpu.async_copy(src_h.at[pl.ds(wb, EW)], srcb[k % 2], sem_s[k % 2]),
            pltpu.async_copy(dst_h.at[pl.ds(wb, EW)], dstb[k % 3], sem_d[k % 2]),
        )

    idx_d = [None] * (NWIN + 1)
    scat = [None] * NWIN
    idx_d[0] = idx_start(0)
    for k in range(NWIN):
        if k >= 2:
            scat[k - 2].wait()
        idx_d[k][0].wait()
        idx_d[k][1].wait()
        if k + 1 < NWIN:
            idx_d[k + 1] = idx_start(k + 1)
        pltpu.sync_copy(h_sh.at[srcb[k % 2]], valb[k % 3])
        scat[k] = pltpu.async_copy(
            valb[k % 3], acc_sh.at[dstb[k % 3]], sem_v[k % 3], add=True)
    for k in range(max(NWIN - 2, 0), NWIN):
        scat[k].wait()
    plsc.subcore_barrier()

    pltpu.sync_copy(acc_sh.at[sl], hbuf)

    @pl.when(c == 0)
    def _():
        pltpu.sync_copy(hbuf, pa_o.at[sl])

    @pl.when(c == 1)
    def _():
        pltpu.sync_copy(hbuf, pb_o.at[sl])


_SC_SCRATCH = [
    pltpu.VMEM_SHARED((N_PAD,), jnp.float32),
    pltpu.VMEM_SHARED((N_PAD,), jnp.float32),
    pltpu.VMEM((SLICE,), jnp.float32),
    pltpu.VMEM((SLICE,), jnp.float32),
    pltpu.VMEM((SLICE,), jnp.float32),
    pltpu.VMEM((SLICE,), jnp.float32),
    pltpu.VMEM((48,), jnp.float32),
    pltpu.VMEM((EW,), jnp.int32),
    pltpu.VMEM((EW,), jnp.int32),
    pltpu.VMEM((EW,), jnp.int32),
    pltpu.VMEM((EW,), jnp.int32),
    pltpu.VMEM((EW,), jnp.int32),
    pltpu.VMEM((EW,), jnp.float32),
    pltpu.VMEM((EW,), jnp.float32),
    pltpu.VMEM((EW,), jnp.float32),
    pltpu.SemaphoreType.DMA,
    pltpu.SemaphoreType.DMA,
    pltpu.SemaphoreType.DMA,
    pltpu.SemaphoreType.DMA,
    pltpu.SemaphoreType.DMA,
    pltpu.SemaphoreType.DMA,
    pltpu.SemaphoreType.DMA,
]

_vec = jax.ShapeDtypeStruct((N_PAD,), jnp.float32)

_layer0 = pl.kernel(
    functools.partial(_mp_body, 0),
    out_type=[_vec, _vec],
    mesh=_mesh,
    scratch_types=_SC_SCRATCH,
)

_layer12 = pl.kernel(
    functools.partial(_mp_body, 1),
    out_type=[_vec, _vec, _vec],
    mesh=_mesh,
    scratch_types=_SC_SCRATCH,
)


_BRF = 784
_NGF = (N_PAD // DIM) // _BRF


def _final_body(pa_ref, pb_ref, h2_ref, wn2_ref, bn2_ref, ws2_ref,
                w1_ref, b1_ref, w2_ref, b2_ref, out_ref, acc_ref):
    g = pl.program_id(0)

    @pl.when(g == 0)
    def _():
        acc_ref[0] = 0.0

    wn2 = wn2_ref[0, 0]
    bn2 = bn2_ref[0, 0]
    ws2 = ws2_ref[0, 0]
    a = pa_ref[...] + pb_ref[...]
    h3 = jnp.maximum(wn2 * a + bn2 + ws2 * h2_ref[...], 0.0)
    rid = lax.broadcasted_iota(jnp.int32, (_BRF, DIM), 0) + g * _BRF
    lid = lax.broadcasted_iota(jnp.int32, (_BRF, DIM), 1)
    h3 = jnp.where(rid * DIM + lid < N_NODES, h3, 0.0)
    acc_ref[0] += jnp.sum(h3)

    @pl.when(g == _NGF - 1)
    def _():
        hg = acc_ref[0]
        z = (hg * w1_ref[...] + b1_ref[...]) * 1000.0
        sg = 1.0 / (1.0 + jnp.exp(-z))
        o = jnp.sum(sg * w2_ref[...], axis=1).reshape(1, 4) + b2_ref[...]
        o = jnp.maximum(o, 0.0)
        m = jnp.max(o)
        lse = m + jnp.log(jnp.sum(jnp.exp(o - m)))
        out_ref[...] = o - lse


def _final(pa, pb, h2, wn2, bn2, ws2, w1, b1, w2, b2):
    rows = N_PAD // DIM
    return pl.pallas_call(
        _final_body,
        grid=(_NGF,),
        in_specs=[
            pl.BlockSpec((_BRF, DIM), lambda g: (g, 0)),
            pl.BlockSpec((_BRF, DIM), lambda g: (g, 0)),
            pl.BlockSpec((_BRF, DIM), lambda g: (g, 0)),
            pl.BlockSpec((1, 1), lambda g: (0, 0)),
            pl.BlockSpec((1, 1), lambda g: (0, 0)),
            pl.BlockSpec((1, 1), lambda g: (0, 0)),
            pl.BlockSpec((1, 8), lambda g: (0, 0)),
            pl.BlockSpec((1, 8), lambda g: (0, 0)),
            pl.BlockSpec((4, 8), lambda g: (0, 0)),
            pl.BlockSpec((1, 4), lambda g: (0, 0)),
        ],
        out_specs=pl.BlockSpec((1, 4), lambda g: (0, 0)),
        out_shape=jax.ShapeDtypeStruct((1, 4), jnp.float32),
        scratch_shapes=[pltpu.SMEM((1,), jnp.float32)],
    )(pa.reshape(rows, DIM), pb.reshape(rows, DIM), h2.reshape(rows, DIM),
      wn2, bn2, ws2, w1, b1, w2, b2)


def kernel(x, edge_index, Wn0, bn0, Ws0, Wn1, bn1, Ws1, Wn2, bn2, Ws2,
           W1, b1, W2, b2):
    w2 = jnp.concatenate([Wn0.reshape(1, DIM), Ws0.reshape(1, DIM)], axis=0)
    p0_2d, s0_2d = _proj(x, w2)
    p0 = p0_2d.reshape(N_PAD)
    s0 = s0_2d.reshape(N_PAD)
    src, dst = _esplit(edge_index)
    ones = jnp.ones((16,), jnp.float32)
    c1 = jnp.concatenate([ones, jnp.broadcast_to(bn0[0], (16,)), ones])
    c2 = jnp.concatenate([jnp.broadcast_to(Wn1[0, 0], (16,)),
                          jnp.broadcast_to(bn1[0], (16,)),
                          jnp.broadcast_to(Ws1[0, 0], (16,))])
    pa0, pb0 = _layer0(p0, src, dst)
    pa1, pb1, h1 = _layer12(pa0, pb0, s0, c1, src, dst)
    pa2, pb2, h2 = _layer12(pa1, pb1, h1, c2, src, dst)
    return _final(pa2, pb2, h2,
                  Wn2.reshape(1, 1), bn2.reshape(1, 1), Ws2.reshape(1, 1),
                  W1.reshape(1, 8), b1.reshape(1, 8), W2, b2.reshape(1, 4))

# --- scband reference (transcript-rebuilt; emitter-appended) ---
"""Pipeline reference for scband-gcn-designed-29300266893374 (READ-ONLY COPY).

The authoritative reference and input builder live on the scoring server;
editing this copy changes nothing except your own understanding.
"""

import jax, jax.numpy as jnp
import numpy as np

N = 100000
E = 1600000
D = 128


def setup_inputs(seed: int = 0) -> dict:
    key = jax.random.key(seed)
    ks = jax.random.split(key, 16)
    x = jax.random.normal(ks[0], (N, D), dtype=jnp.float32)
    edge_index = jax.random.randint(ks[1], (2, E), 0, N, dtype=jnp.int32)
    # GraphConvWL layer 0: in=D, out=1 (neigh weight [D,1], neigh bias [1], self weight [D,1])
    s0 = 1.0 / np.sqrt(D)
    Wn0 = jax.random.normal(ks[2], (D, 1), dtype=jnp.float32) * s0
    bn0 = jnp.zeros((1,), dtype=jnp.float32)
    Ws0 = jax.random.normal(ks[3], (D, 1), dtype=jnp.float32) * s0
    # layers 1,2: in=1, out=1
    Wn1 = jax.random.normal(ks[4], (1, 1), dtype=jnp.float32)
    bn1 = jnp.zeros((1,), dtype=jnp.float32)
    Ws1 = jax.random.normal(ks[5], (1, 1), dtype=jnp.float32)
    Wn2 = jax.random.normal(ks[6], (1, 1), dtype=jnp.float32)
    bn2 = jnp.zeros((1,), dtype=jnp.float32)
    Ws2 = jax.random.normal(ks[7], (1, 1), dtype=jnp.float32)
    # readout MLP: fc1 Linear(1,8), output Linear(8,4)
    W1 = jax.random.normal(ks[8], (8, 1), dtype=jnp.float32)
    b1 = jax.random.normal(ks[9], (8,), dtype=jnp.float32) * 0.1
    W2 = jax.random.normal(ks[10], (4, 8), dtype=jnp.float32) * (1.0 / np.sqrt(8))
    b2 = jax.random.normal(ks[11], (4,), dtype=jnp.float32) * 0.1
    return {"x": x, "edge_index": edge_index,
            "Wn0": Wn0, "bn0": bn0, "Ws0": Ws0,
            "Wn1": Wn1, "bn1": bn1, "Ws1": Ws1,
            "Wn2": Wn2, "bn2": bn2, "Ws2": Ws2,
            "W1": W1, "b1": b1, "W2": W2, "b2": b2}


def reference(x, edge_index, Wn0, bn0, Ws0, Wn1, bn1, Ws1, Wn2, bn2, Ws2, W1, b1, W2, b2):
    src = edge_index[0]
    dst = edge_index[1]
    h = x
    for Wn, bn, Ws in ((Wn0, bn0, Ws0), (Wn1, bn1, Ws1), (Wn2, bn2, Ws2)):
        # DGL GraphConv(norm='none'): project then sum-aggregate src->dst, add bias
        proj = h @ Wn
        neigh = jax.ops.segment_sum(proj[src], dst, num_segments=N) + bn
        self_feat = h @ Ws  # Linear(in, out, bias=False)
        h = jax.nn.relu(neigh + self_feat)
    # dgl.sum_nodes over the single graph -> [1, 1]
    hg = jnp.sum(h, axis=0, keepdims=True)
    hg2 = jax.nn.sigmoid((hg @ W1.T + b1) * 1000.0)
    out = jax.nn.relu(hg2 @ W2.T + b2)
    return jax.nn.log_softmax(out, axis=1)

if __name__ == "__main__":
    import jax
    _d = setup_inputs()
    print(jax.jit(kernel)(*tuple(_d.values())))

</pallas_src>

<mosaic_0001>
#map = affine_map<(d0, d1) -> (0)>
module attributes {stable_mosaic.version = 14 : i64} {
  func.func @_mp_body(%arg0: i32, %arg1: i32, %arg2: memref<100352xf32, #tpu.memory_space<hbm>>, %arg3: memref<100352xf32, #tpu.memory_space<hbm>>, %arg4: memref<100352xf32, #tpu.memory_space<hbm>>, %arg5: memref<48xf32, #tpu.memory_space<hbm>>, %arg6: memref<1600000xi32, #tpu.memory_space<hbm>>, %arg7: memref<1600000xi32, #tpu.memory_space<hbm>>, %arg8: memref<100352xf32, #tpu.memory_space<hbm>>, %arg9: memref<100352xf32, #tpu.memory_space<hbm>>, %arg10: memref<100352xf32, #tpu.memory_space<hbm>>, %arg11: memref<100352xf32, #tpu.memory_space<vmem_shared>>, %arg12: memref<100352xf32, #tpu.memory_space<vmem_shared>>, %arg13: memref<6272xf32, #tpu.memory_space<vmem>>, %arg14: memref<6272xf32, #tpu.memory_space<vmem>>, %arg15: memref<6272xf32, #tpu.memory_space<vmem>>, %arg16: memref<6272xf32, #tpu.memory_space<vmem>>, %arg17: memref<48xf32, #tpu.memory_space<vmem>>, %arg18: memref<10000xi32, #tpu.memory_space<vmem>>, %arg19: memref<10000xi32, #tpu.memory_space<vmem>>, %arg20: memref<10000xi32, #tpu.memory_space<vmem>>, %arg21: memref<10000xi32, #tpu.memory_space<vmem>>, %arg22: memref<10000xi32, #tpu.memory_space<vmem>>, %arg23: memref<10000xf32, #tpu.memory_space<vmem>>, %arg24: memref<10000xf32, #tpu.memory_space<vmem>>, %arg25: memref<10000xf32, #tpu.memory_space<vmem>>, %arg26: memref<!tpu.dma_semaphore, #tpu.memory_space<semaphore_mem>>, %arg27: memref<!tpu.dma_semaphore, #tpu.memory_space<semaphore_mem>>, %arg28: memref<!tpu.dma_semaphore, #tpu.memory_space<semaphore_mem>>, %arg29: memref<!tpu.dma_semaphore, #tpu.memory_space<semaphore_mem>>, %arg30: memref<!tpu.dma_semaphore, #tpu.memory_space<semaphore_mem>>, %arg31: memref<!tpu.dma_semaphore, #tpu.memory_space<semaphore_mem>>, %arg32: memref<!tpu.dma_semaphore, #tpu.memory_space<semaphore_mem>>) attributes {dimension_semantics = [#tpu.dimension_semantics<core_parallel>, #tpu.dimension_semantics<subcore_parallel>], iteration_bounds = array<i64: 2, 16>, scalar_prefetch = 0 : i64, scratch_operands = 22 : i64, tpu.core_type = #tpu.core_type<sc_vector_subcore>, window_params = [{transform_indices = #map}, {transform_indices = #map}, {transform_indices = #map}, {transform_indices = #map}, {transform_indices = #map}, {transform_indices = #map}, {transform_indices = #map}, {transform_indices = #map}, {transform_indices = #map}]} {
    %mul3A = arith.constant 6272 : i32
    %mul3A_0 = arith.muli %arg1, %mul3A : i32
    "tpu.region"() ({
      %run_scoped3A = tpu.sem_alloc : memref<!tpu.dma_semaphore, #tpu.memory_space<semaphore_mem>>
      %dma_start3A_105 = tpu.memref_slice %arg2[%mul3A_0] : memref<100352xf32, #tpu.memory_space<hbm>> -> memref<6272xf32, #tpu.memory_space<hbm>>
      %dma_start3A_106 = tpu.memref_slice %arg2[%mul3A_0] : memref<100352xf32, #tpu.memory_space<hbm>> -> memref<6272xf32, #tpu.memory_space<hbm>>
      tpu.enqueue_dma source(%dma_start3A_106 : memref<6272xf32, #tpu.memory_space<hbm>>) target(%arg13 : memref<6272xf32, #tpu.memory_space<vmem>>) target_semaphore(%run_scoped3A : memref<!tpu.dma_semaphore, #tpu.memory_space<semaphore_mem>>)
      %dma_wait3A_107 = tpu.memref_slice %arg2[%mul3A_0] : memref<100352xf32, #tpu.memory_space<hbm>> -> memref<6272xf32, #tpu.memory_space<hbm>>
      %dma_wait3A_108 = tpu.memref_slice %arg2[%mul3A_0] : memref<100352xf32, #tpu.memory_space<hbm>> -> memref<6272xf32, #tpu.memory_space<hbm>>
      tpu.wait_dma2 semaphore(%run_scoped3A : memref<!tpu.dma_semaphore, #tpu.memory_space<semaphore_mem>>) src(%dma_wait3A_108 : memref<6272xf32, #tpu.memory_space<hbm>>) dst(%arg13 : memref<6272xf32, #tpu.memory_space<vmem>>)
      tpu.yield
    }) : () -> ()
    "tpu.region"() ({
      %run_scoped3A = tpu.sem_alloc : memref<!tpu.dma_semaphore, #tpu.memory_space<semaphore_mem>>
      %dma_start3A_105 = tpu.memref_slice %arg3[%mul3A_0] : memref<100352xf32, #tpu.memory_space<hbm>> -> memref<6272xf32, #tpu.memory_space<hbm>>
      %dma_start3A_106 = tpu.memref_slice %arg3[%mul3A_0] : memref<100352xf32, #tpu.memory_space<hbm>> -> memref<6272xf32, #tpu.memory_space<hbm>>
      tpu.enqueue_dma source(%dma_start3A_106 : memref<6272xf32, #tpu.memory_space<hbm>>) target(%arg14 : memref<6272xf32, #tpu.memory_space<vmem>>) target_semaphore(%run_scoped3A : memref<!tpu.dma_semaphore, #tpu.memory_space<semaphore_mem>>)
      %dma_wait3A_107 = tpu.memref_slice %arg3[%mul3A_0] : memref<100352xf32, #tpu.memory_space<hbm>> -> memref<6272xf32, #tpu.memory_space<hbm>>
      %dma_wait3A_108 = tpu.memref_slice %arg3[%mul3A_0] : memref<100352xf32, #tpu.memory_space<hbm>> -> memref<6272xf32, #tpu.memory_space<hbm>>
      tpu.wait_dma2 semaphore(%run_scoped3A : memref<!tpu.dma_semaphore, #tpu.memory_space<semaphore_mem>>) src(%dma_wait3A_108 : memref<6272xf32, #tpu.memory_space<hbm>>) dst(%arg14 : memref<6272xf32, #tpu.memory_space<vmem>>)
      tpu.yield
    }) : () -> ()
    "tpu.region"() ({
      %run_scoped3A = tpu.sem_alloc : memref<!tpu.dma_semaphore, #tpu.memory_space<semaphore_mem>>
      %dma_start3A_105 = tpu.memref_slice %arg4[%mul3A_0] : memref<100352xf32, #tpu.memory_space<hbm>> -> memref<6272xf32, #tpu.memory_space<hbm>>
      %dma_start3A_106 = tpu.memref_slice %arg4[%mul3A_0] : memref<100352xf32, #tpu.memory_space<hbm>> -> memref<6272xf32, #tpu.memory_space<hbm>>
      tpu.enqueue_dma source(%dma_start3A_106 : memref<6272xf32, #tpu.memory_space<hbm>>) target(%arg15 : memref<6272xf32, #tpu.memory_space<vmem>>) target_semaphore(%run_scoped3A : memref<!tpu.dma_semaphore, #tpu.memory_space<semaphore_mem>>)
      %dma_wait3A_107 = tpu.memref_slice %arg4[%mul3A_0] : memref<100352xf32, #tpu.memory_space<hbm>> -> memref<6272xf32, #tpu.memory_space<hbm>>
      %dma_wait3A_108 = tpu.memref_slice %arg4[%mul3A_0] : memref<100352xf32, #tpu.memory_space<hbm>> -> memref<6272xf32, #tpu.memory_space<hbm>>
      tpu.wait_dma2 semaphore(%run_scoped3A : memref<!tpu.dma_semaphore, #tpu.memory_space<semaphore_mem>>) src(%dma_wait3A_108 : memref<6272xf32, #tpu.memory_space<hbm>>) dst(%arg15 : memref<6272xf32, #tpu.memory_space<vmem>>)
      tpu.yield
    }) : () -> ()
    "tpu.region"() ({
      %run_scoped3A = tpu.sem_alloc : memref<!tpu.dma_semaphore, #tpu.memory_space<semaphore_mem>>
      tpu.enqueue_dma source(%arg5 : memref<48xf32, #tpu.memory_space<hbm>>) target(%arg17 : memref<48xf32, #tpu.memory_space<vmem>>) target_semaphore(%run_scoped3A : memref<!tpu.dma_semaphore, #tpu.memory_space<semaphore_mem>>)
      tpu.wait_dma2 semaphore(%run_scoped3A : memref<!tpu.dma_semaphore, #tpu.memory_space<semaphore_mem>>) src(%arg5 : memref<48xf32, #tpu.memory_space<hbm>>) dst(%arg17 : memref<48xf32, #tpu.memory_space<vmem>>)
      tpu.yield
    }) : () -> ()
    %get3A = arith.constant 0 : index
    %get3A_1 = tpu.vector_load %arg17[%get3A] {strides = array<i32>} : memref<48xf32, #tpu.memory_space<vmem>>, vector<16xf32>,
    %get3A_2 = vector.shape_cast %get3A_1 : vector<16xf32> to vector<16xf32>
    %get3A_3 = arith.constant 16 : index
    %get3A_4 = tpu.vector_load %arg17[%get3A_3] {strides = array<i32>} : memref<48xf32, #tpu.memory_space<vmem>>, vector<16xf32>,
    %get3A_5 = vector.shape_cast %get3A_4 : vector<16xf32> to vector<16xf32>
    %get3A_6 = arith.constant 32 : index
    %get3A_7 = tpu.vector_load %arg17[%get3A_6] {strides = array<i32>} : memref<48xf32, #tpu.memory_space<vmem>>, vector<16xf32>,
    %get3A_8 = vector.shape_cast %get3A_7 : vector<16xf32> to vector<16xf32>
    %scan3A = arith.constant 0 : i32
    %scan3A_9 = arith.constant 0 : i32
    %scan3A_10 = arith.constant 392 : i32
    %scan3A_11 = arith.addi %scan3A_9, %scan3A_10 : i32
    %scan3A_12 = arith.constant 1 : i32
    scf.for %scan3A_105 = %scan3A_9 to %scan3A_11 step %scan3A_12  : i32 {
      %mul3A_106 = arith.constant 16 : i32
      %mul3A_107 = arith.muli %scan3A_105, %mul3A_106 : i32
      %get3A_108 = arith.index_cast %mul3A_107 : i32 to index
      %get3A_109 = tpu.vector_load %arg13[%get3A_108] {strides = array<i32>} : memref<6272xf32, #tpu.memory_space<vmem>>, vector<16xf32>,
      %get3A_110 = vector.shape_cast %get3A_109 : vector<16xf32> to vector<16xf32>
      %get3A_111 = arith.index_cast %mul3A_107 : i32 to index
      %get3A_112 = tpu.vector_load %arg14[%get3A_111] {strides = array<i32>} : memref<6272xf32, #tpu.memory_space<vmem>>, vector<16xf32>,
      %get3A_113 = vector.shape_cast %get3A_112 : vector<16xf32> to vector<16xf32>
      %add3A_114 = arith.addf %get3A_110, %get3A_113 : vector<16xf32>
      %mul3A_115 = arith.mulf %get3A_2, %add3A_114 : vector<16xf32>
      %add3A_116 = arith.addf %mul3A_115, %get3A_5 : vector<16xf32>
      %get3A_117 = arith.index_cast %mul3A_107 : i32 to index
      %get3A_118 = tpu.vector_load %arg15[%get3A_117] {strides = array<i32>} : memref<6272xf32, #tpu.memory_space<vmem>>, vector<16xf32>,
      %get3A_119 = vector.shape_cast %get3A_118 : vector<16xf32> to vector<16xf32>
      %mul3A_120 = arith.mulf %get3A_8, %get3A_119 : vector<16xf32>
      %add3A_121 = arith.addf %add3A_116, %mul3A_120 : vector<16xf32>
      %max3A = arith.constant 0.000000e+00 : f32
      %max3A_122 = vector.broadcast %max3A : f32 to vector<16xf32>
      %max3A_123 = arith.maximumf %add3A_121, %max3A_122 : vector<16xf32>
      %swap3A = arith.index_cast %mul3A_107 : i32 to index
      %swap3A_124 = tpu.vector_load %arg16[%swap3A] {strides = array<i32>} : memref<6272xf32, #tpu.memory_space<vmem>>, vector<16xf32>,
      %swap3A_125 = vector.shape_cast %swap3A_124 : vector<16xf32> to vector<16xf32>
      %swap3A_126 = vector.shape_cast %max3A_123 : vector<16xf32> to vector<16xf32>
      tpu.vector_store %arg16[%swap3A], %swap3A_126 {strides = array<i32>} : memref<6272xf32, #tpu.memory_space<vmem>>, vector<16xf32>,
    }
    %scan3A_13 = arith.constant 392 : i32
    "tpu.region"() ({
      %run_scoped3A = tpu.sem_alloc : memref<!tpu.dma_semaphore, #tpu.memory_space<semaphore_mem>>
      %dma_start3A_105 = tpu.memref_slice %arg11[%mul3A_0] : memref<100352xf32, #tpu.memory_space<vmem_shared>> -> memref<6272xf32, #tpu.memory_space<vmem_shared>>
      %dma_start3A_106 = tpu.memref_slice %arg11[%mul3A_0] : memref<100352xf32, #tpu.memory_space<vmem_shared>> -> memref<6272xf32, #tpu.memory_space<vmem_shared>>
      tpu.enqueue_dma source(%arg16 : memref<6272xf32, #tpu.memory_space<vmem>>) target(%dma_start3A_106 : memref<6272xf32, #tpu.memory_space<vmem_shared>>) target_semaphore(%run_scoped3A : memref<!tpu.dma_semaphore, #tpu.memory_space<semaphore_mem>>)
      %dma_wait3A_107 = tpu.memref_slice %arg11[%mul3A_0] : memref<100352xf32, #tpu.memory_space<vmem_shared>> -> memref<6272xf32, #tpu.memory_space<vmem_shared>>
      %dma_wait3A_108 = tpu.memref_slice %arg11[%mul3A_0] : memref<100352xf32, #tpu.memory_space<vmem_shared>> -> memref<6272xf32, #tpu.memory_space<vmem_shared>>
      tpu.wait_dma2 semaphore(%run_scoped3A : memref<!tpu.dma_semaphore, #tpu.memory_space<semaphore_mem>>) src(%arg16 : memref<6272xf32, #tpu.memory_space<vmem>>) dst(%dma_wait3A_108 : memref<6272xf32, #tpu.memory_space<vmem_shared>>)
      tpu.yield
    }) : () -> ()
    %eq3A = arith.constant 0 : i32
    %eq3A_14 = arith.cmpi eq, %arg0, %eq3A : i32
    %convert_element_type3A = arith.extui %eq3A_14 : i1 to i32
    %cond3A = arith.constant 0 : i32
    %cond3A_15 = arith.cmpi ne, %convert_element_type3A, %cond3A : i32
    scf.if %cond3A_15 {
      "tpu.region"() ({
        %run_scoped3A = tpu.sem_alloc : memref<!tpu.dma_semaphore, #tpu.memory_space<semaphore_mem>>
        %dma_start3A_105 = tpu.memref_slice %arg10[%mul3A_0] : memref<100352xf32, #tpu.memory_space<hbm>> -> memref<6272xf32, #tpu.memory_space<hbm>>
        %dma_start3A_106 = tpu.memref_slice %arg10[%mul3A_0] : memref<100352xf32, #tpu.memory_space<hbm>> -> memref<6272xf32, #tpu.memory_space<hbm>>
        tpu.enqueue_dma source(%arg16 : memref<6272xf32, #tpu.memory_space<vmem>>) target(%dma_start3A_106 : memref<6272xf32, #tpu.memory_space<hbm>>) target_semaphore(%run_scoped3A : memref<!tpu.dma_semaphore, #tpu.memory_space<semaphore_mem>>)
        %dma_wait3A_107 = tpu.memref_slice %arg10[%mul3A_0] : memref<100352xf32, #tpu.memory_space<hbm>> -> memref<6272xf32, #tpu.memory_space<hbm>>
        %dma_wait3A_108 = tpu.memref_slice %arg10[%mul3A_0] : memref<100352xf32, #tpu.memory_space<hbm>> -> memref<6272xf32, #tpu.memory_space<hbm>>
        tpu.wait_dma2 semaphore(%run_scoped3A : memref<!tpu.dma_semaphore, #tpu.memory_space<semaphore_mem>>) src(%arg16 : memref<6272xf32, #tpu.memory_space<vmem>>) dst(%dma_wait3A_108 : memref<6272xf32, #tpu.memory_space<hbm>>)
        tpu.yield
      }) : () -> ()
    } else {
    }
    %scan3A_16 = arith.constant 0 : i32
    %scan3A_17 = arith.constant 0 : i32
    %scan3A_18 = arith.constant 392 : i32
    %scan3A_19 = arith.addi %scan3A_17, %scan3A_18 : i32
    %scan3A_20 = arith.constant 1 : i32
    scf.for %scan3A_105 = %scan3A_17 to %scan3A_19 step %scan3A_20  : i32 {
      %broadcast_in_dim3A = arith.constant 0.000000e+00 : f32
      %broadcast_in_dim3A_106 = vector.broadcast %broadcast_in_dim3A : f32 to vector<16xf32>
      %mul3A_107 = arith.constant 16 : i32
      %mul3A_108 = arith.muli %scan3A_105, %mul3A_107 : i32
      %swap3A = arith.index_cast %mul3A_108 : i32 to index
      %swap3A_109 = tpu.vector_load %arg13[%swap3A] {strides = array<i32>} : memref<6272xf32, #tpu.memory_space<vmem>>, vector<16xf32>,
      %swap3A_110 = vector.shape_cast %swap3A_109 : vector<16xf32> to vector<16xf32>
      %swap3A_111 = vector.shape_cast %broadcast_in_dim3A_106 : vector<16xf32> to vector<16xf32>
      tpu.vector_store %arg13[%swap3A], %swap3A_111 {strides = array<i32>} : memref<6272xf32, #tpu.memory_space<vmem>>, vector<16xf32>,
    }
    %scan3A_21 = arith.constant 392 : i32
    "tpu.region"() ({
      %run_scoped3A = tpu.sem_alloc : memref<!tpu.dma_semaphore, #tpu.memory_space<semaphore_mem>>
      %dma_start3A_105 = tpu.memref_slice %arg12[%mul3A_0] : memref<100352xf32, #tpu.memory_space<vmem_shared>> -> memref<6272xf32, #tpu.memory_space<vmem_shared>>
      %dma_start3A_106 = tpu.memref_slice %arg12[%mul3A_0] : memref<100352xf32, #tpu.memory_space<vmem_shared>> -> memref<6272xf32, #tpu.memory_space<vmem_shared>>
      tpu.enqueue_dma source(%arg13 : memref<6272xf32, #tpu.memory_space<vmem>>) target(%dma_start3A_106 : memref<6272xf32, #tpu.memory_space<vmem_shared>>) target_semaphore(%run_scoped3A : memref<!tpu.dma_semaphore, #tpu.memory_space<semaphore_mem>>)
      %dma_wait3A_107 = tpu.memref_slice %arg12[%mul3A_0] : memref<100352xf32, #tpu.memory_space<vmem_shared>> -> memref<6272xf32, #tpu.memory_space<vmem_shared>>
      %dma_wait3A_108 = tpu.memref_slice %arg12[%mul3A_0] : memref<100352xf32, #tpu.memory_space<vmem_shared>> -> memref<6272xf32, #tpu.memory_space<vmem_shared>>
      tpu.wait_dma2 semaphore(%run_scoped3A : memref<!tpu.dma_semaphore, #tpu.memory_space<semaphore_mem>>) src(%arg13 : memref<6272xf32, #tpu.memory_space<vmem>>) dst(%dma_wait3A_108 : memref<6272xf32, #tpu.memory_space<vmem_shared>>)
      tpu.yield
    }) : () -> ()
    %barrier3A = arith.constant 0 : index
    tpu.barrier barrier_id(%barrier3A)
    %mul3A_22 = arith.constant 800000 : i32
    %mul3A_23 = arith.muli %arg0, %mul3A_22 : i32
    %mul3A_24 = arith.constant 50000 : i32
    %mul3A_25 = arith.muli %arg1, %mul3A_24 : i32
    %add3A = arith.addi %mul3A_23, %mul3A_25 : i32
    %add3A_26 = arith.constant 0 : i32
    %add3A_27 = arith.addi %add3A, %add3A_26 : i32
    %dma_start3A = tpu.memref_slice %arg6[%add3A_27] : memref<1600000xi32, #tpu.memory_space<hbm>> -> memref<10000xi32, #tpu.memory_space<hbm>>
    %dma_start3A_28 = tpu.memref_slice %arg6[%add3A_27] : memref<1600000xi32, #tpu.memory_space<hbm>> -> memref<10000xi32, #tpu.memory_space<hbm>>
    tpu.enqueue_dma source(%dma_start3A_28 : memref<10000xi32, #tpu.memory_space<hbm>>) target(%arg18 : memref<10000xi32, #tpu.memory_space<vmem>>) target_semaphore(%arg26 : memref<!tpu.dma_semaphore, #tpu.memory_space<semaphore_mem>>)
    %dma_start3A_29 = tpu.memref_slice %arg7[%add3A_27] : memref<1600000xi32, #tpu.memory_space<hbm>> -> memref<10000xi32, #tpu.memory_space<hbm>>
    %dma_start3A_30 = tpu.memref_slice %arg7[%add3A_27] : memref<1600000xi32, #tpu.memory_space<hbm>> -> memref<10000xi32, #tpu.memory_space<hbm>>
    tpu.enqueue_dma source(%dma_start3A_30 : memref<10000xi32, #tpu.memory_space<hbm>>) target(%arg20 : memref<10000xi32, #tpu.memory_space<vmem>>) target_semaphore(%arg28 : memref<!tpu.dma_semaphore, #tpu.memory_space<semaphore_mem>>)
    %dma_wait3A = tpu.memref_slice %arg6[%add3A_27] : memref<1600000xi32, #tpu.memory_space<hbm>> -> memref<10000xi32, #tpu.memory_space<hbm>>
    %dma_wait3A_31 = tpu.memref_slice %arg6[%add3A_27] : memref<1600000xi32, #tpu.memory_space<hbm>> -> memref<10000xi32, #tpu.memory_space<hbm>>
    tpu.wait_dma2 semaphore(%arg26 : memref<!tpu.dma_semaphore, #tpu.memory_space<semaphore_mem>>) src(%dma_wait3A_31 : memref<10000xi32, #tpu.memory_space<hbm>>) dst(%arg18 : memref<10000xi32, #tpu.memory_space<vmem>>)
    %dma_wait3A_32 = tpu.memref_slice %arg7[%add3A_27] : memref<1600000xi32, #tpu.memory_space<hbm>> -> memref<10000xi32, #tpu.memory_space<hbm>>
    %dma_wait3A_33 = tpu.memref_slice %arg7[%add3A_27] : memref<1600000xi32, #tpu.memory_space<hbm>> -> memref<10000xi32, #tpu.memory_space<hbm>>
    tpu.wait_dma2 semaphore(%arg28 : memref<!tpu.dma_semaphore, #tpu.memory_space<semaphore_mem>>) src(%dma_wait3A_33 : memref<10000xi32, #tpu.memory_space<hbm>>) dst(%arg20 : memref<10000xi32, #tpu.memory_space<vmem>>)
    %add3A_34 = arith.constant 10000 : i32
    %add3A_35 = arith.addi %add3A, %add3A_34 : i32
    %dma_start3A_36 = tpu.memref_slice %arg6[%add3A_35] : memref<1600000xi32, #tpu.memory_space<hbm>> -> memref<10000xi32, #tpu.memory_space<hbm>>
    %dma_start3A_37 = tpu.memref_slice %arg6[%add3A_35] : memref<1600000xi32, #tpu.memory_space<hbm>> -> memref<10000xi32, #tpu.memory_space<hbm>>
    tpu.enqueue_dma source(%dma_start3A_37 : memref<10000xi32, #tpu.memory_space<hbm>>) target(%arg19 : memref<10000xi32, #tpu.memory_space<vmem>>) target_semaphore(%arg27 : memref<!tpu.dma_semaphore, #tpu.memory_space<semaphore_mem>>)
    %dma_start3A_38 = tpu.memref_slice %arg7[%add3A_35] : memref<1600000xi32, #tpu.memory_space<hbm>> -> memref<10000xi32, #tpu.memory_space<hbm>>
    %dma_start3A_39 = tpu.memref_slice %arg7[%add3A_35] : memref<1600000xi32, #tpu.memory_space<hbm>> -> memref<10000xi32, #tpu.memory_space<hbm>>
    tpu.enqueue_dma source(%dma_start3A_39 : memref<10000xi32, #tpu.memory_space<hbm>>) target(%arg21 : memref<10000xi32, #tpu.memory_space<vmem>>) target_semaphore(%arg29 : memref<!tpu.dma_semaphore, #tpu.memory_space<semaphore_mem>>)
    "tpu.region"() ({
      %run_scoped3A = tpu.sem_alloc : memref<!tpu.dma_semaphore, #tpu.memory_space<semaphore_mem>>
      %dma_start3A_105 = arith.constant 0 : i32
      %dma_start3A_106 = tpu.memref_slice %arg11[%dma_start3A_105] : memref<100352xf32, #tpu.memory_space<vmem_shared>> -> memref<100352xf32, #tpu.memory_space<vmem_shared>>
      tpu.enqueue_indirect_dma source(%dma_start3A_106 : memref<100352xf32, #tpu.memory_space<vmem_shared>>) target(%arg23 : memref<10000xf32, #tpu.memory_space<vmem>>) offsets(%arg18 : memref<10000xi32, #tpu.memory_space<vmem>>) semaphore(%run_scoped3A : memref<!tpu.dma_semaphore, #tpu.memory_space<semaphore_mem>>)
      %dma_wait3A_107 = arith.constant 0 : i32
      %dma_wait3A_108 = tpu.memref_slice %arg11[%dma_wait3A_107] : memref<100352xf32, #tpu.memory_space<vmem_shared>> -> memref<100352xf32, #tpu.memory_space<vmem_shared>>
      tpu.wait_indirect_dma semaphore(%run_scoped3A : memref<!tpu.dma_semaphore, #tpu.memory_space<semaphore_mem>>) src(%dma_wait3A_108 : memref<100352xf32, #tpu.memory_space<vmem_shared>>) dst(%arg23 : memref<10000xf32, #tpu.memory_space<vmem>>)
      tpu.yield
    }) : () -> ()
    %dma_start3A_40 = arith.constant 0 : i32
    %dma_start3A_41 = tpu.memref_slice %arg12[%dma_start3A_40] : memref<100352xf32, #tpu.memory_space<vmem_shared>> -> memref<100352xf32, #tpu.memory_space<vmem_shared>>
    tpu.enqueue_indirect_dma source(%arg23 : memref<10000xf32, #tpu.memory_space<vmem>>) target(%dma_start3A_41 : memref<100352xf32, #tpu.memory_space<vmem_shared>>) offsets(%arg20 : memref<10000xi32, #tpu.memory_space<vmem>>) semaphore(%arg30 : memref<!tpu.dma_semaphore, #tpu.memory_space<semaphore_mem>>) {add = true}
    %dma_wait3A_42 = tpu.memref_slice %arg6[%add3A_35] : memref<1600000xi32, #tpu.memory_space<hbm>> -> memref<10000xi32, #tpu.memory_space<hbm>>
    %dma_wait3A_43 = tpu.memref_slice %arg6[%add3A_35] : memref<1600000xi32, #tpu.memory_space<hbm>> -> memref<10000xi32, #tpu.memory_space<hbm>>
    tpu.wait_dma2 semaphore(%arg27 : memref<!tpu.dma_semaphore, #tpu.memory_space<semaphore_mem>>) src(%dma_wait3A_43 : memref<10000xi32, #tpu.memory_space<hbm>>) dst(%arg19 : memref<10000xi32, #tpu.memory_space<vmem>>)
    %dma_wait3A_44 = tpu.memref_slice %arg7[%add3A_35] : memref<1600000xi32, #tpu.memory_space<hbm>> -> memref<10000xi32, #tpu.memory_space<hbm>>
    %dma_wait3A_45 = tpu.memref_slice %arg7[%add3A_35] : memref<1600000xi32, #tpu.memory_space<hbm>> -> memref<10000xi32, #tpu.memory_space<hbm>>
    tpu.wait_dma2 semaphore(%arg29 : memref<!tpu.dma_semaphore, #tpu.memory_space<semaphore_mem>>) src(%dma_wait3A_45 : memref<10000xi32, #tpu.memory_space<hbm>>) dst(%arg21 : memref<10000xi32, #tpu.memory_space<vmem>>)
    %add3A_46 = arith.constant 20000 : i32
    %add3A_47 = arith.addi %add3A, %add3A_46 : i32
    %dma_start3A_48 = tpu.memref_slice %arg6[%add3A_47] : memref<1600000xi32, #tpu.memory_space<hbm>> -> memref<10000xi32, #tpu.memory_space<hbm>>
    %dma_start3A_49 = tpu.memref_slice %arg6[%add3A_47] : memref<1600000xi32, #tpu.memory_space<hbm>> -> memref<10000xi32, #tpu.memory_space<hbm>>
    tpu.enqueue_dma source(%dma_start3A_49 : memref<10000xi32, #tpu.memory_space<hbm>>) target(%arg18 : memref<10000xi32, #tpu.memory_space<vmem>>) target_semaphore(%arg26 : memref<!tpu.dma_semaphore, #tpu.memory_space<semaphore_mem>>)
    %dma_start3A_50 = tpu.memref_slice %arg7[%add3A_47] : memref<1600000xi32, #tpu.memory_space<hbm>> -> memref<10000xi32, #tpu.memory_space<hbm>>
    %dma_start3A_51 = tpu.memref_slice %arg7[%add3A_47] : memref<1600000xi32, #tpu.memory_space<hbm>> -> memref<10000xi32, #tpu.memory_space<hbm>>
    tpu.enqueue_dma source(%dma_start3A_51 : memref<10000xi32, #tpu.memory_space<hbm>>) target(%arg22 : memref<10000xi32, #tpu.memory_space<vmem>>) target_semaphore(%arg28 : memref<!tpu.dma_semaphore, #tpu.memory_space<semaphore_mem>>)
    "tpu.region"() ({
      %run_scoped3A = tpu.sem_alloc : memref<!tpu.dma_semaphore, #tpu.memory_space<semaphore_mem>>
      %dma_start3A_105 = arith.constant 0 : i32
      %dma_start3A_106 = tpu.memref_slice %arg11[%dma_start3A_105] : memref<100352xf32, #tpu.memory_space<vmem_shared>> -> memref<100352xf32, #tpu.memory_space<vmem_shared>>
      tpu.enqueue_indirect_dma source(%dma_start3A_106 : memref<100352xf32, #tpu.memory_space<vmem_shared>>) target(%arg24 : memref<10000xf32, #tpu.memory_space<vmem>>) offsets(%arg19 : memref<10000xi32, #tpu.memory_space<vmem>>) semaphore(%run_scoped3A : memref<!tpu.dma_semaphore, #tpu.memory_space<semaphore_mem>>)
      %dma_wait3A_107 = arith.constant 0 : i32
      %dma_wait3A_108 = tpu.memref_slice %arg11[%dma_wait3A_107] : memref<100352xf32, #tpu.memory_space<vmem_shared>> -> memref<100352xf32, #tpu.memory_space<vmem_shared>>
      tpu.wait_indirect_dma semaphore(%run_scoped3A : memref<!tpu.dma_semaphore, #tpu.memory_space<semaphore_mem>>) src(%dma_wait3A_108 : memref<100352xf32, #tpu.memory_space<vmem_shared>>) dst(%arg24 : memref<10000xf32, #tpu.memory_space<vmem>>)
      tpu.yield
    }) : () -> ()
    %dma_start3A_52 = arith.constant 0 : i32
    %dma_start3A_53 = tpu.memref_slice %arg12[%dma_start3A_52] : memref<100352xf32, #tpu.memory_space<vmem_shared>> -> memref<100352xf32, #tpu.memory_space<vmem_shared>>
    tpu.enqueue_indirect_dma source(%arg24 : memref<10000xf32, #tpu.memory_space<vmem>>) target(%dma_start3A_53 : memref<100352xf32, #tpu.memory_space<vmem_shared>>) offsets(%arg21 : memref<10000xi32, #tpu.memory_space<vmem>>) semaphore(%arg31 : memref<!tpu.dma_semaphore, #tpu.memory_space<semaphore_mem>>) {add = true}
    %dma_wait3A_54 = arith.constant 0 : i32
    %dma_wait3A_55 = tpu.memref_slice %arg12[%dma_wait3A_54] : memref<100352xf32, #tpu.memory_space<vmem_shared>> -> memref<100352xf32, #tpu.memory_space<vmem_shared>>
    tpu.wait_indirect_dma semaphore(%arg30 : memref<!tpu.dma_semaphore, #tpu.memory_space<semaphore_mem>>) src(%arg23 : memref<10000xf32, #tpu.memory_space<vmem>>) dst(%dma_wait3A_55 : memref<100352xf32, #tpu.memory_space<vmem_shared>>)
    %dma_wait3A_56 = tpu.memref_slice %arg6[%add3A_47] : memref<1600000xi32, #tpu.memory_space<hbm>> -> memref<10000xi32, #tpu.memory_space<hbm>>
    %dma_wait3A_57 = tpu.memref_slice %arg6[%add3A_47] : memref<1600000xi32, #tpu.memory_space<hbm>> -> memref<10000xi32, #tpu.memory_space<hbm>>
    tpu.wait_dma2 semaphore(%arg26 : memref<!tpu.dma_semaphore, #tpu.memory_space<semaphore_mem>>) src(%dma_wait3A_57 : memref<10000xi32, #tpu.memory_space<hbm>>) dst(%arg18 : memref<10000xi32, #tpu.memory_space<vmem>>)
    %dma_wait3A_58 = tpu.memref_slice %arg7[%add3A_47] : memref<1600000xi32, #tpu.memory_space<hbm>> -> memref<10000xi32, #tpu.memory_space<hbm>>
    %dma_wait3A_59 = tpu.memref_slice %arg7[%add3A_47] : memref<1600000xi32, #tpu.memory_space<hbm>> -> memref<10000xi32, #tpu.memory_space<hbm>>
    tpu.wait_dma2 semaphore(%arg28 : memref<!tpu.dma_semaphore, #tpu.memory_space<semaphore_mem>>) src(%dma_wait3A_59 : memref<10000xi32, #tpu.memory_space<hbm>>) dst(%arg22 : memref<10000xi32, #tpu.memory_space<vmem>>)
    %add3A_60 = arith.constant 30000 : i32
    %add3A_61 = arith.addi %add3A, %add3A_60 : i32
    %dma_start3A_62 = tpu.memref_slice %arg6[%add3A_61] : memref<1600000xi32, #tpu.memory_space<hbm>> -> memref<10000xi32, #tpu.memory_space<hbm>>
    %dma_start3A_63 = tpu.memref_slice %arg6[%add3A_61] : memref<1600000xi32, #tpu.memory_space<hbm>> -> memref<10000xi32, #tpu.memory_space<hbm>>
    tpu.enqueue_dma source(%dma_start3A_63 : memref<10000xi32, #tpu.memory_space<hbm>>) target(%arg19 : memref<10000xi32, #tpu.memory_space<vmem>>) target_semaphore(%arg27 : memref<!tpu.dma_semaphore, #tpu.memory_space<semaphore_mem>>)
    %dma_start3A_64 = tpu.memref_slice %arg7[%add3A_61] : memref<1600000xi32, #tpu.memory_space<hbm>> -> memref<10000xi32, #tpu.memory_space<hbm>>
    %dma_start3A_65 = tpu.memref_slice %arg7[%add3A_61] : memref<1600000xi32, #tpu.memory_space<hbm>> -> memref<10000xi32, #tpu.memory_space<hbm>>
    tpu.enqueue_dma source(%dma_start3A_65 : memref<10000xi32, #tpu.memory_space<hbm>>) target(%arg20 : memref<10000xi32, #tpu.memory_space<vmem>>) target_semaphore(%arg29 : memref<!tpu.dma_semaphore, #tpu.memory_space<semaphore_mem>>)
    "tpu.region"() ({
      %run_scoped3A = tpu.sem_alloc : memref<!tpu.dma_semaphore, #tpu.memory_space<semaphore_mem>>
      %dma_start3A_105 = arith.constant 0 : i32
      %dma_start3A_106 = tpu.memref_slice %arg11[%dma_start3A_105] : memref<100352xf32, #tpu.memory_space<vmem_shared>> -> memref<100352xf32, #tpu.memory_space<vmem_shared>>
      tpu.enqueue_indirect_dma source(%dma_start3A_106 : memref<100352xf32, #tpu.memory_space<vmem_shared>>) target(%arg25 : memref<10000xf32, #tpu.memory_space<vmem>>) offsets(%arg18 : memref<10000xi32, #tpu.memory_space<vmem>>) semaphore(%run_scoped3A : memref<!tpu.dma_semaphore, #tpu.memory_space<semaphore_mem>>)
      %dma_wait3A_107 = arith.constant 0 : i32
      %dma_wait3A_108 = tpu.memref_slice %arg11[%dma_wait3A_107] : memref<100352xf32, #tpu.memory_space<vmem_shared>> -> memref<100352xf32, #tpu.memory_space<vmem_shared>>
      tpu.wait_indirect_dma semaphore(%run_scoped3A : memref<!tpu.dma_semaphore, #tpu.memory_space<semaphore_mem>>) src(%dma_wait3A_108 : memref<100352xf32, #tpu.memory_space<vmem_shared>>) dst(%arg25 : memref<10000xf32, #tpu.memory_space<vmem>>)
      tpu.yield
    }) : () -> ()
    %dma_start3A_66 = arith.constant 0 : i32
    %dma_start3A_67 = tpu.memref_slice %arg12[%dma_start3A_66] : memref<100352xf32, #tpu.memory_space<vmem_shared>> -> memref<100352xf32, #tpu.memory_space<vmem_shared>>
    tpu.enqueue_indirect_dma source(%arg25 : memref<10000xf32, #tpu.memory_space<vmem>>) target(%dma_start3A_67 : memref<100352xf32, #tpu.memory_space<vmem_shared>>) offsets(%arg22 : memref<10000xi32, #tpu.memory_space<vmem>>) semaphore(%arg32 : memref<!tpu.dma_semaphore, #tpu.memory_space<semaphore_mem>>) {add = true}
    %dma_wait3A_68 = arith.constant 0 : i32
    %dma_wait3A_69 = tpu.memref_slice %arg12[%dma_wait3A_68] : memref<100352xf32, #tpu.memory_space<vmem_shared>> -> memref<100352xf32, #tpu.memory_space<vmem_shared>>
    tpu.wait_indirect_dma semaphore(%arg31 : memref<!tpu.dma_semaphore, #tpu.memory_space<semaphore_mem>>) src(%arg24 : memref<10000xf32, #tpu.memory_space<vmem>>) dst(%dma_wait3A_69 : memref<100352xf32, #tpu.memory_space<vmem_shared>>)
    %dma_wait3A_70 = tpu.memref_slice %arg6[%add3A_61] : memref<1600000xi32, #tpu.memory_space<hbm>> -> memref<10000xi32, #tpu.memory_space<hbm>>
    %dma_wait3A_71 = tpu.memref_slice %arg6[%add3A_61] : memref<1600000xi32, #tpu.memory_space<hbm>> -> memref<10000xi32, #tpu.memory_space<hbm>>
    tpu.wait_dma2 semaphore(%arg27 : memref<!tpu.dma_semaphore, #tpu.memory_space<semaphore_mem>>) src(%dma_wait3A_71 : memref<10000xi32, #tpu.memory_space<hbm>>) dst(%arg19 : memref<10000xi32, #tpu.memory_space<vmem>>)
    %dma_wait3A_72 = tpu.memref_slice %arg7[%add3A_61] : memref<1600000xi32, #tpu.memory_space<hbm>> -> memref<10000xi32, #tpu.memory_space<hbm>>
    %dma_wait3A_73 = tpu.memref_slice %arg7[%add3A_61] : memref<1600000xi32, #tpu.memory_space<hbm>> -> memref<10000xi32, #tpu.memory_space<hbm>>
    tpu.wait_dma2 semaphore(%arg29 : memref<!tpu.dma_semaphore, #tpu.memory_space<semaphore_mem>>) src(%dma_wait3A_73 : memref<10000xi32, #tpu.memory_space<hbm>>) dst(%arg20 : memref<10000xi32, #tpu.memory_space<vmem>>)
    %add3A_74 = arith.constant 40000 : i32
    %add3A_75 = arith.addi %add3A, %add3A_74 : i32
    %dma_start3A_76 = tpu.memref_slice %arg6[%add3A_75] : memref<1600000xi32, #tpu.memory_space<hbm>> -> memref<10000xi32, #tpu.memory_space<hbm>>
    %dma_start3A_77 = tpu.memref_slice %arg6[%add3A_75] : memref<1600000xi32, #tpu.memory_space<hbm>> -> memref<10000xi32, #tpu.memory_space<hbm>>
    tpu.enqueue_dma source(%dma_start3A_77 : memref<10000xi32, #tpu.memory_space<hbm>>) target(%arg18 : memref<10000xi32, #tpu.memory_space<vmem>>) target_semaphore(%arg26 : memref<!tpu.dma_semaphore, #tpu.memory_space<semaphore_mem>>)
    %dma_start3A_78 = tpu.memref_slice %arg7[%add3A_75] : memref<1600000xi32, #tpu.memory_space<hbm>> -> memref<10000xi32, #tpu.memory_space<hbm>>
    %dma_start3A_79 = tpu.memref_slice %arg7[%add3A_75] : memref<1600000xi32, #tpu.memory_space<hbm>> -> memref<10000xi32, #tpu.memory_space<hbm>>
    tpu.enqueue_dma source(%dma_start3A_79 : memref<10000xi32, #tpu.memory_space<hbm>>) target(%arg21 : memref<10000xi32, #tpu.memory_space<vmem>>) target_semaphore(%arg28 : memref<!tpu.dma_semaphore, #tpu.memory_space<semaphore_mem>>)
    "tpu.region"() ({
      %run_scoped3A = tpu.sem_alloc : memref<!tpu.dma_semaphore, #tpu.memory_space<semaphore_mem>>
      %dma_start3A_105 = arith.constant 0 : i32
      %dma_start3A_106 = tpu.memref_slice %arg11[%dma_start3A_105] : memref<100352xf32, #tpu.memory_space<vmem_shared>> -> memref<100352xf32, #tpu.memory_space<vmem_shared>>
      tpu.enqueue_indirect_dma source(%dma_start3A_106 : memref<100352xf32, #tpu.memory_space<vmem_shared>>) target(%arg23 : memref<10000xf32, #tpu.memory_space<vmem>>) offsets(%arg19 : memref<10000xi32, #tpu.memory_space<vmem>>) semaphore(%run_scoped3A : memref<!tpu.dma_semaphore, #tpu.memory_space<semaphore_mem>>)
      %dma_wait3A_107 = arith.constant 0 : i32
      %dma_wait3A_108 = tpu.memref_slice %arg11[%dma_wait3A_107] : memref<100352xf32, #tpu.memory_space<vmem_shared>> -> memref<100352xf32, #tpu.memory_space<vmem_shared>>
      tpu.wait_indirect_dma semaphore(%run_scoped3A : memref<!tpu.dma_semaphore, #tpu.memory_space<semaphore_mem>>) src(%dma_wait3A_108 : memref<100352xf32, #tpu.memory_space<vmem_shared>>) dst(%arg23 : memref<10000xf32, #tpu.memory_space<vmem>>)
      tpu.yield
    }) : () -> ()
    %dma_start3A_80 = arith.constant 0 : i32
    %dma_start3A_81 = tpu.memref_slice %arg12[%dma_start3A_80] : memref<100352xf32, #tpu.memory_space<vmem_shared>> -> memref<100352xf32, #tpu.memory_space<vmem_shared>>
    tpu.enqueue_indirect_dma source(%arg23 : memref<10000xf32, #tpu.memory_space<vmem>>) target(%dma_start3A_81 : memref<100352xf32, #tpu.memory_space<vmem_shared>>) offsets(%arg20 : memref<10000xi32, #tpu.memory_space<vmem>>) semaphore(%arg30 : memref<!tpu.dma_semaphore, #tpu.memory_space<semaphore_mem>>) {add = true}
    %dma_wait3A_82 = arith.constant 0 : i32
    %dma_wait3A_83 = tpu.memref_slice %arg12[%dma_wait3A_82] : memref<100352xf32, #tpu.memory_space<vmem_shared>> -> memref<100352xf32, #tpu.memory_space<vmem_shared>>
    tpu.wait_indirect_dma semaphore(%arg32 : memref<!tpu.dma_semaphore, #tpu.memory_space<semaphore_mem>>) src(%arg25 : memref<10000xf32, #tpu.memory_space<vmem>>) dst(%dma_wait3A_83 : memref<100352xf32, #tpu.memory_space<vmem_shared>>)
    %dma_wait3A_84 = tpu.memref_slice %arg6[%add3A_75] : memref<1600000xi32, #tpu.memory_space<hbm>> -> memref<10000xi32, #tpu.memory_space<hbm>>
    %dma_wait3A_85 = tpu.memref_slice %arg6[%add3A_75] : memref<1600000xi32, #tpu.memory_space<hbm>> -> memref<10000xi32, #tpu.memory_space<hbm>>
    tpu.wait_dma2 semaphore(%arg26 : memref<!tpu.dma_semaphore, #tpu.memory_space<semaphore_mem>>) src(%dma_wait3A_85 : memref<10000xi32, #tpu.memory_space<hbm>>) dst(%arg18 : memref<10000xi32, #tpu.memory_space<vmem>>)
    %dma_wait3A_86 = tpu.memref_slice %arg7[%add3A_75] : memref<1600000xi32, #tpu.memory_space<hbm>> -> memref<10000xi32, #tpu.memory_space<hbm>>
    %dma_wait3A_87 = tpu.memref_slice %arg7[%add3A_75] : memref<1600000xi32, #tpu.memory_space<hbm>> -> memref<10000xi32, #tpu.memory_space<hbm>>
    tpu.wait_dma2 semaphore(%arg28 : memref<!tpu.dma_semaphore, #tpu.memory_space<semaphore_mem>>) src(%dma_wait3A_87 : memref<10000xi32, #tpu.memory_space<hbm>>) dst(%arg21 : memref<10000xi32, #tpu.memory_space<vmem>>)
    "tpu.region"() ({
      %run_scoped3A = tpu.sem_alloc : memref<!tpu.dma_semaphore, #tpu.memory_space<semaphore_mem>>
      %dma_start3A_105 = arith.constant 0 : i32
      %dma_start3A_106 = tpu.memref_slice %arg11[%dma_start3A_105] : memref<100352xf32, #tpu.memory_space<vmem_shared>> -> memref<100352xf32, #tpu.memory_space<vmem_shared>>
      tpu.enqueue_indirect_dma source(%dma_start3A_106 : memref<100352xf32, #tpu.memory_space<vmem_shared>>) target(%arg24 : memref<10000xf32, #tpu.memory_space<vmem>>) offsets(%arg18 : memref<10000xi32, #tpu.memory_space<vmem>>) semaphore(%run_scoped3A : memref<!tpu.dma_semaphore, #tpu.memory_space<semaphore_mem>>)
      %dma_wait3A_107 = arith.constant 0 : i32
      %dma_wait3A_108 = tpu.memref_slice %arg11[%dma_wait3A_107] : memref<100352xf32, #tpu.memory_space<vmem_shared>> -> memref<100352xf32, #tpu.memory_space<vmem_shared>>
      tpu.wait_indirect_dma semaphore(%run_scoped3A : memref<!tpu.dma_semaphore, #tpu.memory_space<semaphore_mem>>) src(%dma_wait3A_108 : memref<100352xf32, #tpu.memory_space<vmem_shared>>) dst(%arg24 : memref<10000xf32, #tpu.memory_space<vmem>>)
      tpu.yield
    }) : () -> ()
    %dma_start3A_88 = arith.constant 0 : i32
    %dma_start3A_89 = tpu.memref_slice %arg12[%dma_start3A_88] : memref<100352xf32, #tpu.memory_space<vmem_shared>> -> memref<100352xf32, #tpu.memory_space<vmem_shared>>
    tpu.enqueue_indirect_dma source(%arg24 : memref<10000xf32, #tpu.memory_space<vmem>>) target(%dma_start3A_89 : memref<100352xf32, #tpu.memory_space<vmem_shared>>) offsets(%arg21 : memref<10000xi32, #tpu.memory_space<vmem>>) semaphore(%arg31 : memref<!tpu.dma_semaphore, #tpu.memory_space<semaphore_mem>>) {add = true}
    %dma_wait3A_90 = arith.constant 0 : i32
    %dma_wait3A_91 = tpu.memref_slice %arg12[%dma_wait3A_90] : memref<100352xf32, #tpu.memory_space<vmem_shared>> -> memref<100352xf32, #tpu.memory_space<vmem_shared>>
    tpu.wait_indirect_dma semaphore(%arg30 : memref<!tpu.dma_semaphore, #tpu.memory_space<semaphore_mem>>) src(%arg23 : memref<10000xf32, #tpu.memory_space<vmem>>) dst(%dma_wait3A_91 : memref<100352xf32, #tpu.memory_space<vmem_shared>>)
    %dma_wait3A_92 = arith.constant 0 : i32
    %dma_wait3A_93 = tpu.memref_slice %arg12[%dma_wait3A_92] : memref<100352xf32, #tpu.memory_space<vmem_shared>> -> memref<100352xf32, #tpu.memory_space<vmem_shared>>
    tpu.wait_indirect_dma semaphore(%arg31 : memref<!tpu.dma_semaphore, #tpu.memory_space<semaphore_mem>>) src(%arg24 : memref<10000xf32, #tpu.memory_space<vmem>>) dst(%dma_wait3A_93 : memref<100352xf32, #tpu.memory_space<vmem_shared>>)
    %barrier3A_94 = arith.constant 0 : index
    tpu.barrier barrier_id(%barrier3A_94)
    "tpu.region"() ({
      %run_scoped3A = tpu.sem_alloc : memref<!tpu.dma_semaphore, #tpu.memory_space<semaphore_mem>>
      %dma_start3A_105 = tpu.memref_slice %arg12[%mul3A_0] : memref<100352xf32, #tpu.memory_space<vmem_shared>> -> memref<6272xf32, #tpu.memory_space<vmem_shared>>
      %dma_start3A_106 = tpu.memref_slice %arg12[%mul3A_0] : memref<100352xf32, #tpu.memory_space<vmem_shared>> -> memref<6272xf32, #tpu.memory_space<vmem_shared>>
      tpu.enqueue_dma source(%dma_start3A_106 : memref<6272xf32, #tpu.memory_space<vmem_shared>>) target(%arg16 : memref<6272xf32, #tpu.memory_space<vmem>>) target_semaphore(%run_scoped3A : memref<!tpu.dma_semaphore, #tpu.memory_space<semaphore_mem>>)
      %dma_wait3A_107 = tpu.memref_slice %arg12[%mul3A_0] : memref<100352xf32, #tpu.memory_space<vmem_shared>> -> memref<6272xf32, #tpu.memory_space<vmem_shared>>
      %dma_wait3A_108 = tpu.memref_slice %arg12[%mul3A_0] : memref<100352xf32, #tpu.memory_space<vmem_shared>> -> memref<6272xf32, #tpu.memory_space<vmem_shared>>
      tpu.wait_dma2 semaphore(%run_scoped3A : memref<!tpu.dma_semaphore, #tpu.memory_space<semaphore_mem>>) src(%dma_wait3A_108 : memref<6272xf32, #tpu.memory_space<vmem_shared>>) dst(%arg16 : memref<6272xf32, #tpu.memory_space<vmem>>)
      tpu.yield
    }) : () -> ()
    %eq3A_95 = arith.constant 0 : i32
    %eq3A_96 = arith.cmpi eq, %arg0, %eq3A_95 : i32
    %convert_element_type3A_97 = arith.extui %eq3A_96 : i1 to i32
    %cond3A_98 = arith.constant 0 : i32
    %cond3A_99 = arith.cmpi ne, %convert_element_type3A_97, %cond3A_98 : i32
    scf.if %cond3A_99 {
      "tpu.region"() ({
        %run_scoped3A = tpu.sem_alloc : memref<!tpu.dma_semaphore, #tpu.memory_space<semaphore_mem>>
        %dma_start3A_105 = tpu.memref_slice %arg8[%mul3A_0] : memref<100352xf32, #tpu.memory_space<hbm>> -> memref<6272xf32, #tpu.memory_space<hbm>>
        %dma_start3A_106 = tpu.memref_slice %arg8[%mul3A_0] : memref<100352xf32, #tpu.memory_space<hbm>> -> memref<6272xf32, #tpu.memory_space<hbm>>
        tpu.enqueue_dma source(%arg16 : memref<6272xf32, #tpu.memory_space<vmem>>) target(%dma_start3A_106 : memref<6272xf32, #tpu.memory_space<hbm>>) target_semaphore(%run_scoped3A : memref<!tpu.dma_semaphore, #tpu.memory_space<semaphore_mem>>)
        %dma_wait3A_107 = tpu.memref_slice %arg8[%mul3A_0] : memref<100352xf32, #tpu.memory_space<hbm>> -> memref<6272xf32, #tpu.memory_space<hbm>>
        %dma_wait3A_108 = tpu.memref_slice %arg8[%mul3A_0] : memref<100352xf32, #tpu.memory_space<hbm>> -> memref<6272xf32, #tpu.memory_space<hbm>>
        tpu.wait_dma2 semaphore(%run_scoped3A : memref<!tpu.dma_semaphore, #tpu.memory_space<semaphore_mem>>) src(%arg16 : memref<6272xf32, #tpu.memory_space<vmem>>) dst(%dma_wait3A_108 : memref<6272xf32, #tpu.memory_space<hbm>>)
        tpu.yield
      }) : () -> ()
    } else {
    }
    %eq3A_100 = arith.constant 1 : i32
    %eq3A_101 = arith.cmpi eq, %arg0, %eq3A_100 : i32
    %convert_element_type3A_102 = arith.extui %eq3A_101 : i1 to i32
    %cond3A_103 = arith.constant 0 : i32
    %cond3A_104 = arith.cmpi ne, %convert_element_type3A_102, %cond3A_103 : i32
    scf.if %cond3A_104 {
      "tpu.region"() ({
        %run_scoped3A = tpu.sem_alloc : memref<!tpu.dma_semaphore, #tpu.memory_space<semaphore_mem>>
        %dma_start3A_105 = tpu.memref_slice %arg9[%mul3A_0] : memref<100352xf32, #tpu.memory_space<hbm>> -> memref<6272xf32, #tpu.memory_space<hbm>>
        %dma_start3A_106 = tpu.memref_slice %arg9[%mul3A_0] : memref<100352xf32, #tpu.memory_space<hbm>> -> memref<6272xf32, #tpu.memory_space<hbm>>
        tpu.enqueue_dma source(%arg16 : memref<6272xf32, #tpu.memory_space<vmem>>) target(%dma_start3A_106 : memref<6272xf32, #tpu.memory_space<hbm>>) target_semaphore(%run_scoped3A : memref<!tpu.dma_semaphore, #tpu.memory_space<semaphore_mem>>)
        %dma_wait3A_107 = tpu.memref_slice %arg9[%mul3A_0] : memref<100352xf32, #tpu.memory_space<hbm>> -> memref<6272xf32, #tpu.memory_space<hbm>>
        %dma_wait3A_108 = tpu.memref_slice %arg9[%mul3A_0] : memref<100352xf32, #tpu.memory_space<hbm>> -> memref<6272xf32, #tpu.memory_space<hbm>>
        tpu.wait_dma2 semaphore(%run_scoped3A : memref<!tpu.dma_semaphore, #tpu.memory_space<semaphore_mem>>) src(%arg16 : memref<6272xf32, #tpu.memory_space<vmem>>) dst(%dma_wait3A_108 : memref<6272xf32, #tpu.memory_space<hbm>>)
        tpu.yield
      }) : () -> ()
    } else {
    }
    return
  }
}

#map = affine_map<(d0, d1) -> (0)>
module attributes {stable_mosaic.version = 14 : i64} {
  func.func @_mp_body(%arg0: i32, %arg1: i32, %arg2: memref<100352xf32, #tpu.memory_space<hbm>>, %arg3: memref<100352xf32, #tpu.memory_space<hbm>>, %arg4: memref<100352xf32, #tpu.memory_space<hbm>>, %arg5: memref<48xf32, #tpu.memory_space<hbm>>, %arg6: memref<1600000xi32, #tpu.memory_space<hbm>>, %arg7: memref<1600000xi32, #tpu.memory_space<hbm>>, %arg8: memref<100352xf32, #tpu.memory_space<hbm>>, %arg9: memref<100352xf32, #tpu.memory_space<hbm>>, %arg10: memref<100352xf32, #tpu.memory_space<hbm>>, %arg11: memref<100352xf32, #tpu.memory_space<vmem_shared>>, %arg12: memref<100352xf32, #tpu.memory_space<vmem_shared>>, %arg13: memref<6272xf32, #tpu.memory_space<vmem>>, %arg14: memref<6272xf32, #tpu.memory_space<vmem>>, %arg15: memref<6272xf32, #tpu.memory_space<vmem>>, %arg16: memref<6272xf32, #tpu.memory_space<vmem>>, %arg17: memref<48xf32, #tpu.memory_space<vmem>>, %arg18: memref<10000xi32, #tpu.memory_space<vmem>>, %arg19: memref<10000xi32, #tpu.memory_space<vmem>>, %arg20: memref<10000xi32, #tpu.memory_space<vmem>>, %arg21: memref<10000xi32, #tpu.memory_space<vmem>>, %arg22: memref<10000xi32, #tpu.memory_space<vmem>>, %arg23: memref<10000xf32, #tpu.memory_space<vmem>>, %arg24: memref<10000xf32, #tpu.memory_space<vmem>>, %arg25: memref<10000xf32, #tpu.memory_space<vmem>>, %arg26: memref<!tpu.dma_semaphore, #tpu.memory_space<semaphore_mem>>, %arg27: memref<!tpu.dma_semaphore, #tpu.memory_space<semaphore_mem>>, %arg28: memref<!tpu.dma_semaphore, #tpu.memory_space<semaphore_mem>>, %arg29: memref<!tpu.dma_semaphore, #tpu.memory_space<semaphore_mem>>, %arg30: memref<!tpu.dma_semaphore, #tpu.memory_space<semaphore_mem>>, %arg31: memref<!tpu.dma_semaphore, #tpu.memory_space<semaphore_mem>>, %arg32: memref<!tpu.dma_semaphore, #tpu.memory_space<semaphore_mem>>) attributes {dimension_semantics = [#tpu.dimension_semantics<core_parallel>, #tpu.dimension_semantics<subcore_parallel>], iteration_bounds = array<i64: 2, 16>, scalar_prefetch = 0 : i64, scratch_operands = 22 : i64, tpu.core_type = #tpu.core_type<sc_vector_subcore>, window_params = [{transform_indices = #map}, {transform_indices = #map}, {transform_indices = #map}, {transform_indices = #map}, {transform_indices = #map}, {transform_indices = #map}, {transform_indices = #map}, {transform_indices = #map}, {transform_indices = #map}]} {
    %mul3A = arith.constant 6272 : i32
    %mul3A_0 = arith.muli %arg1, %mul3A : i32
    "tpu.region"() ({
      %run_scoped3A = tpu.sem_alloc : memref<!tpu.dma_semaphore, #tpu.memory_space<semaphore_mem>>
      %dma_start3A_105 = tpu.memref_slice %arg2[%mul3A_0] : memref<100352xf32, #tpu.memory_space<hbm>> -> memref<6272xf32, #tpu.memory_space<hbm>>
      %dma_start3A_106 = tpu.memref_slice %arg2[%mul3A_0] : memref<100352xf32, #tpu.memory_space<hbm>> -> memref<6272xf32, #tpu.memory_space<hbm>>
      tpu.enqueue_dma source(%dma_start3A_106 : memref<6272xf32, #tpu.memory_space<hbm>>) target(%arg13 : memref<6272xf32, #tpu.memory_space<vmem>>) target_semaphore(%run_scoped3A : memref<!tpu.dma_semaphore, #tpu.memory_space<semaphore_mem>>)
      %dma_wait3A_107 = tpu.memref_slice %arg2[%mul3A_0] : memref<100352xf32, #tpu.memory_space<hbm>> -> memref<6272xf32, #tpu.memory_space<hbm>>
      %dma_wait3A_108 = tpu.memref_slice %arg2[%mul3A_0] : memref<100352xf32, #tpu.memory_space<hbm>> -> memref<6272xf32, #tpu.memory_space<hbm>>
      tpu.wait_dma2 semaphore(%run_scoped3A : memref<!tpu.dma_semaphore, #tpu.memory_space<semaphore_mem>>) src(%dma_wait3A_108 : memref<6272xf32, #tpu.memory_space<hbm>>) dst(%arg13 : memref<6272xf32, #tpu.memory_space<vmem>>)
      tpu.yield
    }) : () -> ()
    "tpu.region"() ({
      %run_scoped3A = tpu.sem_alloc : memref<!tpu.dma_semaphore, #tpu.memory_space<semaphore_mem>>
      %dma_start3A_105 = tpu.memref_slice %arg3[%mul3A_0] : memref<100352xf32, #tpu.memory_space<hbm>> -> memref<6272xf32, #tpu.memory_space<hbm>>
      %dma_start3A_106 = tpu.memref_slice %arg3[%mul3A_0] : memref<100352xf32, #tpu.memory_space<hbm>> -> memref<6272xf32, #tpu.memory_space<hbm>>
      tpu.enqueue_dma source(%dma_start3A_106 : memref<6272xf32, #tpu.memory_space<hbm>>) target(%arg14 : memref<6272xf32, #tpu.memory_space<vmem>>) target_semaphore(%run_scoped3A : memref<!tpu.dma_semaphore, #tpu.memory_space<semaphore_mem>>)
      %dma_wait3A_107 = tpu.memref_slice %arg3[%mul3A_0] : memref<100352xf32, #tpu.memory_space<hbm>> -> memref<6272xf32, #tpu.memory_space<hbm>>
      %dma_wait3A_108 = tpu.memref_slice %arg3[%mul3A_0] : memref<100352xf32, #tpu.memory_space<hbm>> -> memref<6272xf32, #tpu.memory_space<hbm>>
      tpu.wait_dma2 semaphore(%run_scoped3A : memref<!tpu.dma_semaphore, #tpu.memory_space<semaphore_mem>>) src(%dma_wait3A_108 : memref<6272xf32, #tpu.memory_space<hbm>>) dst(%arg14 : memref<6272xf32, #tpu.memory_space<vmem>>)
      tpu.yield
    }) : () -> ()
    "tpu.region"() ({
      %run_scoped3A = tpu.sem_alloc : memref<!tpu.dma_semaphore, #tpu.memory_space<semaphore_mem>>
      %dma_start3A_105 = tpu.memref_slice %arg4[%mul3A_0] : memref<100352xf32, #tpu.memory_space<hbm>> -> memref<6272xf32, #tpu.memory_space<hbm>>
      %dma_start3A_106 = tpu.memref_slice %arg4[%mul3A_0] : memref<100352xf32, #tpu.memory_space<hbm>> -> memref<6272xf32, #tpu.memory_space<hbm>>
      tpu.enqueue_dma source(%dma_start3A_106 : memref<6272xf32, #tpu.memory_space<hbm>>) target(%arg15 : memref<6272xf32, #tpu.memory_space<vmem>>) target_semaphore(%run_scoped3A : memref<!tpu.dma_semaphore, #tpu.memory_space<semaphore_mem>>)
      %dma_wait3A_107 = tpu.memref_slice %arg4[%mul3A_0] : memref<100352xf32, #tpu.memory_space<hbm>> -> memref<6272xf32, #tpu.memory_space<hbm>>
      %dma_wait3A_108 = tpu.memref_slice %arg4[%mul3A_0] : memref<100352xf32, #tpu.memory_space<hbm>> -> memref<6272xf32, #tpu.memory_space<hbm>>
      tpu.wait_dma2 semaphore(%run_scoped3A : memref<!tpu.dma_semaphore, #tpu.memory_space<semaphore_mem>>) src(%dma_wait3A_108 : memref<6272xf32, #tpu.memory_space<hbm>>) dst(%arg15 : memref<6272xf32, #tpu.memory_space<vmem>>)
      tpu.yield
    }) : () -> ()
    "tpu.region"() ({
      %run_scoped3A = tpu.sem_alloc : memref<!tpu.dma_semaphore, #tpu.memory_space<semaphore_mem>>
      tpu.enqueue_dma source(%arg5 : memref<48xf32, #tpu.memory_space<hbm>>) target(%arg17 : memref<48xf32, #tpu.memory_space<vmem>>) target_semaphore(%run_scoped3A : memref<!tpu.dma_semaphore, #tpu.memory_space<semaphore_mem>>)
      tpu.wait_dma2 semaphore(%run_scoped3A : memref<!tpu.dma_semaphore, #tpu.memory_space<semaphore_mem>>) src(%arg5 : memref<48xf32, #tpu.memory_space<hbm>>) dst(%arg17 : memref<48xf32, #tpu.memory_space<vmem>>)
      tpu.yield
    }) : () -> ()
    %get3A = arith.constant 0 : index
    %get3A_1 = tpu.vector_load %arg17[%get3A] {strides = array<i32>} : memref<48xf32, #tpu.memory_space<vmem>>, vector<16xf32>,
    %get3A_2 = vector.shape_cast %get3A_1 : vector<16xf32> to vector<16xf32>
    %get3A_3 = arith.constant 16 : index
    %get3A_4 = tpu.vector_load %arg17[%get3A_3] {strides = array<i32>} : memref<48xf32, #tpu.memory_space<vmem>>, vector<16xf32>,
    %get3A_5 = vector.shape_cast %get3A_4 : vector<16xf32> to vector<16xf32>
    %get3A_6 = arith.constant 32 : index
    %get3A_7 = tpu.vector_load %arg17[%get3A_6] {strides = array<i32>} : memref<48xf32, #tpu.memory_space<vmem>>, vector<16xf32>,
    %get3A_8 = vector.shape_cast %get3A_7 : vector<16xf32> to vector<16xf32>
    %scan3A = arith.constant 0 : i32
    %scan3A_9 = arith.constant 0 : i32
    %scan3A_10 = arith.constant 392 : i32
    %scan3A_11 = arith.addi %scan3A_9, %scan3A_10 : i32
    %scan3A_12 = arith.constant 1 : i32
    scf.for %scan3A_105 = %scan3A_9 to %scan3A_11 step %scan3A_12  : i32 {
      %mul3A_106 = arith.constant 16 : i32
      %mul3A_107 = arith.muli %scan3A_105, %mul3A_106 : i32
      %get3A_108 = arith.index_cast %mul3A_107 : i32 to index
      %get3A_109 = tpu.vector_load %arg13[%get3A_108] {strides = array<i32>} : memref<6272xf32, #tpu.memory_space<vmem>>, vector<16xf32>,
      %get3A_110 = vector.shape_cast %get3A_109 : vector<16xf32> to vector<16xf32>
      %get3A_111 = arith.index_cast %mul3A_107 : i32 to index
      %get3A_112 = tpu.vector_load %arg14[%get3A_111] {strides = array<i32>} : memref<6272xf32, #tpu.memory_space<vmem>>, vector<16xf32>,
      %get3A_113 = vector.shape_cast %get3A_112 : vector<16xf32> to vector<16xf32>
      %add3A_114 = arith.addf %get3A_110, %get3A_113 : vector<16xf32>
      %mul3A_115 = arith.mulf %get3A_2, %add3A_114 : vector<16xf32>
      %add3A_116 = arith.addf %mul3A_115, %get3A_5 : vector<16xf32>
      %get3A_117 = arith.index_cast %mul3A_107 : i32 to index
      %get3A_118 = tpu.vector_load %arg15[%get3A_117] {strides = array<i32>} : memref<6272xf32, #tpu.memory_space<vmem>>, vector<16xf32>,
      %get3A_119 = vector.shape_cast %get3A_118 : vector<16xf32> to vector<16xf32>
      %mul3A_120 = arith.mulf %get3A_8, %get3A_119 : vector<16xf32>
      %add3A_121 = arith.addf %add3A_116, %mul3A_120 : vector<16xf32>
      %max3A = arith.constant 0.000000e+00 : f32
      %max3A_122 = vector.broadcast %max3A : f32 to vector<16xf32>
      %max3A_123 = arith.maximumf %add3A_121, %max3A_122 : vector<16xf32>
      %swap3A = arith.index_cast %mul3A_107 : i32 to index
      %swap3A_124 = tpu.vector_load %arg16[%swap3A] {strides = array<i32>} : memref<6272xf32, #tpu.memory_space<vmem>>, vector<16xf32>,
      %swap3A_125 = vector.shape_cast %swap3A_124 : vector<16xf32> to vector<16xf32>
      %swap3A_126 = vector.shape_cast %max3A_123 : vector<16xf32> to vector<16xf32>
      tpu.vector_store %arg16[%swap3A], %swap3A_126 {strides = array<i32>} : memref<6272xf32, #tpu.memory_space<vmem>>, vector<16xf32>,
    }
    %scan3A_13 = arith.constant 392 : i32
    "tpu.region"() ({
      %run_scoped3A = tpu.sem_alloc : memref<!tpu.dma_semaphore, #tpu.memory_space<semaphore_mem>>
      %dma_start3A_105 = tpu.memref_slice %arg11[%mul3A_0] : memref<100352xf32, #tpu.memory_space<vmem_shared>> -> memref<6272xf32, #tpu.memory_space<vmem_shared>>
      %dma_start3A_106 = tpu.memref_slice %arg11[%mul3A_0] : memref<100352xf32, #tpu.memory_space<vmem_shared>> -> memref<6272xf32, #tpu.memory_space<vmem_shared>>
      tpu.enqueue_dma source(%arg16 : memref<6272xf32, #tpu.memory_space<vmem>>) target(%dma_start3A_106 : memref<6272xf32, #tpu.memory_space<vmem_shared>>) target_semaphore(%run_scoped3A : memref<!tpu.dma_semaphore, #tpu.memory_space<semaphore_mem>>)
      %dma_wait3A_107 = tpu.memref_slice %arg11[%mul3A_0] : memref<100352xf32, #tpu.memory_space<vmem_shared>> -> memref<6272xf32, #tpu.memory_space<vmem_shared>>
      %dma_wait3A_108 = tpu.memref_slice %arg11[%mul3A_0] : memref<100352xf32, #tpu.memory_space<vmem_shared>> -> memref<6272xf32, #tpu.memory_space<vmem_shared>>
      tpu.wait_dma2 semaphore(%run_scoped3A : memref<!tpu.dma_semaphore, #tpu.memory_space<semaphore_mem>>) src(%arg16 : memref<6272xf32, #tpu.memory_space<vmem>>) dst(%dma_wait3A_108 : memref<6272xf32, #tpu.memory_space<vmem_shared>>)
      tpu.yield
    }) : () -> ()
    %eq3A = arith.constant 0 : i32
    %eq3A_14 = arith.cmpi eq, %arg0, %eq3A : i32
    %convert_element_type3A = arith.extui %eq3A_14 : i1 to i32
    %cond3A = arith.constant 0 : i32
    %cond3A_15 = arith.cmpi ne, %convert_element_type3A, %cond3A : i32
    scf.if %cond3A_15 {
      "tpu.region"() ({
        %run_scoped3A = tpu.sem_alloc : memref<!tpu.dma_semaphore, #tpu.memory_space<semaphore_mem>>
        %dma_start3A_105 = tpu.memref_slice %arg10[%mul3A_0] : memref<100352xf32, #tpu.memory_space<hbm>> -> memref<6272xf32, #tpu.memory_space<hbm>>
        %dma_start3A_106 = tpu.memref_slice %arg10[%mul3A_0] : memref<100352xf32, #tpu.memory_space<hbm>> -> memref<6272xf32, #tpu.memory_space<hbm>>
        tpu.enqueue_dma source(%arg16 : memref<6272xf32, #tpu.memory_space<vmem>>) target(%dma_start3A_106 : memref<6272xf32, #tpu.memory_space<hbm>>) target_semaphore(%run_scoped3A : memref<!tpu.dma_semaphore, #tpu.memory_space<semaphore_mem>>)
        %dma_wait3A_107 = tpu.memref_slice %arg10[%mul3A_0] : memref<100352xf32, #tpu.memory_space<hbm>> -> memref<6272xf32, #tpu.memory_space<hbm>>
        %dma_wait3A_108 = tpu.memref_slice %arg10[%mul3A_0] : memref<100352xf32, #tpu.memory_space<hbm>> -> memref<6272xf32, #tpu.memory_space<hbm>>
        tpu.wait_dma2 semaphore(%run_scoped3A : memref<!tpu.dma_semaphore, #tpu.memory_space<semaphore_mem>>) src(%arg16 : memref<6272xf32, #tpu.memory_space<vmem>>) dst(%dma_wait3A_108 : memref<6272xf32, #tpu.memory_space<hbm>>)
        tpu.yield
      }) : () -> ()
    } else {
    }
    %scan3A_16 = arith.constant 0 : i32
    %scan3A_17 = arith.constant 0 : i32
    %scan3A_18 = arith.constant 392 : i32
    %scan3A_19 = arith.addi %scan3A_17, %scan3A_18 : i32
    %scan3A_20 = arith.constant 1 : i32
    scf.for %scan3A_105 = %scan3A_17 to %scan3A_19 step %scan3A_20  : i32 {
      %broadcast_in_dim3A = arith.constant 0.000000e+00 : f32
      %broadcast_in_dim3A_106 = vector.broadcast %broadcast_in_dim3A : f32 to vector<16xf32>
      %mul3A_107 = arith.constant 16 : i32
      %mul3A_108 = arith.muli %scan3A_105, %mul3A_107 : i32
      %swap3A = arith.index_cast %mul3A_108 : i32 to index
      %swap3A_109 = tpu.vector_load %arg13[%swap3A] {strides = array<i32>} : memref<6272xf32, #tpu.memory_space<vmem>>, vector<16xf32>,
      %swap3A_110 = vector.shape_cast %swap3A_109 : vector<16xf32> to vector<16xf32>
      %swap3A_111 = vector.shape_cast %broadcast_in_dim3A_106 : vector<16xf32> to vector<16xf32>
      tpu.vector_store %arg13[%swap3A], %swap3A_111 {strides = array<i32>} : memref<6272xf32, #tpu.memory_space<vmem>>, vector<16xf32>,
    }
    %scan3A_21 = arith.constant 392 : i32
    "tpu.region"() ({
      %run_scoped3A = tpu.sem_alloc : memref<!tpu.dma_semaphore, #tpu.memory_space<semaphore_mem>>
      %dma_start3A_105 = tpu.memref_slice %arg12[%mul3A_0] : memref<100352xf32, #tpu.memory_space<vmem_shared>> -> memref<6272xf32, #tpu.memory_space<vmem_shared>>
      %dma_start3A_106 = tpu.memref_slice %arg12[%mul3A_0] : memref<100352xf32, #tpu.memory_space<vmem_shared>> -> memref<6272xf32, #tpu.memory_space<vmem_shared>>
      tpu.enqueue_dma source(%arg13 : memref<6272xf32, #tpu.memory_space<vmem>>) target(%dma_start3A_106 : memref<6272xf32, #tpu.memory_space<vmem_shared>>) target_semaphore(%run_scoped3A : memref<!tpu.dma_semaphore, #tpu.memory_space<semaphore_mem>>)
      %dma_wait3A_107 = tpu.memref_slice %arg12[%mul3A_0] : memref<100352xf32, #tpu.memory_space<vmem_shared>> -> memref<6272xf32, #tpu.memory_space<vmem_shared>>
      %dma_wait3A_108 = tpu.memref_slice %arg12[%mul3A_0] : memref<100352xf32, #tpu.memory_space<vmem_shared>> -> memref<6272xf32, #tpu.memory_space<vmem_shared>>
      tpu.wait_dma2 semaphore(%run_scoped3A : memref<!tpu.dma_semaphore, #tpu.memory_space<semaphore_mem>>) src(%arg13 : memref<6272xf32, #tpu.memory_space<vmem>>) dst(%dma_wait3A_108 : memref<6272xf32, #tpu.memory_space<vmem_shared>>)
      tpu.yield
    }) : () -> ()
    %barrier3A = arith.constant 0 : index
    tpu.barrier barrier_id(%barrier3A)
    %mul3A_22 = arith.constant 800000 : i32
    %mul3A_23 = arith.muli %arg0, %mul3A_22 : i32
    %mul3A_24 = arith.constant 50000 : i32
    %mul3A_25 = arith.muli %arg1, %mul3A_24 : i32
    %add3A = arith.addi %mul3A_23, %mul3A_25 : i32
    %add3A_26 = arith.constant 0 : i32
    %add3A_27 = arith.addi %add3A, %add3A_26 : i32
    %dma_start3A = tpu.memref_slice %arg6[%add3A_27] : memref<1600000xi32, #tpu.memory_space<hbm>> -> memref<10000xi32, #tpu.memory_space<hbm>>
    %dma_start3A_28 = tpu.memref_slice %arg6[%add3A_27] : memref<1600000xi32, #tpu.memory_space<hbm>> -> memref<10000xi32, #tpu.memory_space<hbm>>
    tpu.enqueue_dma source(%dma_start3A_28 : memref<10000xi32, #tpu.memory_space<hbm>>) target(%arg18 : memref<10000xi32, #tpu.memory_space<vmem>>) target_semaphore(%arg26 : memref<!tpu.dma_semaphore, #tpu.memory_space<semaphore_mem>>)
    %dma_start3A_29 = tpu.memref_slice %arg7[%add3A_27] : memref<1600000xi32, #tpu.memory_space<hbm>> -> memref<10000xi32, #tpu.memory_space<hbm>>
    %dma_start3A_30 = tpu.memref_slice %arg7[%add3A_27] : memref<1600000xi32, #tpu.memory_space<hbm>> -> memref<10000xi32, #tpu.memory_space<hbm>>
    tpu.enqueue_dma source(%dma_start3A_30 : memref<10000xi32, #tpu.memory_space<hbm>>) target(%arg20 : memref<10000xi32, #tpu.memory_space<vmem>>) target_semaphore(%arg28 : memref<!tpu.dma_semaphore, #tpu.memory_space<semaphore_mem>>)
    %dma_wait3A = tpu.memref_slice %arg6[%add3A_27] : memref<1600000xi32, #tpu.memory_space<hbm>> -> memref<10000xi32, #tpu.memory_space<hbm>>
    %dma_wait3A_31 = tpu.memref_slice %arg6[%add3A_27] : memref<1600000xi32, #tpu.memory_space<hbm>> -> memref<10000xi32, #tpu.memory_space<hbm>>
    tpu.wait_dma2 semaphore(%arg26 : memref<!tpu.dma_semaphore, #tpu.memory_space<semaphore_mem>>) src(%dma_wait3A_31 : memref<10000xi32, #tpu.memory_space<hbm>>) dst(%arg18 : memref<10000xi32, #tpu.memory_space<vmem>>)
    %dma_wait3A_32 = tpu.memref_slice %arg7[%add3A_27] : memref<1600000xi32, #tpu.memory_space<hbm>> -> memref<10000xi32, #tpu.memory_space<hbm>>
    %dma_wait3A_33 = tpu.memref_slice %arg7[%add3A_27] : memref<1600000xi32, #tpu.memory_space<hbm>> -> memref<10000xi32, #tpu.memory_space<hbm>>
    tpu.wait_dma2 semaphore(%arg28 : memref<!tpu.dma_semaphore, #tpu.memory_space<semaphore_mem>>) src(%dma_wait3A_33 : memref<10000xi32, #tpu.memory_space<hbm>>) dst(%arg20 : memref<10000xi32, #tpu.memory_space<vmem>>)
    %add3A_34 = arith.constant 10000 : i32
    %add3A_35 = arith.addi %add3A, %add3A_34 : i32
    %dma_start3A_36 = tpu.memref_slice %arg6[%add3A_35] : memref<1600000xi32, #tpu.memory_space<hbm>> -> memref<10000xi32, #tpu.memory_space<hbm>>
    %dma_start3A_37 = tpu.memref_slice %arg6[%add3A_35] : memref<1600000xi32, #tpu.memory_space<hbm>> -> memref<10000xi32, #tpu.memory_space<hbm>>
    tpu.enqueue_dma source(%dma_start3A_37 : memref<10000xi32, #tpu.memory_space<hbm>>) target(%arg19 : memref<10000xi32, #tpu.memory_space<vmem>>) target_semaphore(%arg27 : memref<!tpu.dma_semaphore, #tpu.memory_space<semaphore_mem>>)
    %dma_start3A_38 = tpu.memref_slice %arg7[%add3A_35] : memref<1600000xi32, #tpu.memory_space<hbm>> -> memref<10000xi32, #tpu.memory_space<hbm>>
    %dma_start3A_39 = tpu.memref_slice %arg7[%add3A_35] : memref<1600000xi32, #tpu.memory_space<hbm>> -> memref<10000xi32, #tpu.memory_space<hbm>>
    tpu.enqueue_dma source(%dma_start3A_39 : memref<10000xi32, #tpu.memory_space<hbm>>) target(%arg21 : memref<10000xi32, #tpu.memory_space<vmem>>) target_semaphore(%arg29 : memref<!tpu.dma_semaphore, #tpu.memory_space<semaphore_mem>>)
    "tpu.region"() ({
      %run_scoped3A = tpu.sem_alloc : memref<!tpu.dma_semaphore, #tpu.memory_space<semaphore_mem>>
      %dma_start3A_105 = arith.constant 0 : i32
      %dma_start3A_106 = tpu.memref_slice %arg11[%dma_start3A_105] : memref<100352xf32, #tpu.memory_space<vmem_shared>> -> memref<100352xf32, #tpu.memory_space<vmem_shared>>
      tpu.enqueue_indirect_dma source(%dma_start3A_106 : memref<100352xf32, #tpu.memory_space<vmem_shared>>) target(%arg23 : memref<10000xf32, #tpu.memory_space<vmem>>) offsets(%arg18 : memref<10000xi32, #tpu.memory_space<vmem>>) semaphore(%run_scoped3A : memref<!tpu.dma_semaphore, #tpu.memory_space<semaphore_mem>>)
      %dma_wait3A_107 = arith.constant 0 : i32
      %dma_wait3A_108 = tpu.memref_slice %arg11[%dma_wait3A_107] : memref<100352xf32, #tpu.memory_space<vmem_shared>> -> memref<100352xf32, #tpu.memory_space<vmem_shared>>
      tpu.wait_indirect_dma semaphore(%run_scoped3A : memref<!tpu.dma_semaphore, #tpu.memory_space<semaphore_mem>>) src(%dma_wait3A_108 : memref<100352xf32, #tpu.memory_space<vmem_shared>>) dst(%arg23 : memref<10000xf32, #tpu.memory_space<vmem>>)
      tpu.yield
    }) : () -> ()
    %dma_start3A_40 = arith.constant 0 : i32
    %dma_start3A_41 = tpu.memref_slice %arg12[%dma_start3A_40] : memref<100352xf32, #tpu.memory_space<vmem_shared>> -> memref<100352xf32, #tpu.memory_space<vmem_shared>>
    tpu.enqueue_indirect_dma source(%arg23 : memref<10000xf32, #tpu.memory_space<vmem>>) target(%dma_start3A_41 : memref<100352xf32, #tpu.memory_space<vmem_shared>>) offsets(%arg20 : memref<10000xi32, #tpu.memory_space<vmem>>) semaphore(%arg30 : memref<!tpu.dma_semaphore, #tpu.memory_space<semaphore_mem>>) {add = true}
    %dma_wait3A_42 = tpu.memref_slice %arg6[%add3A_35] : memref<1600000xi32, #tpu.memory_space<hbm>> -> memref<10000xi32, #tpu.memory_space<hbm>>
    %dma_wait3A_43 = tpu.memref_slice %arg6[%add3A_35] : memref<1600000xi32, #tpu.memory_space<hbm>> -> memref<10000xi32, #tpu.memory_space<hbm>>
    tpu.wait_dma2 semaphore(%arg27 : memref<!tpu.dma_semaphore, #tpu.memory_space<semaphore_mem>>) src(%dma_wait3A_43 : memref<10000xi32, #tpu.memory_space<hbm>>) dst(%arg19 : memref<10000xi32, #tpu.memory_space<vmem>>)
    %dma_wait3A_44 = tpu.memref_slice %arg7[%add3A_35] : memref<1600000xi32, #tpu.memory_space<hbm>> -> memref<10000xi32, #tpu.memory_space<hbm>>
    %dma_wait3A_45 = tpu.memref_slice %arg7[%add3A_35] : memref<1600000xi32, #tpu.memory_space<hbm>> -> memref<10000xi32, #tpu.memory_space<hbm>>
    tpu.wait_dma2 semaphore(%arg29 : memref<!tpu.dma_semaphore, #tpu.memory_space<semaphore_mem>>) src(%dma_wait3A_45 : memref<10000xi32, #tpu.memory_space<hbm>>) dst(%arg21 : memref<10000xi32, #tpu.memory_space<vmem>>)
    %add3A_46 = arith.constant 20000 : i32
    %add3A_47 = arith.addi %add3A, %add3A_46 : i32
    %dma_start3A_48 = tpu.memref_slice %arg6[%add3A_47] : memref<1600000xi32, #tpu.memory_space<hbm>> -> memref<10000xi32, #tpu.memory_space<hbm>>
    %dma_start3A_49 = tpu.memref_slice %arg6[%add3A_47] : memref<1600000xi32, #tpu.memory_space<hbm>> -> memref<10000xi32, #tpu.memory_space<hbm>>
    tpu.enqueue_dma source(%dma_start3A_49 : memref<10000xi32, #tpu.memory_space<hbm>>) target(%arg18 : memref<10000xi32, #tpu.memory_space<vmem>>) target_semaphore(%arg26 : memref<!tpu.dma_semaphore, #tpu.memory_space<semaphore_mem>>)
    %dma_start3A_50 = tpu.memref_slice %arg7[%add3A_47] : memref<1600000xi32, #tpu.memory_space<hbm>> -> memref<10000xi32, #tpu.memory_space<hbm>>
    %dma_start3A_51 = tpu.memref_slice %arg7[%add3A_47] : memref<1600000xi32, #tpu.memory_space<hbm>> -> memref<10000xi32, #tpu.memory_space<hbm>>
    tpu.enqueue_dma source(%dma_start3A_51 : memref<10000xi32, #tpu.memory_space<hbm>>) target(%arg22 : memref<10000xi32, #tpu.memory_space<vmem>>) target_semaphore(%arg28 : memref<!tpu.dma_semaphore, #tpu.memory_space<semaphore_mem>>)
    "tpu.region"() ({
      %run_scoped3A = tpu.sem_alloc : memref<!tpu.dma_semaphore, #tpu.memory_space<semaphore_mem>>
      %dma_start3A_105 = arith.constant 0 : i32
      %dma_start3A_106 = tpu.memref_slice %arg11[%dma_start3A_105] : memref<100352xf32, #tpu.memory_space<vmem_shared>> -> memref<100352xf32, #tpu.memory_space<vmem_shared>>
      tpu.enqueue_indirect_dma source(%dma_start3A_106 : memref<100352xf32, #tpu.memory_space<vmem_shared>>) target(%arg24 : memref<10000xf32, #tpu.memory_space<vmem>>) offsets(%arg19 : memref<10000xi32, #tpu.memory_space<vmem>>) semaphore(%run_scoped3A : memref<!tpu.dma_semaphore, #tpu.memory_space<semaphore_mem>>)
      %dma_wait3A_107 = arith.constant 0 : i32
      %dma_wait3A_108 = tpu.memref_slice %arg11[%dma_wait3A_107] : memref<100352xf32, #tpu.memory_space<vmem_shared>> -> memref<100352xf32, #tpu.memory_space<vmem_shared>>
      tpu.wait_indirect_dma semaphore(%run_scoped3A : memref<!tpu.dma_semaphore, #tpu.memory_space<semaphore_mem>>) src(%dma_wait3A_108 : memref<100352xf32, #tpu.memory_space<vmem_shared>>) dst(%arg24 : memref<10000xf32, #tpu.memory_space<vmem>>)
      tpu.yield
    }) : () -> ()
    %dma_start3A_52 = arith.constant 0 : i32
    %dma_start3A_53 = tpu.memref_slice %arg12[%dma_start3A_52] : memref<100352xf32, #tpu.memory_space<vmem_shared>> -> memref<100352xf32, #tpu.memory_space<vmem_shared>>
    tpu.enqueue_indirect_dma source(%arg24 : memref<10000xf32, #tpu.memory_space<vmem>>) target(%dma_start3A_53 : memref<100352xf32, #tpu.memory_space<vmem_shared>>) offsets(%arg21 : memref<10000xi32, #tpu.memory_space<vmem>>) semaphore(%arg31 : memref<!tpu.dma_semaphore, #tpu.memory_space<semaphore_mem>>) {add = true}
    %dma_wait3A_54 = arith.constant 0 : i32
    %dma_wait3A_55 = tpu.memref_slice %arg12[%dma_wait3A_54] : memref<100352xf32, #tpu.memory_space<vmem_shared>> -> memref<100352xf32, #tpu.memory_space<vmem_shared>>
    tpu.wait_indirect_dma semaphore(%arg30 : memref<!tpu.dma_semaphore, #tpu.memory_space<semaphore_mem>>) src(%arg23 : memref<10000xf32, #tpu.memory_space<vmem>>) dst(%dma_wait3A_55 : memref<100352xf32, #tpu.memory_space<vmem_shared>>)
    %dma_wait3A_56 = tpu.memref_slice %arg6[%add3A_47] : memref<1600000xi32, #tpu.memory_space<hbm>> -> memref<10000xi32, #tpu.memory_space<hbm>>
    %dma_wait3A_57 = tpu.memref_slice %arg6[%add3A_47] : memref<1600000xi32, #tpu.memory_space<hbm>> -> memref<10000xi32, #tpu.memory_space<hbm>>
    tpu.wait_dma2 semaphore(%arg26 : memref<!tpu.dma_semaphore, #tpu.memory_space<semaphore_mem>>) src(%dma_wait3A_57 : memref<10000xi32, #tpu.memory_space<hbm>>) dst(%arg18 : memref<10000xi32, #tpu.memory_space<vmem>>)
    %dma_wait3A_58 = tpu.memref_slice %arg7[%add3A_47] : memref<1600000xi32, #tpu.memory_space<hbm>> -> memref<10000xi32, #tpu.memory_space<hbm>>
    %dma_wait3A_59 = tpu.memref_slice %arg7[%add3A_47] : memref<1600000xi32, #tpu.memory_space<hbm>> -> memref<10000xi32, #tpu.memory_space<hbm>>
    tpu.wait_dma2 semaphore(%arg28 : memref<!tpu.dma_semaphore, #tpu.memory_space<semaphore_mem>>) src(%dma_wait3A_59 : memref<10000xi32, #tpu.memory_space<hbm>>) dst(%arg22 : memref<10000xi32, #tpu.memory_space<vmem>>)
    %add3A_60 = arith.constant 30000 : i32
    %add3A_61 = arith.addi %add3A, %add3A_60 : i32
    %dma_start3A_62 = tpu.memref_slice %arg6[%add3A_61] : memref<1600000xi32, #tpu.memory_space<hbm>> -> memref<10000xi32, #tpu.memory_space<hbm>>
    %dma_start3A_63 = tpu.memref_slice %arg6[%add3A_61] : memref<1600000xi32, #tpu.memory_space<hbm>> -> memref<10000xi32, #tpu.memory_space<hbm>>
    tpu.enqueue_dma source(%dma_start3A_63 : memref<10000xi32, #tpu.memory_space<hbm>>) target(%arg19 : memref<10000xi32, #tpu.memory_space<vmem>>) target_semaphore(%arg27 : memref<!tpu.dma_semaphore, #tpu.memory_space<semaphore_mem>>)
    %dma_start3A_64 = tpu.memref_slice %arg7[%add3A_61] : memref<1600000xi32, #tpu.memory_space<hbm>> -> memref<10000xi32, #tpu.memory_space<hbm>>
    %dma_start3A_65 = tpu.memref_slice %arg7[%add3A_61] : memref<1600000xi32, #tpu.memory_space<hbm>> -> memref<10000xi32, #tpu.memory_space<hbm>>
    tpu.enqueue_dma source(%dma_start3A_65 : memref<10000xi32, #tpu.memory_space<hbm>>) target(%arg20 : memref<10000xi32, #tpu.memory_space<vmem>>) target_semaphore(%arg29 : memref<!tpu.dma_semaphore, #tpu.memory_space<semaphore_mem>>)
    "tpu.region"() ({
      %run_scoped3A = tpu.sem_alloc : memref<!tpu.dma_semaphore, #tpu.memory_space<semaphore_mem>>
      %dma_start3A_105 = arith.constant 0 : i32
      %dma_start3A_106 = tpu.memref_slice %arg11[%dma_start3A_105] : memref<100352xf32, #tpu.memory_space<vmem_shared>> -> memref<100352xf32, #tpu.memory_space<vmem_shared>>
      tpu.enqueue_indirect_dma source(%dma_start3A_106 : memref<100352xf32, #tpu.memory_space<vmem_shared>>) target(%arg25 : memref<10000xf32, #tpu.memory_space<vmem>>) offsets(%arg18 : memref<10000xi32, #tpu.memory_space<vmem>>) semaphore(%run_scoped3A : memref<!tpu.dma_semaphore, #tpu.memory_space<semaphore_mem>>)
      %dma_wait3A_107 = arith.constant 0 : i32
      %dma_wait3A_108 = tpu.memref_slice %arg11[%dma_wait3A_107] : memref<100352xf32, #tpu.memory_space<vmem_shared>> -> memref<100352xf32, #tpu.memory_space<vmem_shared>>
      tpu.wait_indirect_dma semaphore(%run_scoped3A : memref<!tpu.dma_semaphore, #tpu.memory_space<semaphore_mem>>) src(%dma_wait3A_108 : memref<100352xf32, #tpu.memory_space<vmem_shared>>) dst(%arg25 : memref<10000xf32, #tpu.memory_space<vmem>>)
      tpu.yield
    }) : () -> ()
    %dma_start3A_66 = arith.constant 0 : i32
    %dma_start3A_67 = tpu.memref_slice %arg12[%dma_start3A_66] : memref<100352xf32, #tpu.memory_space<vmem_shared>> -> memref<100352xf32, #tpu.memory_space<vmem_shared>>
    tpu.enqueue_indirect_dma source(%arg25 : memref<10000xf32, #tpu.memory_space<vmem>>) target(%dma_start3A_67 : memref<100352xf32, #tpu.memory_space<vmem_shared>>) offsets(%arg22 : memref<10000xi32, #tpu.memory_space<vmem>>) semaphore(%arg32 : memref<!tpu.dma_semaphore, #tpu.memory_space<semaphore_mem>>) {add = true}
    %dma_wait3A_68 = arith.constant 0 : i32
    %dma_wait3A_69 = tpu.memref_slice %arg12[%dma_wait3A_68] : memref<100352xf32, #tpu.memory_space<vmem_shared>> -> memref<100352xf32, #tpu.memory_space<vmem_shared>>
    tpu.wait_indirect_dma semaphore(%arg31 : memref<!tpu.dma_semaphore, #tpu.memory_space<semaphore_mem>>) src(%arg24 : memref<10000xf32, #tpu.memory_space<vmem>>) dst(%dma_wait3A_69 : memref<100352xf32, #tpu.memory_space<vmem_shared>>)
    %dma_wait3A_70 = tpu.memref_slice %arg6[%add3A_61] : memref<1600000xi32, #tpu.memory_space<hbm>> -> memref<10000xi32, #tpu.memory_space<hbm>>
    %dma_wait3A_71 = tpu.memref_slice %arg6[%add3A_61] : memref<1600000xi32, #tpu.memory_space<hbm>> -> memref<10000xi32, #tpu.memory_space<hbm>>
    tpu.wait_dma2 semaphore(%arg27 : memref<!tpu.dma_semaphore, #tpu.memory_space<semaphore_mem>>) src(%dma_wait3A_71 : memref<10000xi32, #tpu.memory_space<hbm>>) dst(%arg19 : memref<10000xi32, #tpu.memory_space<vmem>>)
    %dma_wait3A_72 = tpu.memref_slice %arg7[%add3A_61] : memref<1600000xi32, #tpu.memory_space<hbm>> -> memref<10000xi32, #tpu.memory_space<hbm>>
    %dma_wait3A_73 = tpu.memref_slice %arg7[%add3A_61] : memref<1600000xi32, #tpu.memory_space<hbm>> -> memref<10000xi32, #tpu.memory_space<hbm>>
    tpu.wait_dma2 semaphore(%arg29 : memref<!tpu.dma_semaphore, #tpu.memory_space<semaphore_mem>>) src(%dma_wait3A_73 : memref<10000xi32, #tpu.memory_space<hbm>>) dst(%arg20 : memref<10000xi32, #tpu.memory_space<vmem>>)
    %add3A_74 = arith.constant 40000 : i32
    %add3A_75 = arith.addi %add3A, %add3A_74 : i32
    %dma_start3A_76 = tpu.memref_slice %arg6[%add3A_75] : memref<1600000xi32, #tpu.memory_space<hbm>> -> memref<10000xi32, #tpu.memory_space<hbm>>
    %dma_start3A_77 = tpu.memref_slice %arg6[%add3A_75] : memref<1600000xi32, #tpu.memory_space<hbm>> -> memref<10000xi32, #tpu.memory_space<hbm>>
    tpu.enqueue_dma source(%dma_start3A_77 : memref<10000xi32, #tpu.memory_space<hbm>>) target(%arg18 : memref<10000xi32, #tpu.memory_space<vmem>>) target_semaphore(%arg26 : memref<!tpu.dma_semaphore, #tpu.memory_space<semaphore_mem>>)
    %dma_start3A_78 = tpu.memref_slice %arg7[%add3A_75] : memref<1600000xi32, #tpu.memory_space<hbm>> -> memref<10000xi32, #tpu.memory_space<hbm>>
    %dma_start3A_79 = tpu.memref_slice %arg7[%add3A_75] : memref<1600000xi32, #tpu.memory_space<hbm>> -> memref<10000xi32, #tpu.memory_space<hbm>>
    tpu.enqueue_dma source(%dma_start3A_79 : memref<10000xi32, #tpu.memory_space<hbm>>) target(%arg21 : memref<10000xi32, #tpu.memory_space<vmem>>) target_semaphore(%arg28 : memref<!tpu.dma_semaphore, #tpu.memory_space<semaphore_mem>>)
    "tpu.region"() ({
      %run_scoped3A = tpu.sem_alloc : memref<!tpu.dma_semaphore, #tpu.memory_space<semaphore_mem>>
      %dma_start3A_105 = arith.constant 0 : i32
      %dma_start3A_106 = tpu.memref_slice %arg11[%dma_start3A_105] : memref<100352xf32, #tpu.memory_space<vmem_shared>> -> memref<100352xf32, #tpu.memory_space<vmem_shared>>
      tpu.enqueue_indirect_dma source(%dma_start3A_106 : memref<100352xf32, #tpu.memory_space<vmem_shared>>) target(%arg23 : memref<10000xf32, #tpu.memory_space<vmem>>) offsets(%arg19 : memref<10000xi32, #tpu.memory_space<vmem>>) semaphore(%run_scoped3A : memref<!tpu.dma_semaphore, #tpu.memory_space<semaphore_mem>>)
      %dma_wait3A_107 = arith.constant 0 : i32
      %dma_wait3A_108 = tpu.memref_slice %arg11[%dma_wait3A_107] : memref<100352xf32, #tpu.memory_space<vmem_shared>> -> memref<100352xf32, #tpu.memory_space<vmem_shared>>
      tpu.wait_indirect_dma semaphore(%run_scoped3A : memref<!tpu.dma_semaphore, #tpu.memory_space<semaphore_mem>>) src(%dma_wait3A_108 : memref<100352xf32, #tpu.memory_space<vmem_shared>>) dst(%arg23 : memref<10000xf32, #tpu.memory_space<vmem>>)
      tpu.yield
    }) : () -> ()
    %dma_start3A_80 = arith.constant 0 : i32
    %dma_start3A_81 = tpu.memref_slice %arg12[%dma_start3A_80] : memref<100352xf32, #tpu.memory_space<vmem_shared>> -> memref<100352xf32, #tpu.memory_space<vmem_shared>>
    tpu.enqueue_indirect_dma source(%arg23 : memref<10000xf32, #tpu.memory_space<vmem>>) target(%dma_start3A_81 : memref<100352xf32, #tpu.memory_space<vmem_shared>>) offsets(%arg20 : memref<10000xi32, #tpu.memory_space<vmem>>) semaphore(%arg30 : memref<!tpu.dma_semaphore, #tpu.memory_space<semaphore_mem>>) {add = true}
    %dma_wait3A_82 = arith.constant 0 : i32
    %dma_wait3A_83 = tpu.memref_slice %arg12[%dma_wait3A_82] : memref<100352xf32, #tpu.memory_space<vmem_shared>> -> memref<100352xf32, #tpu.memory_space<vmem_shared>>
    tpu.wait_indirect_dma semaphore(%arg32 : memref<!tpu.dma_semaphore, #tpu.memory_space<semaphore_mem>>) src(%arg25 : memref<10000xf32, #tpu.memory_space<vmem>>) dst(%dma_wait3A_83 : memref<100352xf32, #tpu.memory_space<vmem_shared>>)
    %dma_wait3A_84 = tpu.memref_slice %arg6[%add3A_75] : memref<1600000xi32, #tpu.memory_space<hbm>> -> memref<10000xi32, #tpu.memory_space<hbm>>
    %dma_wait3A_85 = tpu.memref_slice %arg6[%add3A_75] : memref<1600000xi32, #tpu.memory_space<hbm>> -> memref<10000xi32, #tpu.memory_space<hbm>>
    tpu.wait_dma2 semaphore(%arg26 : memref<!tpu.dma_semaphore, #tpu.memory_space<semaphore_mem>>) src(%dma_wait3A_85 : memref<10000xi32, #tpu.memory_space<hbm>>) dst(%arg18 : memref<10000xi32, #tpu.memory_space<vmem>>)
    %dma_wait3A_86 = tpu.memref_slice %arg7[%add3A_75] : memref<1600000xi32, #tpu.memory_space<hbm>> -> memref<10000xi32, #tpu.memory_space<hbm>>
    %dma_wait3A_87 = tpu.memref_slice %arg7[%add3A_75] : memref<1600000xi32, #tpu.memory_space<hbm>> -> memref<10000xi32, #tpu.memory_space<hbm>>
    tpu.wait_dma2 semaphore(%arg28 : memref<!tpu.dma_semaphore, #tpu.memory_space<semaphore_mem>>) src(%dma_wait3A_87 : memref<10000xi32, #tpu.memory_space<hbm>>) dst(%arg21 : memref<10000xi32, #tpu.memory_space<vmem>>)
    "tpu.region"() ({
      %run_scoped3A = tpu.sem_alloc : memref<!tpu.dma_semaphore, #tpu.memory_space<semaphore_mem>>
      %dma_start3A_105 = arith.constant 0 : i32
      %dma_start3A_106 = tpu.memref_slice %arg11[%dma_start3A_105] : memref<100352xf32, #tpu.memory_space<vmem_shared>> -> memref<100352xf32, #tpu.memory_space<vmem_shared>>
      tpu.enqueue_indirect_dma source(%dma_start3A_106 : memref<100352xf32, #tpu.memory_space<vmem_shared>>) target(%arg24 : memref<10000xf32, #tpu.memory_space<vmem>>) offsets(%arg18 : memref<10000xi32, #tpu.memory_space<vmem>>) semaphore(%run_scoped3A : memref<!tpu.dma_semaphore, #tpu.memory_space<semaphore_mem>>)
      %dma_wait3A_107 = arith.constant 0 : i32
      %dma_wait3A_108 = tpu.memref_slice %arg11[%dma_wait3A_107] : memref<100352xf32, #tpu.memory_space<vmem_shared>> -> memref<100352xf32, #tpu.memory_space<vmem_shared>>
      tpu.wait_indirect_dma semaphore(%run_scoped3A : memref<!tpu.dma_semaphore, #tpu.memory_space<semaphore_mem>>) src(%dma_wait3A_108 : memref<100352xf32, #tpu.memory_space<vmem_shared>>) dst(%arg24 : memref<10000xf32, #tpu.memory_space<vmem>>)
      tpu.yield
    }) : () -> ()
    %dma_start3A_88 = arith.constant 0 : i32
    %dma_start3A_89 = tpu.memref_slice %arg12[%dma_start3A_88] : memref<100352xf32, #tpu.memory_space<vmem_shared>> -> memref<100352xf32, #tpu.memory_space<vmem_shared>>
    tpu.enqueue_indirect_dma source(%arg24 : memref<10000xf32, #tpu.memory_space<vmem>>) target(%dma_start3A_89 : memref<100352xf32, #tpu.memory_space<vmem_shared>>) offsets(%arg21 : memref<10000xi32, #tpu.memory_space<vmem>>) semaphore(%arg31 : memref<!tpu.dma_semaphore, #tpu.memory_space<semaphore_mem>>) {add = true}
    %dma_wait3A_90 = arith.constant 0 : i32
    %dma_wait3A_91 = tpu.memref_slice %arg12[%dma_wait3A_90] : memref<100352xf32, #tpu.memory_space<vmem_shared>> -> memref<100352xf32, #tpu.memory_space<vmem_shared>>
    tpu.wait_indirect_dma semaphore(%arg30 : memref<!tpu.dma_semaphore, #tpu.memory_space<semaphore_mem>>) src(%arg23 : memref<10000xf32, #tpu.memory_space<vmem>>) dst(%dma_wait3A_91 : memref<100352xf32, #tpu.memory_space<vmem_shared>>)
    %dma_wait3A_92 = arith.constant 0 : i32
    %dma_wait3A_93 = tpu.memref_slice %arg12[%dma_wait3A_92] : memref<100352xf32, #tpu.memory_space<vmem_shared>> -> memref<100352xf32, #tpu.memory_space<vmem_shared>>
    tpu.wait_indirect_dma semaphore(%arg31 : memref<!tpu.dma_semaphore, #tpu.memory_space<semaphore_mem>>) src(%arg24 : memref<10000xf32, #tpu.memory_space<vmem>>) dst(%dma_wait3A_93 : memref<100352xf32, #tpu.memory_space<vmem_shared>>)
    %barrier3A_94 = arith.constant 0 : index
    tpu.barrier barrier_id(%barrier3A_94)
    "tpu.region"() ({
      %run_scoped3A = tpu.sem_alloc : memref<!tpu.dma_semaphore, #tpu.memory_space<semaphore_mem>>
      %dma_start3A_105 = tpu.memref_slice %arg12[%mul3A_0] : memref<100352xf32, #tpu.memory_space<vmem_shared>> -> memref<6272xf32, #tpu.memory_space<vmem_shared>>
      %dma_start3A_106 = tpu.memref_slice %arg12[%mul3A_0] : memref<100352xf32, #tpu.memory_space<vmem_shared>> -> memref<6272xf32, #tpu.memory_space<vmem_shared>>
      tpu.enqueue_dma source(%dma_start3A_106 : memref<6272xf32, #tpu.memory_space<vmem_shared>>) target(%arg16 : memref<6272xf32, #tpu.memory_space<vmem>>) target_semaphore(%run_scoped3A : memref<!tpu.dma_semaphore, #tpu.memory_space<semaphore_mem>>)
      %dma_wait3A_107 = tpu.memref_slice %arg12[%mul3A_0] : memref<100352xf32, #tpu.memory_space<vmem_shared>> -> memref<6272xf32, #tpu.memory_space<vmem_shared>>
      %dma_wait3A_108 = tpu.memref_slice %arg12[%mul3A_0] : memref<100352xf32, #tpu.memory_space<vmem_shared>> -> memref<6272xf32, #tpu.memory_space<vmem_shared>>
      tpu.wait_dma2 semaphore(%run_scoped3A : memref<!tpu.dma_semaphore, #tpu.memory_space<semaphore_mem>>) src(%dma_wait3A_108 : memref<6272xf32, #tpu.memory_space<vmem_shared>>) dst(%arg16 : memref<6272xf32, #tpu.memory_space<vmem>>)
      tpu.yield
    }) : () -> ()
    %eq3A_95 = arith.constant 0 : i32
    %eq3A_96 = arith.cmpi eq, %arg0, %eq3A_95 : i32
    %convert_element_type3A_97 = arith.extui %eq3A_96 : i1 to i32
    %cond3A_98 = arith.constant 0 : i32
    %cond3A_99 = arith.cmpi ne, %convert_element_type3A_97, %cond3A_98 : i32
    scf.if %cond3A_99 {
      "tpu.region"() ({
        %run_scoped3A = tpu.sem_alloc : memref<!tpu.dma_semaphore, #tpu.memory_space<semaphore_mem>>
        %dma_start3A_105 = tpu.memref_slice %arg8[%mul3A_0] : memref<100352xf32, #tpu.memory_space<hbm>> -> memref<6272xf32, #tpu.memory_space<hbm>>
        %dma_start3A_106 = tpu.memref_slice %arg8[%mul3A_0] : memref<100352xf32, #tpu.memory_space<hbm>> -> memref<6272xf32, #tpu.memory_space<hbm>>
        tpu.enqueue_dma source(%arg16 : memref<6272xf32, #tpu.memory_space<vmem>>) target(%dma_start3A_106 : memref<6272xf32, #tpu.memory_space<hbm>>) target_semaphore(%run_scoped3A : memref<!tpu.dma_semaphore, #tpu.memory_space<semaphore_mem>>)
        %dma_wait3A_107 = tpu.memref_slice %arg8[%mul3A_0] : memref<100352xf32, #tpu.memory_space<hbm>> -> memref<6272xf32, #tpu.memory_space<hbm>>
        %dma_wait3A_108 = tpu.memref_slice %arg8[%mul3A_0] : memref<100352xf32, #tpu.memory_space<hbm>> -> memref<6272xf32, #tpu.memory_space<hbm>>
        tpu.wait_dma2 semaphore(%run_scoped3A : memref<!tpu.dma_semaphore, #tpu.memory_space<semaphore_mem>>) src(%arg16 : memref<6272xf32, #tpu.memory_space<vmem>>) dst(%dma_wait3A_108 : memref<6272xf32, #tpu.memory_space<hbm>>)
        tpu.yield
      }) : () -> ()
    } else {
    }
    %eq3A_100 = arith.constant 1 : i32
    %eq3A_101 = arith.cmpi eq, %arg0, %eq3A_100 : i32
    %convert_element_type3A_102 = arith.extui %eq3A_101 : i1 to i32
    %cond3A_103 = arith.constant 0 : i32
    %cond3A_104 = arith.cmpi ne, %convert_element_type3A_102, %cond3A_103 : i32
    scf.if %cond3A_104 {
      "tpu.region"() ({
        %run_scoped3A = tpu.sem_alloc : memref<!tpu.dma_semaphore, #tpu.memory_space<semaphore_mem>>
        %dma_start3A_105 = tpu.memref_slice %arg9[%mul3A_0] : memref<100352xf32, #tpu.memory_space<hbm>> -> memref<6272xf32, #tpu.memory_space<hbm>>
        %dma_start3A_106 = tpu.memref_slice %arg9[%mul3A_0] : memref<100352xf32, #tpu.memory_space<hbm>> -> memref<6272xf32, #tpu.memory_space<hbm>>
        tpu.enqueue_dma source(%arg16 : memref<6272xf32, #tpu.memory_space<vmem>>) target(%dma_start3A_106 : memref<6272xf32, #tpu.memory_space<hbm>>) target_semaphore(%run_scoped3A : memref<!tpu.dma_semaphore, #tpu.memory_space<semaphore_mem>>)
        %dma_wait3A_107 = tpu.memref_slice %arg9[%mul3A_0] : memref<100352xf32, #tpu.memory_space<hbm>> -> memref<6272xf32, #tpu.memory_space<hbm>>
        %dma_wait3A_108 = tpu.memref_slice %arg9[%mul3A_0] : memref<100352xf32, #tpu.memory_space<hbm>> -> memref<6272xf32, #tpu.memory_space<hbm>>
        tpu.wait_dma2 semaphore(%run_scoped3A : memref<!tpu.dma_semaphore, #tpu.memory_space<semaphore_mem>>) src(%arg16 : memref<6272xf32, #tpu.memory_space<vmem>>) dst(%dma_wait3A_108 : memref<6272xf32, #tpu.memory_space<hbm>>)
        tpu.yield
      }) : () -> ()
    } else {
    }
    return
  }
}

#map = affine_map<(d0, d1) -> (0)>
module attributes {stable_mosaic.version = 14 : i64} {
  func.func @_mp_body(%arg0: i32, %arg1: i32, %arg2: memref<100352xf32, #tpu.memory_space<hbm>>, %arg3: memref<1600000xi32, #tpu.memory_space<hbm>>, %arg4: memref<1600000xi32, #tpu.memory_space<hbm>>, %arg5: memref<100352xf32, #tpu.memory_space<hbm>>, %arg6: memref<100352xf32, #tpu.memory_space<hbm>>, %arg7: memref<100352xf32, #tpu.memory_space<vmem_shared>>, %arg8: memref<100352xf32, #tpu.memory_space<vmem_shared>>, %arg9: memref<6272xf32, #tpu.memory_space<vmem>>, %arg10: memref<6272xf32, #tpu.memory_space<vmem>>, %arg11: memref<6272xf32, #tpu.memory_space<vmem>>, %arg12: memref<6272xf32, #tpu.memory_space<vmem>>, %arg13: memref<48xf32, #tpu.memory_space<vmem>>, %arg14: memref<10000xi32, #tpu.memory_space<vmem>>, %arg15: memref<10000xi32, #tpu.memory_space<vmem>>, %arg16: memref<10000xi32, #tpu.memory_space<vmem>>, %arg17: memref<10000xi32, #tpu.memory_space<vmem>>, %arg18: memref<10000xi32, #tpu.memory_space<vmem>>, %arg19: memref<10000xf32, #tpu.memory_space<vmem>>, %arg20: memref<10000xf32, #tpu.memory_space<vmem>>, %arg21: memref<10000xf32, #tpu.memory_space<vmem>>, %arg22: memref<!tpu.dma_semaphore, #tpu.memory_space<semaphore_mem>>, %arg23: memref<!tpu.dma_semaphore, #tpu.memory_space<semaphore_mem>>, %arg24: memref<!tpu.dma_semaphore, #tpu.memory_space<semaphore_mem>>, %arg25: memref<!tpu.dma_semaphore, #tpu.memory_space<semaphore_mem>>, %arg26: memref<!tpu.dma_semaphore, #tpu.memory_space<semaphore_mem>>, %arg27: memref<!tpu.dma_semaphore, #tpu.memory_space<semaphore_mem>>, %arg28: memref<!tpu.dma_semaphore, #tpu.memory_space<semaphore_mem>>) attributes {dimension_semantics = [#tpu.dimension_semantics<core_parallel>, #tpu.dimension_semantics<subcore_parallel>], iteration_bounds = array<i64: 2, 16>, scalar_prefetch = 0 : i64, scratch_operands = 22 : i64, tpu.core_type = #tpu.core_type<sc_vector_subcore>, window_params = [{transform_indices = #map}, {transform_indices = #map}, {transform_indices = #map}, {transform_indices = #map}, {transform_indices = #map}]} {
    %mul3A = arith.constant 6272 : i32
    %mul3A_0 = arith.muli %arg1, %mul3A : i32
    "tpu.region"() ({
      %run_scoped3A = tpu.sem_alloc : memref<!tpu.dma_semaphore, #tpu.memory_space<semaphore_mem>>
      %dma_start3A_86 = tpu.memref_slice %arg2[%mul3A_0] : memref<100352xf32, #tpu.memory_space<hbm>> -> memref<6272xf32, #tpu.memory_space<hbm>>
      %dma_start3A_87 = tpu.memref_slice %arg2[%mul3A_0] : memref<100352xf32, #tpu.memory_space<hbm>> -> memref<6272xf32, #tpu.memory_space<hbm>>
      tpu.enqueue_dma source(%dma_start3A_87 : memref<6272xf32, #tpu.memory_space<hbm>>) target(%arg12 : memref<6272xf32, #tpu.memory_space<vmem>>) target_semaphore(%run_scoped3A : memref<!tpu.dma_semaphore, #tpu.memory_space<semaphore_mem>>)
      %dma_wait3A_88 = tpu.memref_slice %arg2[%mul3A_0] : memref<100352xf32, #tpu.memory_space<hbm>> -> memref<6272xf32, #tpu.memory_space<hbm>>
      %dma_wait3A_89 = tpu.memref_slice %arg2[%mul3A_0] : memref<100352xf32, #tpu.memory_space<hbm>> -> memref<6272xf32, #tpu.memory_space<hbm>>
      tpu.wait_dma2 semaphore(%run_scoped3A : memref<!tpu.dma_semaphore, #tpu.memory_space<semaphore_mem>>) src(%dma_wait3A_89 : memref<6272xf32, #tpu.memory_space<hbm>>) dst(%arg12 : memref<6272xf32, #tpu.memory_space<vmem>>)
      tpu.yield
    }) : () -> ()
    "tpu.region"() ({
      %run_scoped3A = tpu.sem_alloc : memref<!tpu.dma_semaphore, #tpu.memory_space<semaphore_mem>>
      %dma_start3A_86 = tpu.memref_slice %arg7[%mul3A_0] : memref<100352xf32, #tpu.memory_space<vmem_shared>> -> memref<6272xf32, #tpu.memory_space<vmem_shared>>
      %dma_start3A_87 = tpu.memref_slice %arg7[%mul3A_0] : memref<100352xf32, #tpu.memory_space<vmem_shared>> -> memref<6272xf32, #tpu.memory_space<vmem_shared>>
      tpu.enqueue_dma source(%arg12 : memref<6272xf32, #tpu.memory_space<vmem>>) target(%dma_start3A_87 : memref<6272xf32, #tpu.memory_space<vmem_shared>>) target_semaphore(%run_scoped3A : memref<!tpu.dma_semaphore, #tpu.memory_space<semaphore_mem>>)
      %dma_wait3A_88 = tpu.memref_slice %arg7[%mul3A_0] : memref<100352xf32, #tpu.memory_space<vmem_shared>> -> memref<6272xf32, #tpu.memory_space<vmem_shared>>
      %dma_wait3A_89 = tpu.memref_slice %arg7[%mul3A_0] : memref<100352xf32, #tpu.memory_space<vmem_shared>> -> memref<6272xf32, #tpu.memory_space<vmem_shared>>
      tpu.wait_dma2 semaphore(%run_scoped3A : memref<!tpu.dma_semaphore, #tpu.memory_space<semaphore_mem>>) src(%arg12 : memref<6272xf32, #tpu.memory_space<vmem>>) dst(%dma_wait3A_89 : memref<6272xf32, #tpu.memory_space<vmem_shared>>)
      tpu.yield
    }) : () -> ()
    %scan3A = arith.constant 0 : i32
    %scan3A_1 = arith.constant 0 : i32
    %scan3A_2 = arith.constant 392 : i32
    %scan3A_3 = arith.addi %scan3A_1, %scan3A_2 : i32
    %scan3A_4 = arith.constant 1 : i32
    scf.for %scan3A_86 = %scan3A_1 to %scan3A_3 step %scan3A_4  : i32 {
      %broadcast_in_dim3A = arith.constant 0.000000e+00 : f32
      %broadcast_in_dim3A_87 = vector.broadcast %broadcast_in_dim3A : f32 to vector<16xf32>
      %mul3A_88 = arith.constant 16 : i32
      %mul3A_89 = arith.muli %scan3A_86, %mul3A_88 : i32
      %swap3A = arith.index_cast %mul3A_89 : i32 to index
      %swap3A_90 = tpu.vector_load %arg9[%swap3A] {strides = array<i32>} : memref<6272xf32, #tpu.memory_space<vmem>>, vector<16xf32>,
      %swap3A_91 = vector.shape_cast %swap3A_90 : vector<16xf32> to vector<16xf32>
      %swap3A_92 = vector.shape_cast %broadcast_in_dim3A_87 : vector<16xf32> to vector<16xf32>
      tpu.vector_store %arg9[%swap3A], %swap3A_92 {strides = array<i32>} : memref<6272xf32, #tpu.memory_space<vmem>>, vector<16xf32>,
    }
    %scan3A_5 = arith.constant 392 : i32
    "tpu.region"() ({
      %run_scoped3A = tpu.sem_alloc : memref<!tpu.dma_semaphore, #tpu.memory_space<semaphore_mem>>
      %dma_start3A_86 = tpu.memref_slice %arg8[%mul3A_0] : memref<100352xf32, #tpu.memory_space<vmem_shared>> -> memref<6272xf32, #tpu.memory_space<vmem_shared>>
      %dma_start3A_87 = tpu.memref_slice %arg8[%mul3A_0] : memref<100352xf32, #tpu.memory_space<vmem_shared>> -> memref<6272xf32, #tpu.memory_space<vmem_shared>>
      tpu.enqueue_dma source(%arg9 : memref<6272xf32, #tpu.memory_space<vmem>>) target(%dma_start3A_87 : memref<6272xf32, #tpu.memory_space<vmem_shared>>) target_semaphore(%run_scoped3A : memref<!tpu.dma_semaphore, #tpu.memory_space<semaphore_mem>>)
      %dma_wait3A_88 = tpu.memref_slice %arg8[%mul3A_0] : memref<100352xf32, #tpu.memory_space<vmem_shared>> -> memref<6272xf32, #tpu.memory_space<vmem_shared>>
      %dma_wait3A_89 = tpu.memref_slice %arg8[%mul3A_0] : memref<100352xf32, #tpu.memory_space<vmem_shared>> -> memref<6272xf32, #tpu.memory_space<vmem_shared>>
      tpu.wait_dma2 semaphore(%run_scoped3A : memref<!tpu.dma_semaphore, #tpu.memory_space<semaphore_mem>>) src(%arg9 : memref<6272xf32, #tpu.memory_space<vmem>>) dst(%dma_wait3A_89 : memref<6272xf32, #tpu.memory_space<vmem_shared>>)
      tpu.yield
    }) : () -> ()
    %barrier3A = arith.constant 0 : index
    tpu.barrier barrier_id(%barrier3A)
    %mul3A_6 = arith.constant 800000 : i32
    %mul3A_7 = arith.muli %arg0, %mul3A_6 : i32
    %mul3A_8 = arith.constant 50000 : i32
    %mul3A_9 = arith.muli %arg1, %mul3A_8 : i32
    %add3A = arith.addi %mul3A_7, %mul3A_9 : i32
    %add3A_10 = arith.constant 0 : i32
    %add3A_11 = arith.addi %add3A, %add3A_10 : i32
    %dma_start3A = tpu.memref_slice %arg3[%add3A_11] : memref<1600000xi32, #tpu.memory_space<hbm>> -> memref<10000xi32, #tpu.memory_space<hbm>>
    %dma_start3A_12 = tpu.memref_slice %arg3[%add3A_11] : memref<1600000xi32, #tpu.memory_space<hbm>> -> memref<10000xi32, #tpu.memory_space<hbm>>
    tpu.enqueue_dma source(%dma_start3A_12 : memref<10000xi32, #tpu.memory_space<hbm>>) target(%arg14 : memref<10000xi32, #tpu.memory_space<vmem>>) target_semaphore(%arg22 : memref<!tpu.dma_semaphore, #tpu.memory_space<semaphore_mem>>)
    %dma_start3A_13 = tpu.memref_slice %arg4[%add3A_11] : memref<1600000xi32, #tpu.memory_space<hbm>> -> memref<10000xi32, #tpu.memory_space<hbm>>
    %dma_start3A_14 = tpu.memref_slice %arg4[%add3A_11] : memref<1600000xi32, #tpu.memory_space<hbm>> -> memref<10000xi32, #tpu.memory_space<hbm>>
    tpu.enqueue_dma source(%dma_start3A_14 : memref<10000xi32, #tpu.memory_space<hbm>>) target(%arg16 : memref<10000xi32, #tpu.memory_space<vmem>>) target_semaphore(%arg24 : memref<!tpu.dma_semaphore, #tpu.memory_space<semaphore_mem>>)
    %dma_wait3A = tpu.memref_slice %arg3[%add3A_11] : memref<1600000xi32, #tpu.memory_space<hbm>> -> memref<10000xi32, #tpu.memory_space<hbm>>
    %dma_wait3A_15 = tpu.memref_slice %arg3[%add3A_11] : memref<1600000xi32, #tpu.memory_space<hbm>> -> memref<10000xi32, #tpu.memory_space<hbm>>
    tpu.wait_dma2 semaphore(%arg22 : memref<!tpu.dma_semaphore, #tpu.memory_space<semaphore_mem>>) src(%dma_wait3A_15 : memref<10000xi32, #tpu.memory_space<hbm>>) dst(%arg14 : memref<10000xi32, #tpu.memory_space<vmem>>)
    %dma_wait3A_16 = tpu.memref_slice %arg4[%add3A_11] : memref<1600000xi32, #tpu.memory_space<hbm>> -> memref<10000xi32, #tpu.memory_space<hbm>>
    %dma_wait3A_17 = tpu.memref_slice %arg4[%add3A_11] : memref<1600000xi32, #tpu.memory_space<hbm>> -> memref<10000xi32, #tpu.memory_space<hbm>>
    tpu.wait_dma2 semaphore(%arg24 : memref<!tpu.dma_semaphore, #tpu.memory_space<semaphore_mem>>) src(%dma_wait3A_17 : memref<10000xi32, #tpu.memory_space<hbm>>) dst(%arg16 : memref<10000xi32, #tpu.memory_space<vmem>>)
    %add3A_18 = arith.constant 10000 : i32
    %add3A_19 = arith.addi %add3A, %add3A_18 : i32
    %dma_start3A_20 = tpu.memref_slice %arg3[%add3A_19] : memref<1600000xi32, #tpu.memory_space<hbm>> -> memref<10000xi32, #tpu.memory_space<hbm>>
    %dma_start3A_21 = tpu.memref_slice %arg3[%add3A_19] : memref<1600000xi32, #tpu.memory_space<hbm>> -> memref<10000xi32, #tpu.memory_space<hbm>>
    tpu.enqueue_dma source(%dma_start3A_21 : memref<10000xi32, #tpu.memory_space<hbm>>) target(%arg15 : memref<10000xi32, #tpu.memory_space<vmem>>) target_semaphore(%arg23 : memref<!tpu.dma_semaphore, #tpu.memory_space<semaphore_mem>>)
    %dma_start3A_22 = tpu.memref_slice %arg4[%add3A_19] : memref<1600000xi32, #tpu.memory_space<hbm>> -> memref<10000xi32, #tpu.memory_space<hbm>>
    %dma_start3A_23 = tpu.memref_slice %arg4[%add3A_19] : memref<1600000xi32, #tpu.memory_space<hbm>> -> memref<10000xi32, #tpu.memory_space<hbm>>
    tpu.enqueue_dma source(%dma_start3A_23 : memref<10000xi32, #tpu.memory_space<hbm>>) target(%arg17 : memref<10000xi32, #tpu.memory_space<vmem>>) target_semaphore(%arg25 : memref<!tpu.dma_semaphore, #tpu.memory_space<semaphore_mem>>)
    "tpu.region"() ({
      %run_scoped3A = tpu.sem_alloc : memref<!tpu.dma_semaphore, #tpu.memory_space<semaphore_mem>>
      %dma_start3A_86 = arith.constant 0 : i32
      %dma_start3A_87 = tpu.memref_slice %arg7[%dma_start3A_86] : memref<100352xf32, #tpu.memory_space<vmem_shared>> -> memref<100352xf32, #tpu.memory_space<vmem_shared>>
      tpu.enqueue_indirect_dma source(%dma_start3A_87 : memref<100352xf32, #tpu.memory_space<vmem_shared>>) target(%arg19 : memref<10000xf32, #tpu.memory_space<vmem>>) offsets(%arg14 : memref<10000xi32, #tpu.memory_space<vmem>>) semaphore(%run_scoped3A : memref<!tpu.dma_semaphore, #tpu.memory_space<semaphore_mem>>)
      %dma_wait3A_88 = arith.constant 0 : i32
      %dma_wait3A_89 = tpu.memref_slice %arg7[%dma_wait3A_88] : memref<100352xf32, #tpu.memory_space<vmem_shared>> -> memref<100352xf32, #tpu.memory_space<vmem_shared>>
      tpu.wait_indirect_dma semaphore(%run_scoped3A : memref<!tpu.dma_semaphore, #tpu.memory_space<semaphore_mem>>) src(%dma_wait3A_89 : memref<100352xf32, #tpu.memory_space<vmem_shared>>) dst(%arg19 : memref<10000xf32, #tpu.memory_space<vmem>>)
      tpu.yield
    }) : () -> ()
    %dma_start3A_24 = arith.constant 0 : i32
    %dma_start3A_25 = tpu.memref_slice %arg8[%dma_start3A_24] : memref<100352xf32, #tpu.memory_space<vmem_shared>> -> memref<100352xf32, #tpu.memory_space<vmem_shared>>
    tpu.enqueue_indirect_dma source(%arg19 : memref<10000xf32, #tpu.memory_space<vmem>>) target(%dma_start3A_25 : memref<100352xf32, #tpu.memory_space<vmem_shared>>) offsets(%arg16 : memref<10000xi32, #tpu.memory_space<vmem>>) semaphore(%arg26 : memref<!tpu.dma_semaphore, #tpu.memory_space<semaphore_mem>>) {add = true}
    %dma_wait3A_26 = tpu.memref_slice %arg3[%add3A_19] : memref<1600000xi32, #tpu.memory_space<hbm>> -> memref<10000xi32, #tpu.memory_space<hbm>>
    %dma_wait3A_27 = tpu.memref_slice %arg3[%add3A_19] : memref<1600000xi32, #tpu.memory_space<hbm>> -> memref<10000xi32, #tpu.memory_space<hbm>>
    tpu.wait_dma2 semaphore(%arg23 : memref<!tpu.dma_semaphore, #tpu.memory_space<semaphore_mem>>) src(%dma_wait3A_27 : memref<10000xi32, #tpu.memory_space<hbm>>) dst(%arg15 : memref<10000xi32, #tpu.memory_space<vmem>>)
    %dma_wait3A_28 = tpu.memref_slice %arg4[%add3A_19] : memref<1600000xi32, #tpu.memory_space<hbm>> -> memref<10000xi32, #tpu.memory_space<hbm>>
    %dma_wait3A_29 = tpu.memref_slice %arg4[%add3A_19] : memref<1600000xi32, #tpu.memory_space<hbm>> -> memref<10000xi32, #tpu.memory_space<hbm>>
    tpu.wait_dma2 semaphore(%arg25 : memref<!tpu.dma_semaphore, #tpu.memory_space<semaphore_mem>>) src(%dma_wait3A_29 : memref<10000xi32, #tpu.memory_space<hbm>>) dst(%arg17 : memref<10000xi32, #tpu.memory_space<vmem>>)
    %add3A_30 = arith.constant 20000 : i32
    %add3A_31 = arith.addi %add3A, %add3A_30 : i32
    %dma_start3A_32 = tpu.memref_slice %arg3[%add3A_31] : memref<1600000xi32, #tpu.memory_space<hbm>> -> memref<10000xi32, #tpu.memory_space<hbm>>
    %dma_start3A_33 = tpu.memref_slice %arg3[%add3A_31] : memref<1600000xi32, #tpu.memory_space<hbm>> -> memref<10000xi32, #tpu.memory_space<hbm>>
    tpu.enqueue_dma source(%dma_start3A_33 : memref<10000xi32, #tpu.memory_space<hbm>>) target(%arg14 : memref<10000xi32, #tpu.memory_space<vmem>>) target_semaphore(%arg22 : memref<!tpu.dma_semaphore, #tpu.memory_space<semaphore_mem>>)
    %dma_start3A_34 = tpu.memref_slice %arg4[%add3A_31] : memref<1600000xi32, #tpu.memory_space<hbm>> -> memref<10000xi32, #tpu.memory_space<hbm>>
    %dma_start3A_35 = tpu.memref_slice %arg4[%add3A_31] : memref<1600000xi32, #tpu.memory_space<hbm>> -> memref<10000xi32, #tpu.memory_space<hbm>>
    tpu.enqueue_dma source(%dma_start3A_35 : memref<10000xi32, #tpu.memory_space<hbm>>) target(%arg18 : memref<10000xi32, #tpu.memory_space<vmem>>) target_semaphore(%arg24 : memref<!tpu.dma_semaphore, #tpu.memory_space<semaphore_mem>>)
    "tpu.region"() ({
      %run_scoped3A = tpu.sem_alloc : memref<!tpu.dma_semaphore, #tpu.memory_space<semaphore_mem>>
      %dma_start3A_86 = arith.constant 0 : i32
      %dma_start3A_87 = tpu.memref_slice %arg7[%dma_start3A_86] : memref<100352xf32, #tpu.memory_space<vmem_shared>> -> memref<100352xf32, #tpu.memory_space<vmem_shared>>
      tpu.enqueue_indirect_dma source(%dma_start3A_87 : memref<100352xf32, #tpu.memory_space<vmem_shared>>) target(%arg20 : memref<10000xf32, #tpu.memory_space<vmem>>) offsets(%arg15 : memref<10000xi32, #tpu.memory_space<vmem>>) semaphore(%run_scoped3A : memref<!tpu.dma_semaphore, #tpu.memory_space<semaphore_mem>>)
      %dma_wait3A_88 = arith.constant 0 : i32
      %dma_wait3A_89 = tpu.memref_slice %arg7[%dma_wait3A_88] : memref<100352xf32, #tpu.memory_space<vmem_shared>> -> memref<100352xf32, #tpu.memory_space<vmem_shared>>
      tpu.wait_indirect_dma semaphore(%run_scoped3A : memref<!tpu.dma_semaphore, #tpu.memory_space<semaphore_mem>>) src(%dma_wait3A_89 : memref<100352xf32, #tpu.memory_space<vmem_shared>>) dst(%arg20 : memref<10000xf32, #tpu.memory_space<vmem>>)
      tpu.yield
    }) : () -> ()
    %dma_start3A_36 = arith.constant 0 : i32
    %dma_start3A_37 = tpu.memref_slice %arg8[%dma_start3A_36] : memref<100352xf32, #tpu.memory_space<vmem_shared>> -> memref<100352xf32, #tpu.memory_space<vmem_shared>>
    tpu.enqueue_indirect_dma source(%arg20 : memref<10000xf32, #tpu.memory_space<vmem>>) target(%dma_start3A_37 : memref<100352xf32, #tpu.memory_space<vmem_shared>>) offsets(%arg17 : memref<10000xi32, #tpu.memory_space<vmem>>) semaphore(%arg27 : memref<!tpu.dma_semaphore, #tpu.memory_space<semaphore_mem>>) {add = true}
    %dma_wait3A_38 = arith.constant 0 : i32
    %dma_wait3A_39 = tpu.memref_slice %arg8[%dma_wait3A_38] : memref<100352xf32, #tpu.memory_space<vmem_shared>> -> memref<100352xf32, #tpu.memory_space<vmem_shared>>
    tpu.wait_indirect_dma semaphore(%arg26 : memref<!tpu.dma_semaphore, #tpu.memory_space<semaphore_mem>>) src(%arg19 : memref<10000xf32, #tpu.memory_space<vmem>>) dst(%dma_wait3A_39 : memref<100352xf32, #tpu.memory_space<vmem_shared>>)
    %dma_wait3A_40 = tpu.memref_slice %arg3[%add3A_31] : memref<1600000xi32, #tpu.memory_space<hbm>> -> memref<10000xi32, #tpu.memory_space<hbm>>
    %dma_wait3A_41 = tpu.memref_slice %arg3[%add3A_31] : memref<1600000xi32, #tpu.memory_space<hbm>> -> memref<10000xi32, #tpu.memory_space<hbm>>
    tpu.wait_dma2 semaphore(%arg22 : memref<!tpu.dma_semaphore, #tpu.memory_space<semaphore_mem>>) src(%dma_wait3A_41 : memref<10000xi32, #tpu.memory_space<hbm>>) dst(%arg14 : memref<10000xi32, #tpu.memory_space<vmem>>)
    %dma_wait3A_42 = tpu.memref_slice %arg4[%add3A_31] : memref<1600000xi32, #tpu.memory_space<hbm>> -> memref<10000xi32, #tpu.memory_space<hbm>>
    %dma_wait3A_43 = tpu.memref_slice %arg4[%add3A_31] : memref<1600000xi32, #tpu.memory_space<hbm>> -> memref<10000xi32, #tpu.memory_space<hbm>>
    tpu.wait_dma2 semaphore(%arg24 : memref<!tpu.dma_semaphore, #tpu.memory_space<semaphore_mem>>) src(%dma_wait3A_43 : memref<10000xi32, #tpu.memory_space<hbm>>) dst(%arg18 : memref<10000xi32, #tpu.memory_space<vmem>>)
    %add3A_44 = arith.constant 30000 : i32
    %add3A_45 = arith.addi %add3A, %add3A_44 : i32
    %dma_start3A_46 = tpu.memref_slice %arg3[%add3A_45] : memref<1600000xi32, #tpu.memory_space<hbm>> -> memref<10000xi32, #tpu.memory_space<hbm>>
    %dma_start3A_47 = tpu.memref_slice %arg3[%add3A_45] : memref<1600000xi32, #tpu.memory_space<hbm>> -> memref<10000xi32, #tpu.memory_space<hbm>>
    tpu.enqueue_dma source(%dma_start3A_47 : memref<10000xi32, #tpu.memory_space<hbm>>) target(%arg15 : memref<10000xi32, #tpu.memory_space<vmem>>) target_semaphore(%arg23 : memref<!tpu.dma_semaphore, #tpu.memory_space<semaphore_mem>>)
    %dma_start3A_48 = tpu.memref_slice %arg4[%add3A_45] : memref<1600000xi32, #tpu.memory_space<hbm>> -> memref<10000xi32, #tpu.memory_space<hbm>>
    %dma_start3A_49 = tpu.memref_slice %arg4[%add3A_45] : memref<1600000xi32, #tpu.memory_space<hbm>> -> memref<10000xi32, #tpu.memory_space<hbm>>
    tpu.enqueue_dma source(%dma_start3A_49 : memref<10000xi32, #tpu.memory_space<hbm>>) target(%arg16 : memref<10000xi32, #tpu.memory_space<vmem>>) target_semaphore(%arg25 : memref<!tpu.dma_semaphore, #tpu.memory_space<semaphore_mem>>)
    "tpu.region"() ({
      %run_scoped3A = tpu.sem_alloc : memref<!tpu.dma_semaphore, #tpu.memory_space<semaphore_mem>>
      %dma_start3A_86 = arith.constant 0 : i32
      %dma_start3A_87 = tpu.memref_slice %arg7[%dma_start3A_86] : memref<100352xf32, #tpu.memory_space<vmem_shared>> -> memref<100352xf32, #tpu.memory_space<vmem_shared>>
      tpu.enqueue_indirect_dma source(%dma_start3A_87 : memref<100352xf32, #tpu.memory_space<vmem_shared>>) target(%arg21 : memref<10000xf32, #tpu.memory_space<vmem>>) offsets(%arg14 : memref<10000xi32, #tpu.memory_space<vmem>>) semaphore(%run_scoped3A : memref<!tpu.dma_semaphore, #tpu.memory_space<semaphore_mem>>)
      %dma_wait3A_88 = arith.constant 0 : i32
      %dma_wait3A_89 = tpu.memref_slice %arg7[%dma_wait3A_88] : memref<100352xf32, #tpu.memory_space<vmem_shared>> -> memref<100352xf32, #tpu.memory_space<vmem_shared>>
      tpu.wait_indirect_dma semaphore(%run_scoped3A : memref<!tpu.dma_semaphore, #tpu.memory_space<semaphore_mem>>) src(%dma_wait3A_89 : memref<100352xf32, #tpu.memory_space<vmem_shared>>) dst(%arg21 : memref<10000xf32, #tpu.memory_space<vmem>>)
      tpu.yield
    }) : () -> ()
    %dma_start3A_50 = arith.constant 0 : i32
    %dma_start3A_51 = tpu.memref_slice %arg8[%dma_start3A_50] : memref<100352xf32, #tpu.memory_space<vmem_shared>> -> memref<100352xf32, #tpu.memory_space<vmem_shared>>
    tpu.enqueue_indirect_dma source(%arg21 : memref<10000xf32, #tpu.memory_space<vmem>>) target(%dma_start3A_51 : memref<100352xf32, #tpu.memory_space<vmem_shared>>) offsets(%arg18 : memref<10000xi32, #tpu.memory_space<vmem>>) semaphore(%arg28 : memref<!tpu.dma_semaphore, #tpu.memory_space<semaphore_mem>>) {add = true}
    %dma_wait3A_52 = arith.constant 0 : i32
    %dma_wait3A_53 = tpu.memref_slice %arg8[%dma_wait3A_52] : memref<100352xf32, #tpu.memory_space<vmem_shared>> -> memref<100352xf32, #tpu.memory_space<vmem_shared>>
    tpu.wait_indirect_dma semaphore(%arg27 : memref<!tpu.dma_semaphore, #tpu.memory_space<semaphore_mem>>) src(%arg20 : memref<10000xf32, #tpu.memory_space<vmem>>) dst(%dma_wait3A_53 : memref<100352xf32, #tpu.memory_space<vmem_shared>>)
    %dma_wait3A_54 = tpu.memref_slice %arg3[%add3A_45] : memref<1600000xi32, #tpu.memory_space<hbm>> -> memref<10000xi32, #tpu.memory_space<hbm>>
    %dma_wait3A_55 = tpu.memref_slice %arg3[%add3A_45] : memref<1600000xi32, #tpu.memory_space<hbm>> -> memref<10000xi32, #tpu.memory_space<hbm>>
    tpu.wait_dma2 semaphore(%arg23 : memref<!tpu.dma_semaphore, #tpu.memory_space<semaphore_mem>>) src(%dma_wait3A_55 : memref<10000xi32, #tpu.memory_space<hbm>>) dst(%arg15 : memref<10000xi32, #tpu.memory_space<vmem>>)
    %dma_wait3A_56 = tpu.memref_slice %arg4[%add3A_45] : memref<1600000xi32, #tpu.memory_space<hbm>> -> memref<10000xi32, #tpu.memory_space<hbm>>
    %dma_wait3A_57 = tpu.memref_slice %arg4[%add3A_45] : memref<1600000xi32, #tpu.memory_space<hbm>> -> memref<10000xi32, #tpu.memory_space<hbm>>
    tpu.wait_dma2 semaphore(%arg25 : memref<!tpu.dma_semaphore, #tpu.memory_space<semaphore_mem>>) src(%dma_wait3A_57 : memref<10000xi32, #tpu.memory_space<hbm>>) dst(%arg16 : memref<10000xi32, #tpu.memory_space<vmem>>)
    %add3A_58 = arith.constant 40000 : i32
    %add3A_59 = arith.addi %add3A, %add3A_58 : i32
    %dma_start3A_60 = tpu.memref_slice %arg3[%add3A_59] : memref<1600000xi32, #tpu.memory_space<hbm>> -> memref<10000xi32, #tpu.memory_space<hbm>>
    %dma_start3A_61 = tpu.memref_slice %arg3[%add3A_59] : memref<1600000xi32, #tpu.memory_space<hbm>> -> memref<10000xi32, #tpu.memory_space<hbm>>
    tpu.enqueue_dma source(%dma_start3A_61 : memref<10000xi32, #tpu.memory_space<hbm>>) target(%arg14 : memref<10000xi32, #tpu.memory_space<vmem>>) target_semaphore(%arg22 : memref<!tpu.dma_semaphore, #tpu.memory_space<semaphore_mem>>)
    %dma_start3A_62 = tpu.memref_slice %arg4[%add3A_59] : memref<1600000xi32, #tpu.memory_space<hbm>> -> memref<10000xi32, #tpu.memory_space<hbm>>
    %dma_start3A_63 = tpu.memref_slice %arg4[%add3A_59] : memref<1600000xi32, #tpu.memory_space<hbm>> -> memref<10000xi32, #tpu.memory_space<hbm>>
    tpu.enqueue_dma source(%dma_start3A_63 : memref<10000xi32, #tpu.memory_space<hbm>>) target(%arg17 : memref<10000xi32, #tpu.memory_space<vmem>>) target_semaphore(%arg24 : memref<!tpu.dma_semaphore, #tpu.memory_space<semaphore_mem>>)
    "tpu.region"() ({
      %run_scoped3A = tpu.sem_alloc : memref<!tpu.dma_semaphore, #tpu.memory_space<semaphore_mem>>
      %dma_start3A_86 = arith.constant 0 : i32
      %dma_start3A_87 = tpu.memref_slice %arg7[%dma_start3A_86] : memref<100352xf32, #tpu.memory_space<vmem_shared>> -> memref<100352xf32, #tpu.memory_space<vmem_shared>>
      tpu.enqueue_indirect_dma source(%dma_start3A_87 : memref<100352xf32, #tpu.memory_space<vmem_shared>>) target(%arg19 : memref<10000xf32, #tpu.memory_space<vmem>>) offsets(%arg15 : memref<10000xi32, #tpu.memory_space<vmem>>) semaphore(%run_scoped3A : memref<!tpu.dma_semaphore, #tpu.memory_space<semaphore_mem>>)
      %dma_wait3A_88 = arith.constant 0 : i32
      %dma_wait3A_89 = tpu.memref_slice %arg7[%dma_wait3A_88] : memref<100352xf32, #tpu.memory_space<vmem_shared>> -> memref<100352xf32, #tpu.memory_space<vmem_shared>>
      tpu.wait_indirect_dma semaphore(%run_scoped3A : memref<!tpu.dma_semaphore, #tpu.memory_space<semaphore_mem>>) src(%dma_wait3A_89 : memref<100352xf32, #tpu.memory_space<vmem_shared>>) dst(%arg19 : memref<10000xf32, #tpu.memory_space<vmem>>)
      tpu.yield
    }) : () -> ()
    %dma_start3A_64 = arith.constant 0 : i32
    %dma_start3A_65 = tpu.memref_slice %arg8[%dma_start3A_64] : memref<100352xf32, #tpu.memory_space<vmem_shared>> -> memref<100352xf32, #tpu.memory_space<vmem_shared>>
    tpu.enqueue_indirect_dma source(%arg19 : memref<10000xf32, #tpu.memory_space<vmem>>) target(%dma_start3A_65 : memref<100352xf32, #tpu.memory_space<vmem_shared>>) offsets(%arg16 : memref<10000xi32, #tpu.memory_space<vmem>>) semaphore(%arg26 : memref<!tpu.dma_semaphore, #tpu.memory_space<semaphore_mem>>) {add = true}
    %dma_wait3A_66 = arith.constant 0 : i32
    %dma_wait3A_67 = tpu.memref_slice %arg8[%dma_wait3A_66] : memref<100352xf32, #tpu.memory_space<vmem_shared>> -> memref<100352xf32, #tpu.memory_space<vmem_shared>>
    tpu.wait_indirect_dma semaphore(%arg28 : memref<!tpu.dma_semaphore, #tpu.memory_space<semaphore_mem>>) src(%arg21 : memref<10000xf32, #tpu.memory_space<vmem>>) dst(%dma_wait3A_67 : memref<100352xf32, #tpu.memory_space<vmem_shared>>)
    %dma_wait3A_68 = tpu.memref_slice %arg3[%add3A_59] : memref<1600000xi32, #tpu.memory_space<hbm>> -> memref<10000xi32, #tpu.memory_space<hbm>>
    %dma_wait3A_69 = tpu.memref_slice %arg3[%add3A_59] : memref<1600000xi32, #tpu.memory_space<hbm>> -> memref<10000xi32, #tpu.memory_space<hbm>>
    tpu.wait_dma2 semaphore(%arg22 : memref<!tpu.dma_semaphore, #tpu.memory_space<semaphore_mem>>) src(%dma_wait3A_69 : memref<10000xi32, #tpu.memory_space<hbm>>) dst(%arg14 : memref<10000xi32, #tpu.memory_space<vmem>>)
    %dma_wait3A_70 = tpu.memref_slice %arg4[%add3A_59] : memref<1600000xi32, #tpu.memory_space<hbm>> -> memref<10000xi32, #tpu.memory_space<hbm>>
    %dma_wait3A_71 = tpu.memref_slice %arg4[%add3A_59] : memref<1600000xi32, #tpu.memory_space<hbm>> -> memref<10000xi32, #tpu.memory_space<hbm>>
    tpu.wait_dma2 semaphore(%arg24 : memref<!tpu.dma_semaphore, #tpu.memory_space<semaphore_mem>>) src(%dma_wait3A_71 : memref<10000xi32, #tpu.memory_space<hbm>>) dst(%arg17 : memref<10000xi32, #tpu.memory_space<vmem>>)
    "tpu.region"() ({
      %run_scoped3A = tpu.sem_alloc : memref<!tpu.dma_semaphore, #tpu.memory_space<semaphore_mem>>
      %dma_start3A_86 = arith.constant 0 : i32
      %dma_start3A_87 = tpu.memref_slice %arg7[%dma_start3A_86] : memref<100352xf32, #tpu.memory_space<vmem_shared>> -> memref<100352xf32, #tpu.memory_space<vmem_shared>>
      tpu.enqueue_indirect_dma source(%dma_start3A_87 : memref<100352xf32, #tpu.memory_space<vmem_shared>>) target(%arg20 : memref<10000xf32, #tpu.memory_space<vmem>>) offsets(%arg14 : memref<10000xi32, #tpu.memory_space<vmem>>) semaphore(%run_scoped3A : memref<!tpu.dma_semaphore, #tpu.memory_space<semaphore_mem>>)
      %dma_wait3A_88 = arith.constant 0 : i32
      %dma_wait3A_89 = tpu.memref_slice %arg7[%dma_wait3A_88] : memref<100352xf32, #tpu.memory_space<vmem_shared>> -> memref<100352xf32, #tpu.memory_space<vmem_shared>>
      tpu.wait_indirect_dma semaphore(%run_scoped3A : memref<!tpu.dma_semaphore, #tpu.memory_space<semaphore_mem>>) src(%dma_wait3A_89 : memref<100352xf32, #tpu.memory_space<vmem_shared>>) dst(%arg20 : memref<10000xf32, #tpu.memory_space<vmem>>)
      tpu.yield
    }) : () -> ()
    %dma_start3A_72 = arith.constant 0 : i32
    %dma_start3A_73 = tpu.memref_slice %arg8[%dma_start3A_72] : memref<100352xf32, #tpu.memory_space<vmem_shared>> -> memref<100352xf32, #tpu.memory_space<vmem_shared>>
    tpu.enqueue_indirect_dma source(%arg20 : memref<10000xf32, #tpu.memory_space<vmem>>) target(%dma_start3A_73 : memref<100352xf32, #tpu.memory_space<vmem_shared>>) offsets(%arg17 : memref<10000xi32, #tpu.memory_space<vmem>>) semaphore(%arg27 : memref<!tpu.dma_semaphore, #tpu.memory_space<semaphore_mem>>) {add = true}
    %dma_wait3A_74 = arith.constant 0 : i32
    %dma_wait3A_75 = tpu.memref_slice %arg8[%dma_wait3A_74] : memref<100352xf32, #tpu.memory_space<vmem_shared>> -> memref<100352xf32, #tpu.memory_space<vmem_shared>>
    tpu.wait_indirect_dma semaphore(%arg26 : memref<!tpu.dma_semaphore, #tpu.memory_space<semaphore_mem>>) src(%arg19 : memref<10000xf32, #tpu.memory_space<vmem>>) dst(%dma_wait3A_75 : memref<100352xf32, #tpu.memory_space<vmem_shared>>)
    %dma_wait3A_76 = arith.constant 0 : i32
    %dma_wait3A_77 = tpu.memref_slice %arg8[%dma_wait3A_76] : memref<100352xf32, #tpu.memory_space<vmem_shared>> -> memref<100352xf32, #tpu.memory_space<vmem_shared>>
    tpu.wait_indirect_dma semaphore(%arg27 : memref<!tpu.dma_semaphore, #tpu.memory_space<semaphore_mem>>) src(%arg20 : memref<10000xf32, #tpu.memory_space<vmem>>) dst(%dma_wait3A_77 : memref<100352xf32, #tpu.memory_space<vmem_shared>>)
    %barrier3A_78 = arith.constant 0 : index
    tpu.barrier barrier_id(%barrier3A_78)
    "tpu.region"() ({
      %run_scoped3A = tpu.sem_alloc : memref<!tpu.dma_semaphore, #tpu.memory_space<semaphore_mem>>
      %dma_start3A_86 = tpu.memref_slice %arg8[%mul3A_0] : memref<100352xf32, #tpu.memory_space<vmem_shared>> -> memref<6272xf32, #tpu.memory_space<vmem_shared>>
      %dma_start3A_87 = tpu.memref_slice %arg8[%mul3A_0] : memref<100352xf32, #tpu.memory_space<vmem_shared>> -> memref<6272xf32, #tpu.memory_space<vmem_shared>>
      tpu.enqueue_dma source(%dma_start3A_87 : memref<6272xf32, #tpu.memory_space<vmem_shared>>) target(%arg12 : memref<6272xf32, #tpu.memory_space<vmem>>) target_semaphore(%run_scoped3A : memref<!tpu.dma_semaphore, #tpu.memory_space<semaphore_mem>>)
      %dma_wait3A_88 = tpu.memref_slice %arg8[%mul3A_0] : memref<100352xf32, #tpu.memory_space<vmem_shared>> -> memref<6272xf32, #tpu.memory_space<vmem_shared>>
      %dma_wait3A_89 = tpu.memref_slice %arg8[%mul3A_0] : memref<100352xf32, #tpu.memory_space<vmem_shared>> -> memref<6272xf32, #tpu.memory_space<vmem_shared>>
      tpu.wait_dma2 semaphore(%run_scoped3A : memref<!tpu.dma_semaphore, #tpu.memory_space<semaphore_mem>>) src(%dma_wait3A_89 : memref<6272xf32, #tpu.memory_space<vmem_shared>>) dst(%arg12 : memref<6272xf32, #tpu.memory_space<vmem>>)
      tpu.yield
    }) : () -> ()
    %eq3A = arith.constant 0 : i32
    %eq3A_79 = arith.cmpi eq, %arg0, %eq3A : i32
    %convert_element_type3A = arith.extui %eq3A_79 : i1 to i32
    %cond3A = arith.constant 0 : i32
    %cond3A_80 = arith.cmpi ne, %convert_element_type3A, %cond3A : i32
    scf.if %cond3A_80 {
      "tpu.region"() ({
        %run_scoped3A = tpu.sem_alloc : memref<!tpu.dma_semaphore, #tpu.memory_space<semaphore_mem>>
        %dma_start3A_86 = tpu.memref_slice %arg5[%mul3A_0] : memref<100352xf32, #tpu.memory_space<hbm>> -> memref<6272xf32, #tpu.memory_space<hbm>>
        %dma_start3A_87 = tpu.memref_slice %arg5[%mul3A_0] : memref<100352xf32, #tpu.memory_space<hbm>> -> memref<6272xf32, #tpu.memory_space<hbm>>
        tpu.enqueue_dma source(%arg12 : memref<6272xf32, #tpu.memory_space<vmem>>) target(%dma_start3A_87 : memref<6272xf32, #tpu.memory_space<hbm>>) target_semaphore(%run_scoped3A : memref<!tpu.dma_semaphore, #tpu.memory_space<semaphore_mem>>)
        %dma_wait3A_88 = tpu.memref_slice %arg5[%mul3A_0] : memref<100352xf32, #tpu.memory_space<hbm>> -> memref<6272xf32, #tpu.memory_space<hbm>>
        %dma_wait3A_89 = tpu.memref_slice %arg5[%mul3A_0] : memref<100352xf32, #tpu.memory_space<hbm>> -> memref<6272xf32, #tpu.memory_space<hbm>>
        tpu.wait_dma2 semaphore(%run_scoped3A : memref<!tpu.dma_semaphore, #tpu.memory_space<semaphore_mem>>) src(%arg12 : memref<6272xf32, #tpu.memory_space<vmem>>) dst(%dma_wait3A_89 : memref<6272xf32, #tpu.memory_space<hbm>>)
        tpu.yield
      }) : () -> ()
    } else {
    }
    %eq3A_81 = arith.constant 1 : i32
    %eq3A_82 = arith.cmpi eq, %arg0, %eq3A_81 : i32
    %convert_element_type3A_83 = arith.extui %eq3A_82 : i1 to i32
    %cond3A_84 = arith.constant 0 : i32
    %cond3A_85 = arith.cmpi ne, %convert_element_type3A_83, %cond3A_84 : i32
    scf.if %cond3A_85 {
      "tpu.region"() ({
        %run_scoped3A = tpu.sem_alloc : memref<!tpu.dma_semaphore, #tpu.memory_space<semaphore_mem>>
        %dma_start3A_86 = tpu.memref_slice %arg6[%mul3A_0] : memref<100352xf32, #tpu.memory_space<hbm>> -> memref<6272xf32, #tpu.memory_space<hbm>>
        %dma_start3A_87 = tpu.memref_slice %arg6[%mul3A_0] : memref<100352xf32, #tpu.memory_space<hbm>> -> memref<6272xf32, #tpu.memory_space<hbm>>
        tpu.enqueue_dma source(%arg12 : memref<6272xf32, #tpu.memory_space<vmem>>) target(%dma_start3A_87 : memref<6272xf32, #tpu.memory_space<hbm>>) target_semaphore(%run_scoped3A : memref<!tpu.dma_semaphore, #tpu.memory_space<semaphore_mem>>)
        %dma_wait3A_88 = tpu.memref_slice %arg6[%mul3A_0] : memref<100352xf32, #tpu.memory_space<hbm>> -> memref<6272xf32, #tpu.memory_space<hbm>>
        %dma_wait3A_89 = tpu.memref_slice %arg6[%mul3A_0] : memref<100352xf32, #tpu.memory_space<hbm>> -> memref<6272xf32, #tpu.memory_space<hbm>>
        tpu.wait_dma2 semaphore(%run_scoped3A : memref<!tpu.dma_semaphore, #tpu.memory_space<semaphore_mem>>) src(%arg12 : memref<6272xf32, #tpu.memory_space<vmem>>) dst(%dma_wait3A_89 : memref<6272xf32, #tpu.memory_space<hbm>>)
        tpu.yield
      }) : () -> ()
    } else {
    }
    return
  }
}

module attributes {stable_mosaic.version = 14 : i64} {
  func.func @_esplit_body(%arg0: i32, %arg1: memref<2x204800xi32, #tpu.memory_space<vmem>>, %arg2: memref<204800xi32, #tpu.memory_space<vmem>>, %arg3: memref<204800xi32, #tpu.memory_space<vmem>>) attributes {dimension_semantics = [#tpu.dimension_semantics<arbitrary>], iteration_bounds = array<i64: 8>, scalar_prefetch = 0 : i64, scratch_operands = 0 : i64, tpu.core_type = #tpu.core_type<tc>, window_params = [{transform_indices = @transform_0, window_bounds = array<i64: 2, 204800>}, {transform_indices = @transform_1, window_bounds = array<i64: 204800>}, {transform_indices = @transform_2, window_bounds = array<i64: 204800>}]} {
    %get3A = arith.constant 0 : index
    %get3A_0 = arith.constant 0 : index
    %get3A_1 = vector.load %arg1[%get3A, %get3A_0] : memref<2x204800xi32, #tpu.memory_space<vmem>>, vector<1x204800xi32>
    %get3A_2 = vector.shape_cast %get3A_1 : vector<1x204800xi32> to vector<204800xi32>
    %swap3A = arith.constant 0 : index
    %swap3A_3 = vector.load %arg2[%swap3A] : memref<204800xi32, #tpu.memory_space<vmem>>, vector<204800xi32>
    tpu.vector_store %arg2[%swap3A], %get3A_2 {strides = array<i32>} : memref<204800xi32, #tpu.memory_space<vmem>>, vector<204800xi32>,
    %get3A_4 = arith.constant 1 : index
    %get3A_5 = arith.constant 0 : index
    %get3A_6 = vector.load %arg1[%get3A_4, %get3A_5] : memref<2x204800xi32, #tpu.memory_space<vmem>>, vector<1x204800xi32>
    %get3A_7 = vector.shape_cast %get3A_6 : vector<1x204800xi32> to vector<204800xi32>
    %swap3A_8 = arith.constant 0 : index
    %swap3A_9 = vector.load %arg3[%swap3A_8] : memref<204800xi32, #tpu.memory_space<vmem>>, vector<204800xi32>
    tpu.vector_store %arg3[%swap3A_8], %get3A_7 {strides = array<i32>} : memref<204800xi32, #tpu.memory_space<vmem>>, vector<204800xi32>,
    return
  }
  func.func @transform_0(%arg0: i32) -> (i32, i32) {
    %c0_i32 = arith.constant 0 : i32
    %c0_i32_0 = arith.constant 0 : i32
    return %c0_i32, %arg0 : i32, i32
  }
  func.func @transform_1(%arg0: i32) -> i32 {
    %c0_i32 = arith.constant 0 : i32
    return %arg0 : i32
  }
  func.func @transform_2(%arg0: i32) -> i32 {
    %c0_i32 = arith.constant 0 : i32
    return %arg0 : i32
  }
}

module attributes {stable_mosaic.version = 14 : i64} {
  func.func @_proj_body(%arg0: i32, %arg1: memref<2048x128xf32, #tpu.memory_space<vmem>>, %arg2: memref<2x128xf32, #tpu.memory_space<vmem>>, %arg3: memref<16x128xf32, #tpu.memory_space<vmem>>, %arg4: memref<16x128xf32, #tpu.memory_space<vmem>>) attributes {dimension_semantics = [#tpu.dimension_semantics<arbitrary>], iteration_bounds = array<i64: 49>, scalar_prefetch = 0 : i64, scratch_operands = 0 : i64, tpu.core_type = #tpu.core_type<tc>, window_params = [{transform_indices = @transform_0, window_bounds = array<i64: 2048, 128>}, {pipeline_mode = #tpu.pipeline_mode<synchronous>, transform_indices = @transform_1, window_bounds = array<i64: 2, 128>}, {transform_indices = @transform_2, window_bounds = array<i64: 16, 128>}, {transform_indices = @transform_3, window_bounds = array<i64: 16, 128>}]} {
    %get3A = arith.constant 0 : index
    %get3A_0 = arith.constant 0 : index
    %get3A_1 = vector.load %arg2[%get3A, %get3A_0] : memref<2x128xf32, #tpu.memory_space<vmem>>, vector<2x128xf32>
    %get3A_2 = arith.constant 0 : index
    %get3A_3 = arith.constant 0 : index
    %get3A_4 = vector.load %arg1[%get3A_2, %get3A_3] : memref<2048x128xf32, #tpu.memory_space<vmem>>, vector<2048x128xf32>
    %dot_general3A = arith.constant dense<0.000000e+00> : vector<2x2048xf32>
    %dot_general3A_5 = tpu.matmul %get3A_1, %get3A_4, %dot_general3A {dimension_numbers = #tpu.dot_dimension_numbers<[1], [1], [0], [0], [0, 0, 1, 0], [], []>, transpose_lhs_hint = false} : vector<2x128xf32>, vector<2048x128xf32>, vector<2x2048xf32> -> vector<2x2048xf32>
    %slice3A = vector.extract_strided_slice %dot_general3A_5 {offsets = [0, 0], sizes = [1, 2048], strides = [1, 1]} : vector<2x2048xf32> to vector<1x2048xf32>
    %squeeze3A = vector.shape_cast %slice3A : vector<1x2048xf32> to vector<2048xf32>
    %reshape3A = vector.shape_cast %squeeze3A : vector<2048xf32> to vector<16x128xf32>
    %swap3A = arith.constant 0 : index
    %swap3A_6 = arith.constant 0 : index
    %swap3A_7 = vector.load %arg3[%swap3A, %swap3A_6] : memref<16x128xf32, #tpu.memory_space<vmem>>, vector<16x128xf32>
    tpu.vector_store %arg3[%swap3A, %swap3A_6], %reshape3A {strides = array<i32>} : memref<16x128xf32, #tpu.memory_space<vmem>>, vector<16x128xf32>,
    %slice3A_8 = vector.extract_strided_slice %dot_general3A_5 {offsets = [1, 0], sizes = [1, 2048], strides = [1, 1]} : vector<2x2048xf32> to vector<1x2048xf32>
    %squeeze3A_9 = vector.shape_cast %slice3A_8 : vector<1x2048xf32> to vector<2048xf32>
    %reshape3A_10 = vector.shape_cast %squeeze3A_9 : vector<2048xf32> to vector<16x128xf32>
    %swap3A_11 = arith.constant 0 : index
    %swap3A_12 = arith.constant 0 : index
    %swap3A_13 = vector.load %arg4[%swap3A_11, %swap3A_12] : memref<16x128xf32, #tpu.memory_space<vmem>>, vector<16x128xf32>
    tpu.vector_store %arg4[%swap3A_11, %swap3A_12], %reshape3A_10 {strides = array<i32>} : memref<16x128xf32, #tpu.memory_space<vmem>>, vector<16x128xf32>,
    return
  }
  func.func @transform_0(%arg0: i32) -> (i32, i32) {
    %c0_i32 = arith.constant 0 : i32
    %c0_i32_0 = arith.constant 0 : i32
    return %arg0, %c0_i32 : i32, i32
  }
  func.func @transform_1(%arg0: i32) -> (i32, i32) {
    %c0_i32 = arith.constant 0 : i32
    %c0_i32_0 = arith.constant 0 : i32
    %c0_i32_1 = arith.constant 0 : i32
    return %c0_i32, %c0_i32_0 : i32, i32
  }
  func.func @transform_2(%arg0: i32) -> (i32, i32) {
    %c0_i32 = arith.constant 0 : i32
    %c0_i32_0 = arith.constant 0 : i32
    return %arg0, %c0_i32 : i32, i32
  }
  func.func @transform_3(%arg0: i32) -> (i32, i32) {
    %c0_i32 = arith.constant 0 : i32
    %c0_i32_0 = arith.constant 0 : i32
    return %arg0, %c0_i32 : i32, i32
  }
}

module attributes {stable_mosaic.version = 14 : i64} {
  func.func @_final_body(%arg0: i32, %arg1: memref<784x128xf32, #tpu.memory_space<vmem>>, %arg2: memref<784x128xf32, #tpu.memory_space<vmem>>, %arg3: memref<784x128xf32, #tpu.memory_space<vmem>>, %arg4: memref<1x1xf32, #tpu.memory_space<vmem>>, %arg5: memref<1x1xf32, #tpu.memory_space<vmem>>, %arg6: memref<1x1xf32, #tpu.memory_space<vmem>>, %arg7: memref<1x8xf32, #tpu.memory_space<vmem>>, %arg8: memref<1x8xf32, #tpu.memory_space<vmem>>, %arg9: memref<4x8xf32, #tpu.memory_space<vmem>>, %arg10: memref<1x4xf32, #tpu.memory_space<vmem>>, %arg11: memref<1x4xf32, #tpu.memory_space<vmem>>, %arg12: memref<1xf32, #tpu.memory_space<smem>>) attributes {dimension_semantics = [#tpu.dimension_semantics<arbitrary>], iteration_bounds = array<i64: 1>, scalar_prefetch = 0 : i64, scratch_operands = 1 : i64, tpu.core_type = #tpu.core_type<tc>, window_params = [{transform_indices = @transform_0, window_bounds = array<i64: 784, 128>}, {transform_indices = @transform_1, window_bounds = array<i64: 784, 128>}, {transform_indices = @transform_2, window_bounds = array<i64: 784, 128>}, {pipeline_mode = #tpu.pipeline_mode<synchronous>, transform_indices = @transform_3, window_bounds = array<i64: 1, 1>}, {pipeline_mode = #tpu.pipeline_mode<synchronous>, transform_indices = @transform_4, window_bounds = array<i64: 1, 1>}, {pipeline_mode = #tpu.pipeline_mode<synchronous>, transform_indices = @transform_5, window_bounds = array<i64: 1, 1>}, {pipeline_mode = #tpu.pipeline_mode<synchronous>, transform_indices = @transform_6, window_bounds = array<i64: 1, 8>}, {pipeline_mode = #tpu.pipeline_mode<synchronous>, transform_indices = @transform_7, window_bounds = array<i64: 1, 8>}, {pipeline_mode = #tpu.pipeline_mode<synchronous>, transform_indices = @transform_8, window_bounds = array<i64: 4, 8>}, {pipeline_mode = #tpu.pipeline_mode<synchronous>, transform_indices = @transform_9, window_bounds = array<i64: 1, 4>}, {pipeline_mode = #tpu.pipeline_mode<synchronous>, transform_indices = @transform_10, window_bounds = array<i64: 1, 4>}]} {
    %eq3A = arith.constant 0 : i32
    %eq3A_0 = arith.cmpi eq, %arg0, %eq3A : i32
    %convert_element_type3A = arith.extui %eq3A_0 : i1 to i32
    %cond3A = arith.constant 0 : i32
    %cond3A_1 = arith.cmpi ne, %convert_element_type3A, %cond3A : i32
    scf.if %cond3A_1 {
      %swap3A_54 = arith.constant 0.000000e+00 : f32
      %swap3A_55 = arith.constant 0 : index
      %swap3A_56 = memref.load %arg12[%swap3A_55] : memref<1xf32, #tpu.memory_space<smem>>
      memref.store %swap3A_54, %arg12[%swap3A_55] : memref<1xf32, #tpu.memory_space<smem>>
    } else {
    }
    %get3A = arith.constant 0 : index
    %get3A_2 = arith.constant 0 : index
    %get3A_3 = vector.load %arg4[%get3A, %get3A_2] : memref<1x1xf32, #tpu.memory_space<vmem>>, vector<1x1xf32>
    %get3A_4 = vector.extract %get3A_3[0, 0] : f32 from vector<1x1xf32>
    %get3A_5 = arith.constant 0 : index
    %get3A_6 = arith.constant 0 : index
    %get3A_7 = vector.load %arg5[%get3A_5, %get3A_6] : memref<1x1xf32, #tpu.memory_space<vmem>>, vector<1x1xf32>
    %get3A_8 = vector.extract %get3A_7[0, 0] : f32 from vector<1x1xf32>
    %get3A_9 = arith.constant 0 : index
    %get3A_10 = arith.constant 0 : index
    %get3A_11 = vector.load %arg6[%get3A_9, %get3A_10] : memref<1x1xf32, #tpu.memory_space<vmem>>, vector<1x1xf32>
    %get3A_12 = vector.extract %get3A_11[0, 0] : f32 from vector<1x1xf32>
    %get3A_13 = arith.constant 0 : index
    %get3A_14 = arith.constant 0 : index
    %get3A_15 = vector.load %arg1[%get3A_13, %get3A_14] : memref<784x128xf32, #tpu.memory_space<vmem>>, vector<784x128xf32>
    %get3A_16 = arith.constant 0 : index
    %get3A_17 = arith.constant 0 : index
    %get3A_18 = vector.load %arg2[%get3A_16, %get3A_17] : memref<784x128xf32, #tpu.memory_space<vmem>>, vector<784x128xf32>
    %add3A = arith.addf %get3A_15, %get3A_18 : vector<784x128xf32>
    %mul3A = vector.broadcast %get3A_4 : f32 to vector<784x128xf32>
    %mul3A_19 = arith.mulf %mul3A, %add3A : vector<784x128xf32>
    %add3A_20 = vector.broadcast %get3A_8 : f32 to vector<784x128xf32>
    %add3A_21 = arith.addf %mul3A_19, %add3A_20 : vector<784x128xf32>
    %get3A_22 = arith.constant 0 : index
    %get3A_23 = arith.constant 0 : index
    %get3A_24 = vector.load %arg3[%get3A_22, %get3A_23] : memref<784x128xf32, #tpu.memory_space<vmem>>, vector<784x128xf32>
    %mul3A_25 = vector.broadcast %get3A_12 : f32 to vector<784x128xf32>
    %mul3A_26 = arith.mulf %mul3A_25, %get3A_24 : vector<784x128xf32>
    %add3A_27 = arith.addf %add3A_21, %mul3A_26 : vector<784x128xf32>
    %max3A = arith.constant 0.000000e+00 : f32
    %max3A_28 = vector.broadcast %max3A : f32 to vector<784x128xf32>
    %max3A_29 = arith.maximumf %add3A_27, %max3A_28 : vector<784x128xf32>
    %iota3A = tpu.iota {dimensions = array<i32: 0>} : vector<784x128xi32>
    %mul3A_30 = arith.constant 784 : i32
    %mul3A_31 = arith.muli %arg0, %mul3A_30 : i32
    %add3A_32 = vector.broadcast %mul3A_31 : i32 to vector<784x128xi32>
    %add3A_33 = arith.addi %iota3A, %add3A_32 : vector<784x128xi32>
    %iota3A_34 = tpu.iota {dimensions = array<i32: 1>} : vector<784x128xi32>
    %mul3A_35 = arith.constant 128 : i32
    %mul3A_36 = vector.broadcast %mul3A_35 : i32 to vector<784x128xi32>
    %mul3A_37 = arith.muli %add3A_33, %mul3A_36 : vector<784x128xi32>
    %add3A_38 = arith.addi %mul3A_37, %iota3A_34 : vector<784x128xi32>
    %lt3A = arith.constant 100000 : i32
    %lt3A_39 = vector.broadcast %lt3A : i32 to vector<784x128xi32>
    %lt3A_40 = arith.cmpi slt, %add3A_38, %lt3A_39 : vector<784x128xi32>
    %jit3A = arith.constant 0.000000e+00 : f32
    %broadcast_in_dim3A = vector.broadcast %jit3A : f32 to vector<784x128xf32>
    %select_n3A = arith.select %lt3A_40, %max3A_29, %broadcast_in_dim3A : vector<784x128xi1>, vector<784x128xf32>
    %get3A_41 = arith.constant 0 : index
    %get3A_42 = memref.load %arg12[%get3A_41] : memref<1xf32, #tpu.memory_space<smem>>
    %reduce_sum3A = vector.shape_cast %select_n3A : vector<784x128xf32> to vector<1x784x128xf32>
    %reduce_sum3A_43 = arith.constant dense<0.000000e+00> : vector<1xf32>
    %reduce_sum3A_44 = vector.multi_reduction <add>, %reduce_sum3A, %reduce_sum3A_43 [1, 2] : vector<1x784x128xf32> to vector<1xf32>
    %reduce_sum3A_45 = vector.shape_cast %reduce_sum3A_44 : vector<1xf32> to vector<1x1x1xf32>
    %reduce_sum3A_46 = vector.extract %reduce_sum3A_45[0, 0, 0] : f32 from vector<1x1x1xf32>
    %add3A_47 = arith.addf %get3A_42, %reduce_sum3A_46 : f32
    %swap3A = arith.constant 0 : index
    %swap3A_48 = memref.load %arg12[%swap3A] : memref<1xf32, #tpu.memory_space<smem>>
    memref.store %add3A_47, %arg12[%swap3A] : memref<1xf32, #tpu.memory_space<smem>>
    %eq3A_49 = arith.constant 0 : i32
    %eq3A_50 = arith.cmpi eq, %arg0, %eq3A_49 : i32
    %convert_element_type3A_51 = arith.extui %eq3A_50 : i1 to i32
    %cond3A_52 = arith.constant 0 : i32
    %cond3A_53 = arith.cmpi ne, %convert_element_type3A_51, %cond3A_52 : i32
    scf.if %cond3A_53 {
      %get3A_54 = arith.constant 0 : index
      %get3A_55 = memref.load %arg12[%get3A_54] : memref<1xf32, #tpu.memory_space<smem>>
      %get3A_56 = arith.constant 0 : index
      %get3A_57 = arith.constant 0 : index
      %get3A_58 = vector.load %arg7[%get3A_56, %get3A_57] : memref<1x8xf32, #tpu.memory_space<vmem>>, vector<1x8xf32>
      %mul3A_59 = vector.broadcast %get3A_55 : f32 to vector<1x8xf32>
      %mul3A_60 = arith.mulf %mul3A_59, %get3A_58 : vector<1x8xf32>
      %get3A_61 = arith.constant 0 : index
      %get3A_62 = arith.constant 0 : index
      %get3A_63 = vector.load %arg8[%get3A_61, %get3A_62] : memref<1x8xf32, #tpu.memory_space<vmem>>, vector<1x8xf32>
      %add3A_64 = arith.addf %mul3A_60, %get3A_63 : vector<1x8xf32>
      %mul3A_65 = arith.constant 1.000000e+03 : f32
      %mul3A_66 = vector.broadcast %mul3A_65 : f32 to vector<1x8xf32>
      %mul3A_67 = arith.mulf %add3A_64, %mul3A_66 : vector<1x8xf32>
      %neg3A = arith.constant 0.000000e+00 : f32
      %neg3A_68 = vector.broadcast %neg3A : f32 to vector<1x8xf32>
      %neg3A_69 = arith.subf %neg3A_68, %mul3A_67 : vector<1x8xf32>
      %exp3A = math.exp %neg3A_69 : vector<1x8xf32>
      %add3A_70 = arith.constant 1.000000e+00 : f32
      %add3A_71 = vector.broadcast %add3A_70 : f32 to vector<1x8xf32>
      %add3A_72 = arith.addf %add3A_71, %exp3A : vector<1x8xf32>
      %div3A = arith.constant 1.000000e+00 : f32
      %div3A_73 = vector.broadcast %div3A : f32 to vector<1x8xf32>
      %div3A_74 = arith.divf %div3A_73, %add3A_72 : vector<1x8xf32>
      %get3A_75 = arith.constant 0 : index
      %get3A_76 = arith.constant 0 : index
      %get3A_77 = vector.load %arg9[%get3A_75, %get3A_76] : memref<4x8xf32, #tpu.memory_space<vmem>>, vector<4x8xf32>
      %mul3A_78 = vector.broadcast %div3A_74 : vector<1x8xf32> to vector<4x8xf32>
      %mul3A_79 = arith.mulf %mul3A_78, %get3A_77 : vector<4x8xf32>
      %reduce_sum3A_80 = arith.constant dense<0.000000e+00> : vector<4xf32>
      %reduce_sum3A_81 = vector.multi_reduction <add>, %mul3A_79, %reduce_sum3A_80 [1] : vector<4x8xf32> to vector<4xf32>
      %reshape3A = vector.shape_cast %reduce_sum3A_81 : vector<4xf32> to vector<1x4xf32>
      %get3A_82 = arith.constant 0 : index
      %get3A_83 = arith.constant 0 : index
      %get3A_84 = vector.load %arg10[%get3A_82, %get3A_83] : memref<1x4xf32, #tpu.memory_space<vmem>>, vector<1x4xf32>
      %add3A_85 = arith.addf %reshape3A, %get3A_84 : vector<1x4xf32>
      %max3A_86 = arith.constant 0.000000e+00 : f32
      %max3A_87 = vector.broadcast %max3A_86 : f32 to vector<1x4xf32>
      %max3A_88 = arith.maximumf %add3A_85, %max3A_87 : vector<1x4xf32>
      %reduce_max3A = vector.shape_cast %max3A_88 : vector<1x4xf32> to vector<1x1x4xf32>
      %reduce_max3A_89 = arith.constant dense<0xFF800000> : vector<1xf32>
      %reduce_max3A_90 = vector.multi_reduction <maximumf>, %reduce_max3A, %reduce_max3A_89 [1, 2] : vector<1x1x4xf32> to vector<1xf32>
      %reduce_max3A_91 = vector.shape_cast %reduce_max3A_90 : vector<1xf32> to vector<1x1x1xf32>
      %reduce_max3A_92 = vector.extract %reduce_max3A_91[0, 0, 0] : f32 from vector<1x1x1xf32>
      %sub3A = vector.broadcast %reduce_max3A_92 : f32 to vector<1x4xf32>
      %sub3A_93 = arith.subf %max3A_88, %sub3A : vector<1x4xf32>
      %exp3A_94 = math.exp %sub3A_93 : vector<1x4xf32>
      %reduce_sum3A_95 = vector.shape_cast %exp3A_94 : vector<1x4xf32> to vector<1x1x4xf32>
      %reduce_sum3A_96 = arith.constant dense<0.000000e+00> : vector<1xf32>
      %reduce_sum3A_97 = vector.multi_reduction <add>, %reduce_sum3A_95, %reduce_sum3A_96 [1, 2] : vector<1x1x4xf32> to vector<1xf32>
      %reduce_sum3A_98 = vector.shape_cast %reduce_sum3A_97 : vector<1xf32> to vector<1x1x1xf32>
      %reduce_sum3A_99 = vector.extract %reduce_sum3A_98[0, 0, 0] : f32 from vector<1x1x1xf32>
      %log3A = math.log %reduce_sum3A_99 : f32
      %add3A_100 = arith.addf %reduce_max3A_92, %log3A : f32
      %sub3A_101 = vector.broadcast %add3A_100 : f32 to vector<1x4xf32>
      %sub3A_102 = arith.subf %max3A_88, %sub3A_101 : vector<1x4xf32>
      %swap3A_103 = arith.constant 0 : index
      %swap3A_104 = arith.constant 0 : index
      %swap3A_105 = vector.load %arg11[%swap3A_103, %swap3A_104] : memref<1x4xf32, #tpu.memory_space<vmem>>, vector<1x4xf32>
      tpu.vector_store %arg11[%swap3A_103, %swap3A_104], %sub3A_102 {strides = array<i32>} : memref<1x4xf32, #tpu.memory_space<vmem>>, vector<1x4xf32>,
    } else {
    }
    return
  }
  func.func @transform_0(%arg0: i32) -> (i32, i32) {
    %c0_i32 = arith.constant 0 : i32
    %c0_i32_0 = arith.constant 0 : i32
    return %arg0, %c0_i32 : i32, i32
  }
  func.func @transform_1(%arg0: i32) -> (i32, i32) {
    %c0_i32 = arith.constant 0 : i32
    %c0_i32_0 = arith.constant 0 : i32
    return %arg0, %c0_i32 : i32, i32
  }
  func.func @transform_2(%arg0: i32) -> (i32, i32) {
    %c0_i32 = arith.constant 0 : i32
    %c0_i32_0 = arith.constant 0 : i32
    return %arg0, %c0_i32 : i32, i32
  }
  func.func @transform_3(%arg0: i32) -> (i32, i32) {
    %c0_i32 = arith.constant 0 : i32
    %c0_i32_0 = arith.constant 0 : i32
    %c0_i32_1 = arith.constant 0 : i32
    return %c0_i32, %c0_i32_0 : i32, i32
  }
  func.func @transform_4(%arg0: i32) -> (i32, i32) {
    %c0_i32 = arith.constant 0 : i32
    %c0_i32_0 = arith.constant 0 : i32
    %c0_i32_1 = arith.constant 0 : i32
    return %c0_i32, %c0_i32_0 : i32, i32
  }
  func.func @transform_5(%arg0: i32) -> (i32, i32) {
    %c0_i32 = arith.constant 0 : i32
    %c0_i32_0 = arith.constant 0 : i32
    %c0_i32_1 = arith.constant 0 : i32
    return %c0_i32, %c0_i32_0 : i32, i32
  }
  func.func @transform_6(%arg0: i32) -> (i32, i32) {
    %c0_i32 = arith.constant 0 : i32
    %c0_i32_0 = arith.constant 0 : i32
    %c0_i32_1 = arith.constant 0 : i32
    return %c0_i32, %c0_i32_0 : i32, i32
  }
  func.func @transform_7(%arg0: i32) -> (i32, i32) {
    %c0_i32 = arith.constant 0 : i32
    %c0_i32_0 = arith.constant 0 : i32
    %c0_i32_1 = arith.constant 0 : i32
    return %c0_i32, %c0_i32_0 : i32, i32
  }
  func.func @transform_8(%arg0: i32) -> (i32, i32) {
    %c0_i32 = arith.constant 0 : i32
    %c0_i32_0 = arith.constant 0 : i32
    %c0_i32_1 = arith.constant 0 : i32
    return %c0_i32, %c0_i32_0 : i32, i32
  }
  func.func @transform_9(%arg0: i32) -> (i32, i32) {
    %c0_i32 = arith.constant 0 : i32
    %c0_i32_0 = arith.constant 0 : i32
    %c0_i32_1 = arith.constant 0 : i32
    return %c0_i32, %c0_i32_0 : i32, i32
  }
  func.func @transform_10(%arg0: i32) -> (i32, i32) {
    %c0_i32 = arith.constant 0 : i32
    %c0_i32_0 = arith.constant 0 : i32
    %c0_i32_1 = arith.constant 0 : i32
    return %c0_i32, %c0_i32_0 : i32, i32
  }
}

</mosaic_0001>

<sc_bundles>
// kernel: kernel.11.cloned.1.call-start
scs
__scs_entry_jumppad:
0x0: {  	(pc) =	sbr.rel $0x88, $3  }
0x1: {  	(tag) =	ssettag $0x0;
	lr =	simm.s32 $0x1  }
0x2: {  	[smem:$0x3F92] =	sst lr;
	_ =	strace $0xD0000000  }
0x3: {  	_ = 	snop  }
0x4: {  	_ = 	snop  }
0x5: {  	_ = 	snop  }
0x6: {  	_ = 	snop  }
0x7: {  	_ = 	snop  }
__scs_overlays_trampoline_lowered:
0x8: {  	[smem:$0x3FA1] =	sst s0  }
0x9: {  	[smem:$0x3FA2] =	sst s1  }
0xa: {  	[smem:$0x3FA3] =	sst s2  }
0xb: {  	[smem:$0x3FA4] =	sst s3  }
0xc: {  	[smem:$0x3FA5] =	sst s4  }
0xd: {  	[smem:$0x3FA6] =	sst s5  }
0xe: {  	[smem:$0x3FA7] =	sst s6  }
0xf: {  	[smem:$0x3FA8] =	sst s7  }
0x10: {  	[smem:$0x3FA9] =	sst s8  }
0x11: {  	[smem:$0x3FAA] =	sst s9;
	s0 =	simm.s32 @!p0 $0x0  }
0x12: {  	s1 =	sld [smem:$0x3F90];
	s0 =	simm.s32 @p0 $0x1  }
0x13: {  	[smem:$0x3FAB] =	sst s0;
	s0 =	simm.s32 @!p1 $0x0  }
0x14: {  	s2 =	sld [smem:$0x3F8F];
	s0 =	simm.s32 @p1 $0x1  }
0x15: {  	[smem:$0x3FAC] =	sst s0;
	s0 =	simm.s32 @!p2 $0x0  }
0x16: {  	s3 =	sld [smem:$0x3FDB];
	s0 =	simm.s32 @p2 $0x1  }
0x17: {  	s4 =	simm.s32 $0x1BF5;
	[smem:$0x3FAE] =	sst s0  }
0x18: {  	s0 =	sld [smem:$0x3F91];
	_ =	swait.ge [sflag:s4], $0x0  }
0x19: {  	s7 =	sld [smem:$0x3F92]  }
0x1a: {  	s8 =	sadd.s32 $0xFFFFE003, lr  }
0x1b: {  	s9 =	sadd.s32 $0xFFFFFEF7, lr;
	s5 =	simm.s32 $0xFFFFFFFF;
	p2 =	slt.u32 s8, $0xFFFFF086  }
0x1c: {  	p1 =	slt.u32 s9, $0xF7A;
	s5 =	simm.s32 @!p2 $0x0  }
0x1d: {  	s5 =	simm.s32 @p1 $0x1;
	p0 =	seq.s32 s7, s2  }
0x1e: {  	s7 =	smul.u32 @!p0 $0xF7A, s2;
	p2 =	seq.s32 @!p0 s5, $0x0  }
0x1f: {  	s9 =	smul.u32 $0xF7A, s1;
	s8 =	simm.s32 @!p0 $0x1BF5;
	p2 =	por !p2, p0  }
0x20: {  	[sflag:s8] =	ssyncset.s32 @!p0 $0xFFFFF086;
	s6 =	sadd.s32 @!p0 s3, s7;
	s7 =	simm.s32 @!p0 $0x108  }
0x21: {  	s3 =	sadd.s32 s3, s9;
	s6 =	sadd.s32 @!p0 $0x88, s6;
	s7 =	simm.s32 @p2 $0x1082  }
0x22: {  	[simem:s7], [sflag:s8] =	dma.local @!p0 [hbm:s6], $0xF7A  }
0x23: {  	s9 =	sor.u32 $0xD0000000, s2;
	s6 =	simm.s32 $0x108;
	_ =	swait.ge @!p0 [sflag:s8], $0x0  }
0x24: {  	s3 =	sadd.s32 $0x88, s3;
	s6 =	simm.s32 @!p1 $0x1082;
	[sflag:s4] =	ssyncset.s32 $0xFFFFF086  }
0x25: {  	[simem:s6], [sflag:s4] =	dma.local [hbm:s3], $0xF7A  }
0x26: {  	[smem:$0x3F92] =	sst s1;
	(tag) =	ssettag s2;
	_ =	strace s9  }
0x27: {  	s1 =	sld [smem:$0x3FA2]  }
0x28: {  	s2 =	sld [smem:$0x3FA3]  }
0x29: {  	s4 =	sld [smem:$0x3FA5]  }
0x2a: {  	p0 =	seq.s32 s5, $0x0;
	s5 =	sld [smem:$0x3FA6]  }
0x2b: {  	s6 =	sld [smem:$0x3FA7]  }
0x2c: {  	s7 =	sld [smem:$0x3FA8]  }
0x2d: {  	s3 =	simm.s32 $0x108;
	s8 =	sld [smem:$0x3FA9]  }
0x2e: {  	s3 =	simm.s32 @!p0 $0x1082;
	s9 =	sld [smem:$0x3FAA]  }
0x2f: {  	lr =	sadd.s32 s0, s3;
	s0 =	sld [smem:$0x3FA1]  }
0x30: {  	s3 =	sld [smem:$0x3FA4]  }
0x31: {  	[smem:$0x3FAD] =	sst s10  }
0x32: {  	s10 =	sld [smem:$0x3FAB];
	_ =	sdelay $0x3  }
0x33: {  	p0 =	seq.s32 s10, $0x1;
	s10 =	sld [smem:$0x3FAD];
	_ =	sdelay $0x3  }
0x34: {  	[smem:$0x3FAD] =	sst s10  }
0x35: {  	s10 =	sld [smem:$0x3FAC];
	_ =	sdelay $0x3  }
0x36: {  	p1 =	seq.s32 s10, $0x1;
	s10 =	sld [smem:$0x3FAD];
	_ =	sdelay $0x3  }
0x37: {  	[smem:$0x3FAD] =	sst s10  }
0x38: {  	s10 =	sld [smem:$0x3FAE]  }
0x39: {  	_ = 	snop;
	(pc) =	sbr.ind lr, $3  }
0x3a: {  	_ = 	snop  }
0x3b: {  	_ = 	snop  }
0x3c: {  	p2 =	seq.s32 s10, $0x1;
	s10 =	sld [smem:$0x3FAD]  }
0x3d: {  	_ =	shalt  }
0x3e: {  	_ =	shalt  }
0x3f: {  	_ =	shalt  }
0x40: {  	_ =	shalt  }
0x41: {  	_ =	shalt  }
0x42: {  	_ =	shalt  }
0x43: {  	_ =	shalt  }
0x44: {  	_ =	shalt  }
0x45: {  	_ =	shalt  }
0x46: {  	_ =	shalt  }
0x47: {  	_ =	shalt  }
0x48: {  	_ =	shalt  }
0x49: {  	_ =	shalt  }
0x4a: {  	_ =	shalt  }
0x4b: {  	_ =	shalt  }
0x4c: {  	_ =	shalt  }
0x4d: {  	_ =	shalt  }
0x4e: {  	_ =	shalt  }
0x4f: {  	_ =	shalt  }
0x50: {  	_ =	shalt  }
0x51: {  	_ =	shalt  }
0x52: {  	_ =	shalt  }
0x53: {  	_ =	shalt  }
0x54: {  	_ =	shalt  }
0x55: {  	_ =	shalt  }
0x56: {  	_ =	shalt  }
0x57: {  	_ =	shalt  }
0x58: {  	_ =	shalt  }
0x59: {  	_ =	shalt  }
0x5a: {  	_ =	shalt  }
0x5b: {  	_ =	shalt  }
0x5c: {  	_ =	shalt  }
0x5d: {  	_ =	shalt  }
0x5e: {  	_ =	shalt  }
0x5f: {  	_ =	shalt  }
0x60: {  	_ =	shalt  }
0x61: {  	_ =	shalt  }
0x62: {  	_ =	shalt  }
0x63: {  	_ =	shalt  }
0x64: {  	_ =	shalt  }
0x65: {  	_ =	shalt  }
0x66: {  	_ =	shalt  }
0x67: {  	_ =	shalt  }
0x68: {  	_ =	shalt  }
0x69: {  	_ =	shalt  }
0x6a: {  	_ =	shalt  }
0x6b: {  	_ =	shalt  }
0x6c: {  	_ =	shalt  }
0x6d: {  	_ =	shalt  }
0x6e: {  	_ =	shalt  }
0x6f: {  	_ =	shalt  }
0x70: {  	_ =	shalt  }
0x71: {  	_ =	shalt  }
0x72: {  	_ =	shalt  }
0x73: {  	_ =	shalt  }
0x74: {  	_ =	shalt  }
0x75: {  	_ =	shalt  }
0x76: {  	_ =	shalt  }
0x77: {  	_ =	shalt  }
0x78: {  	_ =	shalt  }
0x79: {  	_ =	shalt  }
0x7a: {  	_ =	shalt  }
0x7b: {  	_ =	shalt  }
0x7c: {  	_ =	shalt  }
0x7d: {  	_ =	shalt  }
0x7e: {  	_ =	shalt  }
0x7f: {  	_ =	shalt  }
0x80: {  	_ =	shalt  }
0x81: {  	_ =	shalt  }
0x82: {  	_ =	shalt  }
0x83: {  	_ =	shalt  }
0x84: {  	_ =	shalt  }
0x85: {  	_ =	shalt  }
0x86: {  	_ =	shalt  }
0x87: {  	_ =	shalt  }
.Lfunc_end0:
.L_simem_size_0:
called_computation.1_lowered:
.L_overlay_start_0:
0x88: {  	s2 =	sld [smem:$0x3FD9]  }
0x89: {  	s3 =	sld [smem:$0x3FFE];
	_ =	sdelay $0x1  }
0x8a: {  	s1 =	srdreg.scid  }
0x8b: {  	s0 =	sand.u32 $0x1, s1  }
0x8c: {  	s17 =	sshll.u32 s0, $0xA;
	s2 =	sadd.s32 s3, s2  }
0x8d: {  	s2 =	sadd.s32 s2, s17  }
0x8e: {  	[smem:$0x3FB9] =	sst s2  }
0x8f: {  	_ = 	snop  }
0x90: {  	s2 =	sld [smem:$0x3FD0];
	(tm) =	ssettm $0x1  }
0x91: {  	s18 =	sld [smem:$0x3FFB];
	_ =	sdelay $0x3  }
0x92: {  	_ =	strace s18  }
0x93: {  	s3 =	sld [smem:$0x3FFC];
	_ =	sdelay $0x3  }
0x94: {  	_ =	strace s3  }
0x95: {  	s3 =	sld [smem:$0x3FFD];
	_ =	sdelay $0x3  }
0x96: {  	_ =	strace s3  }
0x97: {  	_ =	strace $0x8FFFFFFF  }
0x98: {  	s19 =	sld [smem:$0x3FDB];
	_ =	sdelay $0x1  }
0x99: {  	s4 =	simm.s32 $_scs_section_size  }
0x9a: {  	s5 =	simm.s32 $_size__tile_overlayer_lowered;
	s6 =	simm.s32 $_tile_overlayer_lowered  }
0x9b: {  	s22 =	simm.s32 $0x1BFF;
	s21 =	sshll.u32 s6, $0x1;
	s3 =	sadd.s32 s4, s19  }
0x9c: {  	s7 =	simm.s32 $0x0;
	s20 =	sshll.u32 s5, $0x1;
	s5 =	sadd.s32 s21, s3  }
0x9d: {  	[timem:s7], [sflag:s22] =	dma.local [hbm:s5], s20  }
0x9e: {  	_ =	swait.ge [sflag:s22], s20  }
0x9f: {  	s4 =	ssub.s32 $0x0, s20;
	[sflag:s22] =	ssyncset.done $0x0  }
0xa0: {  	[sflag:s22] =	ssyncadd.s32 s4;
	_ =	sdelay $0x1  }
0xa1: {  	s23 =	simm.s32 $0x1B8B  }
0xa2: {  	_ =	swait.ge [sflag:s23], $0x1  }
0xa3: {  	[sflag:s23] =	ssyncset.done $0x0  }
0xa4: {  	s25 =	simm.s32 $0x1B8E;
	s24 =	sld [smem:$0x3FFE];
	[sflag:s23] =	ssyncadd.s32 $0xFFFFFFFF  }
0xa5: {  	s26 =	simm.s32 $execute0_lowered;
	[smem:$0x3FD2] =	sst s25  }
0xa6: {  	s5 =	sshll.u32 s26, $0x1;
	_ =	strace $0x80000049;
	[dreg:$0x1] =	wrdreg $0xFFFFFFFF  }
0xa7: {  	s28 =	simm.s32 $_size_execute0_lowered;
	s3 =	sadd.s32 s3, s5;
	[dreg:$0x0] =	wrdreg $0x0  }
0xa8: {  	s5 =	sshll.u32 s28, $0x1;
	[dreg:$0x2] =	wrdreg s3  }
0xa9: {  	[dreg:$0x3] =	wrdreg s5  }
0xaa: {  	[dreg:$0x4] =	wrdreg $0xC0  }
0xab: {  	_ =	task [dreg:s7], $0x5FFFF  }
0xac: {  	[dreg:$0x1] =	wrdreg $0xFFFFFFFF  }
0xad: {  	[dreg:$0x0] =	wrdreg $0x60  }
0xae: {  	[dreg:$0x2] =	wrdreg s24  }
0xaf: {  	[dreg:$0x3] =	wrdreg s2  }
0xb0: {  	[dreg:$0x4] =	wrdreg $0x0  }
0xb1: {  	[dreg:$0x5] =	wrdreg $0x18800  }
0xb2: {  	[dreg:$0x6] =	wrdreg $0x9  }
0xb3: {  	_ =	task.clear_ibuf [dreg:s7], $0x7FFFF;
	_ =	strace $0x90000049  }
0xb4: {  	s29 =	simm.s32 $0x9;
	_ =	strace $0x8000004B  }
0xb5: {  	_ =	swait.ge [sflag:s29], $0x1  }
0xb6: {  	[sflag:s29] =	ssyncadd.s32 $0xFFFFFFFF  }
0xb7: {  	_ =	strace $0x9000004B  }
0xb8: {  	_ =	sfence  }
0xb9: {  	s30 =	sld [smem:$0x0];
	_ =	sdelay $0x2  }
0xba: {  	s31 =	sshll.u32 s1, $0xD;
	s1 =	sshrl.u32 s1, $0x2  }
0xbb: {  	s3 =	sand.u32 $0x4000, s31;
	s1 =	sadd.s32 s1, s30  }
0xbc: {  	s0 =	sor.u32 s3, s0;
	s1 =	sshll.u32 s1, $0x11  }
0xbd: {  	s0 =	sor.u32 s1, s0  }
0xbe: {  	s0 =	sadd.s32 $0x8F2B, s0  }
0xbf: {  	[sflag:s0] =	ssyncadd.remote.s32 $0x1  }
0xc0: {  	_ =	sfence.sel $0xFFFF  }
0xc1: {  	[dreg:$0x0] =	wrdreg $0xFFFFFFFF;
	(pc) =	sbr.abs _section_cstart, $3  }
0xc2: {  	[dreg:$0x1] =	wrdreg $0xFFFFFFFF  }
0xc3: {  	_ =	task.clear_ibuf [dreg:s7], $0x2FFFF;
	_ =	strace $0x9FFFFFFF  }
0xc4: {  	(tm) =	ssettm $0x7FFFFFFF  }
0xc5: {  	_ =	shalt  }
tec
execute0_lowered:
.L_overlay_start_1:
0x0: {  	(tag) =	ssettag $0x1  }
0x1: {  	s0 =	rddreg [dreg:$0x0]  }
0x2: {  	s2 =	rddreg [dreg:$0x2]  }
0x3: {  	s4 =	rddreg [dreg:$0x3]  }
0x4: {  	s5 =	simm.s32 $0x0;
	s11 =	stileid.u32;
	s1 =	srdreg.scid  }
0x5: {  	s30 =	simm.s32 $0x7A80;
	s31 =	simm.s32 $0x9380;
	s28 =	simm.s32 $0x10A00  }
0x6: {  	s29 =	simm.s32 $0x2710;
	s13 =	simm.s32 $0x6;
	s14 =	simm.s32 $0x7  }
0x7: {  	s15 =	simm.s32 $0x0;
	[smem:$0x7FF] =	sst s5;
	s3 =	smul.u32 $0x1880, s11  }
0x8: {  	s1 =	sand.u32 $0x1, s1;
	s6 =	sadd.s32 $0x3600, s0;
	s11 =	smul.u32 $0xC350, s11  }
0x9: {  	s12 =	sadd.s32 $0x34400, s0;
	_ =	strace $0x8000004A;
	s7 =	ssub.s32 $0x2, s1  }
0xa: {  	s8 =	smul.u32 $0xC3500, s1;
	p0 =	seq.s32 s1, $0x0;
	s9 =	sshrl.u32 s3, $0x3  }
0xb: {  	s10 =	sshrl.u32 s7, $0x1;
	s18 =	sadd.s32 s3, s2;
	s0 =	sadd.s32 s9, s0  }
0xc: {  	s7 =	ssub.s32 s7, s10;
	[dreg:$0x8] =	wrdreg s18;
	s9 =	sadd.s32 $0x6B600, s0  }
0xd: {  	s8 =	sadd.s32 s11, s8;
	s16 =	sadd.s32 $0x6E800, s0;
	[dreg:$0x5] =	wrdreg s9  }
0xe: {  	s17 =	sadd.s32 $0x68400, s0;
	s8 =	sshrl.u32 s8, $0x3;
	[dreg:$0x6] =	wrdreg s16  }
0xf: {  	s11 =	simm.s32 $0x5;
	[dreg:$0x7] =	wrdreg s17;
	s19 =	sadd.s32 s6, s8  }
0x10: {  	s20 =	sadd.s32 $0x4E2, s8;
	s21 =	sadd.s32 s12, s8;
	[dreg:$0x9] =	wrdreg s19  }
0x11: {  	s23 =	sadd.s32 $0x9C4, s8;
	[dreg:$0xa] =	wrdreg s21;
	s22 =	sadd.s32 s6, s20  }
0x12: {  	s25 =	sadd.s32 $0xEA6, s8;
	s9 =	sadd.s32 s12, s20;
	[dreg:$0xb] =	wrdreg s22  }
0x13: {  	s8 =	sadd.s32 $0x1388, s8;
	s24 =	sadd.s32 s6, s23;
	[dreg:$0xc] =	wrdreg s9  }
0x14: {  	s10 =	sadd.s32 s12, s23;
	s26 =	sadd.s32 s6, s25;
	[dreg:$0xd] =	wrdreg s24  }
0x15: {  	s6 =	sadd.s32 s6, s8;
	s8 =	sadd.s32 s12, s8;
	[dreg:$0xe] =	wrdreg s10  }
0x16: {  	s20 =	sadd.s32 $0x74C00, s0;
	s21 =	sadd.s32 s3, s4;
	[dreg:$0xf] =	wrdreg s26  }
0x17: {  	s3 =	simm.s32 $0x1;
	s9 =	sadd.s32 s12, s25;
	[dreg:$0x11] =	wrdreg s6  }
0x18: {  	s6 =	simm.s32 $0x65200;
	[dreg:$0x12] =	wrdreg s8;
	s22 =	smax.u32 s7, $0x1  }
0x19: {  	s24 =	simm.s32 $0x3100;
	s25 =	simm.s32 $0x8;
	s26 =	simm.s32 $0xBB00  }
0x1a: {  	s7 =	simm.s32 $0x2;
	s8 =	simm.s32 $0x4;
	s10 =	simm.s32 $0x18080  }
0x1b: {  	s12 =	simm.s32 $0x1A800;
	[dreg:$0x10] =	wrdreg s9;
	s6 =	simm.s32 @!p0 $0x71A00  }
0x1c: {  	p0 =	sne.s32 s1, $0x0;
	s1 =	simm.s32 $0x3;
	s9 =	simm.s32 $0x13180  }
0x1d: {  	v0 =	vimm.f32 $0.0e+00;
	s23 =	sadd.s32 s6, s0;
	s0 =	simm.s32 $0xE280;
	s6 =	simm.s32 $0x15900  }
.LBB2_1:
0x1e: {  	s16 =	rddreg [dreg:$0x5]  }
0x1f: {  	[tilespmem:s24], [sflag:$0x8] =	stream.linear.gather [hbm4b:s16+s5], $0x1880, $0x38;
	[tilespmem:$0x1CF80] =	vst v63  }
0x20: {  	_ =	swait.ge [sflag:s25], $0x1880  }
0x21: {  	[sflag:s25] =	ssyncset.done $0x0  }
0x22: {  	s17 =	simm.s32 $0x4980;
	s19 =	rddreg [dreg:$0x6];
	[sflag:s25] =	ssyncadd.s32 $0xFFFFE780  }
0x23: {  	[tilespmem:s17], [sflag:$0x8] =	stream.linear.gather [hbm4b:s19+s5], $0x1880, $0x38;
	[tilespmem:$0x1CF80] =	vst v63  }
0x24: {  	_ =	swait.ge [sflag:s25], $0x1880  }
0x25: {  	[sflag:s25] =	ssyncset.done $0x0  }
0x26: {  	s19 =	simm.s32 $0x6200;
	s18 =	rddreg [dreg:$0x7];
	[sflag:s25] =	ssyncadd.s32 $0xFFFFE780  }
0x27: {  	[tilespmem:s19], [sflag:$0x8] =	stream.linear.gather [hbm4b:s18+s5], $0x1880, $0x38;
	[tilespmem:$0x1CF80] =	vst v63  }
0x28: {  	_ =	swait.ge [sflag:s25], $0x1880  }
0x29: {  	[sflag:s25] =	ssyncset.done $0x0  }
0x2a: {  	[sflag:s25] =	ssyncadd.s32 $0xFFFFE780  }
0x2b: {  	s19 =	simm.s32 $0x9300;
	s18 =	rddreg [dreg:$0x1]  }
0x2c: {  	[tilespmem:s19], [sflag:$0x8] =	stream.linear.gather [hbm4b:s18+s5], $0x80, $0x38;
	[tilespmem:$0x1CF80] =	vst v63  }
0x2d: {  	_ =	swait.ge [sflag:s25], $0x80  }
0x2e: {  	[sflag:s25] =	ssyncset.done $0x0  }
0x2f: {  	s16 =	simm.s32 $0x0;
	[sflag:s25] =	ssyncadd.s32 $0xFFFFFF80  }
0x30: {  	v4 =	vld [tilespmem:s16+$0x3100]  }
0x31: {  	v5 =	vld [tilespmem:s16+$0x4980];
	_ =	sdelay $0x1  }
0x32: {  	v1 =	vld [tilespmem:$0x9300]  }
0x33: {  	v2 =	vld [tilespmem:$0x9310]  }
0x34: {  	v3 =	vld [tilespmem:$0x9320]  }
0x35: {  	s17 =	simm.s32 $0x10;
	v7 =	vld [tilespmem:s16+$0x6200];
	v4 =	vadd.f32 v5, v4  }
0x36: {  	v5 =	vld [tilespmem:s17+$0x4980]  }
0x37: {  	v6 =	vmul.f32 v4, v1;
	v4 =	vld [tilespmem:s17+$0x3100];
	_ =	sdelay $0x2  }
0x38: {  	s18 =	simm.s32 $0x80;
	v7 =	vmul.f32 v7, v3;
	v6 =	vadd.f32 v6, v2  }
.LBB2_2:
0x39: {  	s19 =	sshra.s32 s18, $0x2;
	v8 =	vld [tilespmem:s17+$0x6200];
	p1 =	sne.s32 s18, $0x61C0  }
.Ltmp0:
0x3a: {  	s18 =	sadd.s32 $0x40, s18;
	v9 =	vadd.f32 v5, v4;
	v4 =	vld [tilespmem:s19+$0x3100];
	v6 =	vadd.f32 v6, v7;
	(pc) =	sbr.rel @p1 .LBB2_2-.Ltmp0, $4  }
0x3b: {  	v5 =	vld [tilespmem:s19+$0x4980]  }
0x3c: {  	v7 =	vmul.f32 v9, v1;
	v6 =	vmax.f32 v6, $0.0e+00  }
0x3d: {  	[tilespmem:s16+$0x7A80] =	vst v6;
	s16 =	smov.u32 s17;
	s17 =	smov.u32 s19  }
0x3e: {  	v6 =	vadd.f32 v7, v2;
	v7 =	vmul.f32 v8, v3  }
0x3f: {  	v8 =	vld [tilespmem:s17+$0x6200]  }
0x40: {  	v4 =	vadd.f32 v5, v4;
	_ =	sdelay $0x1  }
0x41: {  	v1 =	vmul.f32 v4, v1;
	_ =	sdelay $0x1  }
0x42: {  	v1 =	vadd.f32 v1, v2;
	v2 =	vmul.f32 v8, v3  }
0x43: {  	v3 =	vadd.f32 v6, v7  }
0x44: {  	v1 =	vadd.f32 v1, v2  }
0x45: {  	v2 =	vmax.f32 v3, $0.0e+00  }
0x46: {  	[tilespmem:s16+$0x7A80] =	vst v2;
	v1 =	vmax.f32 v1, $0.0e+00  }
0x47: {  	s19 =	rddreg [dreg:$0x8];
	[tilespmem:s17+$0x7A80] =	vst v1  }
0x48: {  	[spmem:s19] =	stream.linear.scatter [tilespmem:s30], [sflag:$0x8], $0x1880, $0x38;
	[tilespmem:$0x1CF80] =	vst v63  }
0x49: {  	_ =	swait.ge [sflag:s25], $0x1880  }
0x4a: {  	[sflag:s25] =	ssyncset.done $0x0  }
0x4b: {  	s16 =	simm.s32 @!p0 $0x0;
	s17 =	simm.s32 @!p0 $0x7A80;
	[sflag:s25] =	ssyncadd.s32 $0xFFFFE780  }
0x4c: {  	[hbm4b:s20+s16] =	stream.linear.scatter @!p0 [tilespmem:s17], [sflag:$0x8], $0x1880, $0x38;
	[tilespmem:$0x1CF80] =	vst v63  }
0x4d: {  	s16 =	simm.s32 @!p0 $0x8  }
0x4e: {  	_ =	swait.ge @!p0 [sflag:s16], $0x1880  }
0x4f: {  	[sflag:s16] =	ssyncset.done @!p0 $0x0  }
0x50: {  	s17 =	simm.s32 $0x0;
	[sflag:s16] =	ssyncadd.s32 @!p0 $0xFFFFE780;
	s16 =	simm.s32 $0x40  }
.LBB2_4:
0x51: {  	p1 =	sne.s32 s16, $0x61C0;
	[tilespmem:s17+$0x3100] =	vst v0;
	s17 =	smov.u32 s16;
	s16 =	sadd.s32 $0x40, s16  }
.Ltmp1:
0x52: {  	(pc) =	sbr.rel @p1 .LBB2_4-.Ltmp1, $2  }
0x53: {  	_ =	sdelay $0x2  }
0x54: {  	s17 =	sshra.s32 s17, $0x2  }
0x55: {  	[tilespmem:s17+$0x3100] =	vst v0  }
0x56: {  	[spmem:s21] =	stream.linear.scatter [tilespmem:s24], [sflag:$0x8], $0x1880, $0x38;
	[tilespmem:$0x1CF80] =	vst v63  }
0x57: {  	_ =	swait.ge [sflag:s25], $0x1880  }
0x58: {  	[sflag:s25] =	ssyncset.done $0x0  }
0x59: {  	[sflag:s25] =	ssyncadd.s32 $0xFFFFE780  }
0x5a: {  	[bflag:$0x0] =	sbarrier.arrive $0xFFFF  }
0x5b: {  	s16 =	rddreg [dreg:$0x9]  }
0x5c: {  	[tilespmem:s31], [sflag:$0x1] =	stream.linear.gather [hbm4b:s16+s5], $0x2710, $0x38;
	[tilespmem:$0x1CF80] =	vst v63  }
0x5d: {  	s17 =	rddreg [dreg:$0xa]  }
0x5e: {  	[tilespmem:s0], [sflag:$0x3] =	stream.linear.gather [hbm4b:s17+s5], $0x2710, $0x38;
	[tilespmem:$0x1CF80] =	vst v63  }
0x5f: {  	_ =	swait.ge [sflag:s3], $0x2710  }
0x60: {  	[sflag:s3] =	ssyncset.done $0x0  }
0x61: {  	[sflag:s3] =	ssyncadd.s32 $0xFFFFD8F0  }
0x62: {  	_ =	swait.ge [sflag:s1], $0x2710  }
0x63: {  	[sflag:s1] =	ssyncset.done $0x0  }
0x64: {  	s18 =	rddreg [dreg:$0xb];
	[sflag:s1] =	ssyncadd.s32 $0xFFFFD8F0  }
0x65: {  	[tilespmem:s26], [sflag:$0x2] =	stream.linear.gather [hbm4b:s18+s5], $0x2710, $0x38;
	[tilespmem:$0x1CF80] =	vst v63  }
0x66: {  	s19 =	rddreg [dreg:$0xc]  }
0x67: {  	[tilespmem:s28], [sflag:$0x4] =	stream.linear.gather [hbm4b:s19+s5], $0x2710, $0x38;
	[tilespmem:$0x1CF80] =	vst v63  }
0x68: {  	_ = 	snop  }
0x69: {  	[tilespmem:s6], [sflag:$0x8] =	stream.indirect.gather [spmem:s2], $0x1, s31, s29, $0xb8;
	[tilespmem:$0x1CF80] =	vst v63  }
0x6a: {  	_ =	swait.ge [sflag:s25], $0x2710  }
0x6b: {  	[sflag:s25] =	ssyncset.done $0x0  }
0x6c: {  	[sflag:s25] =	ssyncadd.s32 $0xFFFFD8F0  }
0x6d: {  	[spmem:s4] =	stream.indirect.scatter.add.f32 [tilespmem:s6], [sflag:$0x5], $0x1, s0, s29, $0xb8;
	[tilespmem:$0x1CF80] =	vst v63  }
0x6e: {  	_ =	swait.ge [sflag:s7], $0x2710  }
0x6f: {  	[sflag:s7] =	ssyncset.done $0x0  }
0x70: {  	[sflag:s7] =	ssyncadd.s32 $0xFFFFD8F0  }
0x71: {  	_ =	swait.ge [sflag:s8], $0x2710  }
0x72: {  	[sflag:s8] =	ssyncset.done $0x0  }
0x73: {  	s17 =	rddreg [dreg:$0xd];
	[sflag:s8] =	ssyncadd.s32 $0xFFFFD8F0  }
0x74: {  	[tilespmem:s31], [sflag:$0x1] =	stream.linear.gather [hbm4b:s17+s5], $0x2710, $0x38;
	[tilespmem:$0x1CF80] =	vst v63  }
0x75: {  	s18 =	rddreg [dreg:$0xe]  }
0x76: {  	[tilespmem:s9], [sflag:$0x3] =	stream.linear.gather [hbm4b:s18+s5], $0x2710, $0x38;
	[tilespmem:$0x1CF80] =	vst v63  }
0x77: {  	_ = 	snop  }
0x78: {  	[tilespmem:s10], [sflag:$0x8] =	stream.indirect.gather [spmem:s2], $0x1, s26, s29, $0xb8;
	[tilespmem:$0x1CF80] =	vst v63  }
0x79: {  	_ =	swait.ge [sflag:s25], $0x2710  }
0x7a: {  	[sflag:s25] =	ssyncset.done $0x0  }
0x7b: {  	[sflag:s25] =	ssyncadd.s32 $0xFFFFD8F0  }
0x7c: {  	[spmem:s4] =	stream.indirect.scatter.add.f32 [tilespmem:s10], [sflag:$0x6], $0x1, s28, s29, $0xb8;
	[tilespmem:$0x1CF80] =	vst v63  }
0x7d: {  	_ =	swait.ge [sflag:s11], $0x2710  }
0x7e: {  	[sflag:s11] =	ssyncset.done $0x0  }
0x7f: {  	[sflag:s11] =	ssyncadd.s32 $0xFFFFD8F0  }
0x80: {  	_ =	swait.ge [sflag:s3], $0x2710  }
0x81: {  	[sflag:s3] =	ssyncset.done $0x0  }
0x82: {  	[sflag:s3] =	ssyncadd.s32 $0xFFFFD8F0  }
0x83: {  	_ =	swait.ge [sflag:s1], $0x2710  }
0x84: {  	[sflag:s1] =	ssyncset.done $0x0  }
0x85: {  	s19 =	rddreg [dreg:$0xf];
	[sflag:s1] =	ssyncadd.s32 $0xFFFFD8F0  }
0x86: {  	[tilespmem:s26], [sflag:$0x2] =	stream.linear.gather [hbm4b:s19+s5], $0x2710, $0x38;
	[tilespmem:$0x1CF80] =	vst v63  }
0x87: {  	s17 =	rddreg [dreg:$0x10]  }
0x88: {  	[tilespmem:s0], [sflag:$0x4] =	stream.linear.gather [hbm4b:s17+s5], $0x2710, $0x38;
	[tilespmem:$0x1CF80] =	vst v63  }
0x89: {  	_ = 	snop  }
0x8a: {  	[tilespmem:s12], [sflag:$0x8] =	stream.indirect.gather [spmem:s2], $0x1, s31, s29, $0xb8;
	[tilespmem:$0x1CF80] =	vst v63  }
0x8b: {  	_ =	swait.ge [sflag:s25], $0x2710  }
0x8c: {  	[sflag:s25] =	ssyncset.done $0x0  }
0x8d: {  	[sflag:s25] =	ssyncadd.s32 $0xFFFFD8F0  }
0x8e: {  	[spmem:s4] =	stream.indirect.scatter.add.f32 [tilespmem:s12], [sflag:$0x7], $0x1, s9, s29, $0xb8;
	[tilespmem:$0x1CF80] =	vst v63  }
0x8f: {  	_ =	swait.ge [sflag:s13], $0x2710  }
0x90: {  	[sflag:s13] =	ssyncset.done $0x0  }
0x91: {  	[sflag:s13] =	ssyncadd.s32 $0xFFFFD8F0  }
0x92: {  	_ =	swait.ge [sflag:s7], $0x2710  }
0x93: {  	[sflag:s7] =	ssyncset.done $0x0  }
0x94: {  	[sflag:s7] =	ssyncadd.s32 $0xFFFFD8F0  }
0x95: {  	_ =	swait.ge [sflag:s8], $0x2710  }
0x96: {  	[sflag:s8] =	ssyncset.done $0x0  }
0x97: {  	s18 =	rddreg [dreg:$0x11];
	[sflag:s8] =	ssyncadd.s32 $0xFFFFD8F0  }
0x98: {  	[tilespmem:s31], [sflag:$0x1] =	stream.linear.gather [hbm4b:s18+s5], $0x2710, $0x38;
	[tilespmem:$0x1CF80] =	vst v63  }
0x99: {  	s19 =	rddreg [dreg:$0x12]  }
0x9a: {  	[tilespmem:s28], [sflag:$0x3] =	stream.linear.gather [hbm4b:s19+s5], $0x2710, $0x38;
	[tilespmem:$0x1CF80] =	vst v63  }
0x9b: {  	_ = 	snop  }
0x9c: {  	[tilespmem:s6], [sflag:$0x8] =	stream.indirect.gather [spmem:s2], $0x1, s26, s29, $0xb8;
	[tilespmem:$0x1CF80] =	vst v63  }
0x9d: {  	_ =	swait.ge [sflag:s25], $0x2710  }
0x9e: {  	[sflag:s25] =	ssyncset.done $0x0  }
0x9f: {  	[sflag:s25] =	ssyncadd.s32 $0xFFFFD8F0  }
0xa0: {  	[spmem:s4] =	stream.indirect.scatter.add.f32 [tilespmem:s6], [sflag:$0x5], $0x1, s0, s29, $0xb8;
	[tilespmem:$0x1CF80] =	vst v63  }
0xa1: {  	_ =	swait.ge [sflag:s14], $0x2710  }
0xa2: {  	[sflag:s14] =	ssyncset.done $0x0  }
0xa3: {  	[sflag:s14] =	ssyncadd.s32 $0xFFFFD8F0  }
0xa4: {  	_ =	swait.ge [sflag:s3], $0x2710  }
0xa5: {  	[sflag:s3] =	ssyncset.done $0x0  }
0xa6: {  	[sflag:s3] =	ssyncadd.s32 $0xFFFFD8F0  }
0xa7: {  	_ =	swait.ge [sflag:s1], $0x2710  }
0xa8: {  	[sflag:s1] =	ssyncset.done $0x0  }
0xa9: {  	[sflag:s1] =	ssyncadd.s32 $0xFFFFD8F0  }
0xaa: {  	[tilespmem:s10], [sflag:$0x8] =	stream.indirect.gather [spmem:s2], $0x1, s31, s29, $0xb8;
	[tilespmem:$0x1CF80] =	vst v63  }
0xab: {  	_ =	swait.ge [sflag:s25], $0x2710  }
0xac: {  	[sflag:s25] =	ssyncset.done $0x0  }
0xad: {  	[sflag:s25] =	ssyncadd.s32 $0xFFFFD8F0  }
0xae: {  	[spmem:s4] =	stream.indirect.scatter.add.f32 [tilespmem:s10], [sflag:$0x6], $0x1, s28, s29, $0xb8;
	[tilespmem:$0x1CF80] =	vst v63  }
0xaf: {  	_ =	swait.ge [sflag:s11], $0x2710  }
0xb0: {  	[sflag:s11] =	ssyncset.done $0x0  }
0xb1: {  	[sflag:s11] =	ssyncadd.s32 $0xFFFFD8F0  }
0xb2: {  	_ =	swait.ge [sflag:s13], $0x2710  }
0xb3: {  	[sflag:s13] =	ssyncset.done $0x0  }
0xb4: {  	[sflag:s13] =	ssyncadd.s32 $0xFFFFD8F0  }
0xb5: {  	[bflag:$0x0] =	sbarrier.arrive $0xFFFF  }
0xb6: {  	[tilespmem:s30], [sflag:$0x8] =	stream.linear.gather [spmem:s21], $0x1880, $0x38;
	[tilespmem:$0x1CF80] =	vst v63  }
0xb7: {  	s15 =	sadd.s32 $0x1, s15;
	_ =	swait.ge [sflag:s25], $0x1880  }
0xb8: {  	p1 =	sne.s32 s15, s22;
	[sflag:s25] =	ssyncset.done $0x0  }
.Ltmp2:
0xb9: {  	[sflag:s25] =	ssyncadd.s32 $0xFFFFE780;
	(pc) =	sbr.rel @p1 .LBB2_1-.Ltmp2, $4  }
0xba: {  	[hbm4b:s23+s5] =	stream.linear.scatter [tilespmem:s30], [sflag:$0x8], $0x1880, $0x38;
	[tilespmem:$0x1CF80] =	vst v63  }
0xbb: {  	_ =	swait.ge [sflag:s25], $0x1880  }
0xbc: {  	[sflag:s25] =	ssyncset.done $0x0  }
0xbd: {  	[sflag:s25] =	ssyncadd.s32 $0xFFFFE780  }
0xbe: {  	_ =	sfence.sel $0x180000  }
0xbf: {  	[bflag:$0x0] =	sbarrier.arrive $0xFFFF  }
0xc0: {  	_ =	strace $0x9000004A  }
0xc1: {  	s0 =	stileid.u32;
	[bflag:$0x2] =	sbarrier.arrive $0xFFFF  }
0xc2: {  	p0 =	sne.s32 s0, $0x0;
	s0 =	rddreg [dreg:$0x4]  }
0xc3: {  	s0 =	sadd.s32 @!p0 $0x100000, s0  }
0xc4: {  	[sflag:s0] =	ssyncadd.tile.s32 @!p0 $0x1;
	_ =	shalt  }
.Lfunc_end2:
_tile_overlayer_lowered:
.L_overlay_start_2:
0xc5: {  	(tag) =	ssettag $0x2  }
0xc6: {  	s0 =	rddreg [dreg:$0x0];
	s2 =	stileid.u32  }
0xc7: {  	s1 =	rddreg [dreg:$0x1];
	p0 =	sne.s32 s2, $0x0  }
0xc8: {  	s3 =	rddreg [dreg:$0x2];
	[bflag:$0x3] =	sbarrier.arrive $0xFFFF;
	s2 =	simm.s32 @!p0 $0x1C08  }
0xc9: {  	[timem:s3], [sflag:s2] =	dma.local @!p0 [hbm:s0], s1  }
0xca: {  	s0 =	simm.s32 @!p0 $0x8  }
0xcb: {  	_ =	swait.ge @!p0 [sflag:s0], s1  }
0xcc: {  	s1 =	ssub.s32 @!p0 $0x0, s1;
	[sflag:s0] =	ssyncset.done @!p0 $0x0  }
0xcd: {  	[sflag:s0] =	ssyncadd.s32 @!p0 s1  }
0xce: {  	[bflag:$0x3] =	sbarrier.arrive $0xFFFF  }
0xcf: {  	_ =	shalt  }

// kernel: kernel.14.cloned.1.call-start
scs
__scs_entry_jumppad:
0x0: {  	(pc) =	sbr.rel $0x88, $3  }
0x1: {  	(tag) =	ssettag $0x0;
	lr =	simm.s32 $0x1  }
0x2: {  	[smem:$0x3F92] =	sst lr;
	_ =	strace $0xD0000000  }
0x3: {  	_ = 	snop  }
0x4: {  	_ = 	snop  }
0x5: {  	_ = 	snop  }
0x6: {  	_ = 	snop  }
0x7: {  	_ = 	snop  }
__scs_overlays_trampoline_lowered:
0x8: {  	[smem:$0x3FA1] =	sst s0  }
0x9: {  	[smem:$0x3FA2] =	sst s1  }
0xa: {  	[smem:$0x3FA3] =	sst s2  }
0xb: {  	[smem:$0x3FA4] =	sst s3  }
0xc: {  	[smem:$0x3FA5] =	sst s4  }
0xd: {  	[smem:$0x3FA6] =	sst s5  }
0xe: {  	[smem:$0x3FA7] =	sst s6  }
0xf: {  	[smem:$0x3FA8] =	sst s7  }
0x10: {  	[smem:$0x3FA9] =	sst s8  }
0x11: {  	[smem:$0x3FAA] =	sst s9;
	s0 =	simm.s32 @!p0 $0x0  }
0x12: {  	s1 =	sld [smem:$0x3F90];
	s0 =	simm.s32 @p0 $0x1  }
0x13: {  	[smem:$0x3FAB] =	sst s0;
	s0 =	simm.s32 @!p1 $0x0  }
0x14: {  	s2 =	sld [smem:$0x3F8F];
	s0 =	simm.s32 @p1 $0x1  }
0x15: {  	[smem:$0x3FAC] =	sst s0;
	s0 =	simm.s32 @!p2 $0x0  }
0x16: {  	s3 =	sld [smem:$0x3FDB];
	s0 =	simm.s32 @p2 $0x1  }
0x17: {  	s4 =	simm.s32 $0x1BF5;
	[smem:$0x3FAE] =	sst s0  }
0x18: {  	s0 =	sld [smem:$0x3F91];
	_ =	swait.ge [sflag:s4], $0x0  }
0x19: {  	s7 =	sld [smem:$0x3F92]  }
0x1a: {  	s8 =	sadd.s32 $0xFFFFE003, lr  }
0x1b: {  	s9 =	sadd.s32 $0xFFFFFEF7, lr;
	s5 =	simm.s32 $0xFFFFFFFF;
	p2 =	slt.u32 s8, $0xFFFFF086  }
0x1c: {  	p1 =	slt.u32 s9, $0xF7A;
	s5 =	simm.s32 @!p2 $0x0  }
0x1d: {  	s5 =	simm.s32 @p1 $0x1;
	p0 =	seq.s32 s7, s2  }
0x1e: {  	s7 =	smul.u32 @!p0 $0xF7A, s2;
	p2 =	seq.s32 @!p0 s5, $0x0  }
0x1f: {  	s9 =	smul.u32 $0xF7A, s1;
	s8 =	simm.s32 @!p0 $0x1BF5;
	p2 =	por !p2, p0  }
0x20: {  	[sflag:s8] =	ssyncset.s32 @!p0 $0xFFFFF086;
	s6 =	sadd.s32 @!p0 s3, s7;
	s7 =	simm.s32 @!p0 $0x108  }
0x21: {  	s3 =	sadd.s32 s3, s9;
	s6 =	sadd.s32 @!p0 $0x88, s6;
	s7 =	simm.s32 @p2 $0x1082  }
0x22: {  	[simem:s7], [sflag:s8] =	dma.local @!p0 [hbm:s6], $0xF7A  }
0x23: {  	s9 =	sor.u32 $0xD0000000, s2;
	s6 =	simm.s32 $0x108;
	_ =	swait.ge @!p0 [sflag:s8], $0x0  }
0x24: {  	s3 =	sadd.s32 $0x88, s3;
	s6 =	simm.s32 @!p1 $0x1082;
	[sflag:s4] =	ssyncset.s32 $0xFFFFF086  }
0x25: {  	[simem:s6], [sflag:s4] =	dma.local [hbm:s3], $0xF7A  }
0x26: {  	[smem:$0x3F92] =	sst s1;
	(tag) =	ssettag s2;
	_ =	strace s9  }
0x27: {  	s1 =	sld [smem:$0x3FA2]  }
0x28: {  	s2 =	sld [smem:$0x3FA3]  }
0x29: {  	s4 =	sld [smem:$0x3FA5]  }
0x2a: {  	p0 =	seq.s32 s5, $0x0;
	s5 =	sld [smem:$0x3FA6]  }
0x2b: {  	s6 =	sld [smem:$0x3FA7]  }
0x2c: {  	s7 =	sld [smem:$0x3FA8]  }
0x2d: {  	s3 =	simm.s32 $0x108;
	s8 =	sld [smem:$0x3FA9]  }
0x2e: {  	s3 =	simm.s32 @!p0 $0x1082;
	s9 =	sld [smem:$0x3FAA]  }
0x2f: {  	lr =	sadd.s32 s0, s3;
	s0 =	sld [smem:$0x3FA1]  }
0x30: {  	s3 =	sld [smem:$0x3FA4]  }
0x31: {  	[smem:$0x3FAD] =	sst s10  }
0x32: {  	s10 =	sld [smem:$0x3FAB];
	_ =	sdelay $0x3  }
0x33: {  	p0 =	seq.s32 s10, $0x1;
	s10 =	sld [smem:$0x3FAD];
	_ =	sdelay $0x3  }
0x34: {  	[smem:$0x3FAD] =	sst s10  }
0x35: {  	s10 =	sld [smem:$0x3FAC];
	_ =	sdelay $0x3  }
0x36: {  	p1 =	seq.s32 s10, $0x1;
	s10 =	sld [smem:$0x3FAD];
	_ =	sdelay $0x3  }
0x37: {  	[smem:$0x3FAD] =	sst s10  }
0x38: {  	s10 =	sld [smem:$0x3FAE]  }
0x39: {  	_ = 	snop;
	(pc) =	sbr.ind lr, $3  }
0x3a: {  	_ = 	snop  }
0x3b: {  	_ = 	snop  }
0x3c: {  	p2 =	seq.s32 s10, $0x1;
	s10 =	sld [smem:$0x3FAD]  }
0x3d: {  	_ =	shalt  }
0x3e: {  	_ =	shalt  }
0x3f: {  	_ =	shalt  }
0x40: {  	_ =	shalt  }
0x41: {  	_ =	shalt  }
0x42: {  	_ =	shalt  }
0x43: {  	_ =	shalt  }
0x44: {  	_ =	shalt  }
0x45: {  	_ =	shalt  }
0x46: {  	_ =	shalt  }
0x47: {  	_ =	shalt  }
0x48: {  	_ =	shalt  }
0x49: {  	_ =	shalt  }
0x4a: {  	_ =	shalt  }
0x4b: {  	_ =	shalt  }
0x4c: {  	_ =	shalt  }
0x4d: {  	_ =	shalt  }
0x4e: {  	_ =	shalt  }
0x4f: {  	_ =	shalt  }
0x50: {  	_ =	shalt  }
0x51: {  	_ =	shalt  }
0x52: {  	_ =	shalt  }
0x53: {  	_ =	shalt  }
0x54: {  	_ =	shalt  }
0x55: {  	_ =	shalt  }
0x56: {  	_ =	shalt  }
0x57: {  	_ =	shalt  }
0x58: {  	_ =	shalt  }
0x59: {  	_ =	shalt  }
0x5a: {  	_ =	shalt  }
0x5b: {  	_ =	shalt  }
0x5c: {  	_ =	shalt  }
0x5d: {  	_ =	shalt  }
0x5e: {  	_ =	shalt  }
0x5f: {  	_ =	shalt  }
0x60: {  	_ =	shalt  }
0x61: {  	_ =	shalt  }
0x62: {  	_ =	shalt  }
0x63: {  	_ =	shalt  }
0x64: {  	_ =	shalt  }
0x65: {  	_ =	shalt  }
0x66: {  	_ =	shalt  }
0x67: {  	_ =	shalt  }
0x68: {  	_ =	shalt  }
0x69: {  	_ =	shalt  }
0x6a: {  	_ =	shalt  }
0x6b: {  	_ =	shalt  }
0x6c: {  	_ =	shalt  }
0x6d: {  	_ =	shalt  }
0x6e: {  	_ =	shalt  }
0x6f: {  	_ =	shalt  }
0x70: {  	_ =	shalt  }
0x71: {  	_ =	shalt  }
0x72: {  	_ =	shalt  }
0x73: {  	_ =	shalt  }
0x74: {  	_ =	shalt  }
0x75: {  	_ =	shalt  }
0x76: {  	_ =	shalt  }
0x77: {  	_ =	shalt  }
0x78: {  	_ =	shalt  }
0x79: {  	_ =	shalt  }
0x7a: {  	_ =	shalt  }
0x7b: {  	_ =	shalt  }
0x7c: {  	_ =	shalt  }
0x7d: {  	_ =	shalt  }
0x7e: {  	_ =	shalt  }
0x7f: {  	_ =	shalt  }
0x80: {  	_ =	shalt  }
0x81: {  	_ =	shalt  }
0x82: {  	_ =	shalt  }
0x83: {  	_ =	shalt  }
0x84: {  	_ =	shalt  }
0x85: {  	_ =	shalt  }
0x86: {  	_ =	shalt  }
0x87: {  	_ =	shalt  }
.Lfunc_end0:
.L_simem_size_0:
called_computation.2_lowered:
.L_overlay_start_0:
0x88: {  	s2 =	sld [smem:$0x3FD9]  }
0x89: {  	s3 =	sld [smem:$0x3FFE];
	_ =	sdelay $0x1  }
0x8a: {  	s1 =	srdreg.scid  }
0x8b: {  	s0 =	sand.u32 $0x1, s1  }
0x8c: {  	s16 =	sshll.u32 s0, $0xA;
	s2 =	sadd.s32 s3, s2  }
0x8d: {  	s2 =	sadd.s32 s2, s16  }
0x8e: {  	[smem:$0x3FB9] =	sst s2  }
0x8f: {  	_ = 	snop  }
0x90: {  	(tm) =	ssettm $0x1  }
0x91: {  	s17 =	sld [smem:$0x3FFB];
	_ =	sdelay $0x3  }
0x92: {  	_ =	strace s17  }
0x93: {  	s2 =	sld [smem:$0x3FFC];
	_ =	sdelay $0x3  }
0x94: {  	_ =	strace s2  }
0x95: {  	s2 =	sld [smem:$0x3FFD];
	_ =	sdelay $0x3  }
0x96: {  	_ =	strace s2  }
0x97: {  	_ =	strace $0x8FFFFFFF  }
0x98: {  	s18 =	sld [smem:$0x3FDB];
	_ =	sdelay $0x1  }
0x99: {  	s19 =	simm.s32 $_scs_section_size  }
0x9a: {  	s4 =	simm.s32 $_size__tile_overlayer_lowered;
	s5 =	simm.s32 $_tile_overlayer_lowered  }
0x9b: {  	s22 =	simm.s32 $0x1BFF;
	s21 =	sshll.u32 s5, $0x1;
	s2 =	sadd.s32 s19, s18  }
0x9c: {  	s6 =	simm.s32 $0x0;
	s20 =	sshll.u32 s4, $0x1;
	s4 =	sadd.s32 s21, s2  }
0x9d: {  	[timem:s6], [sflag:s22] =	dma.local [hbm:s4], s20  }
0x9e: {  	_ =	swait.ge [sflag:s22], s20  }
0x9f: {  	s3 =	ssub.s32 $0x0, s20;
	[sflag:s22] =	ssyncset.done $0x0  }
0xa0: {  	[sflag:s22] =	ssyncadd.s32 s3;
	_ =	sdelay $0x1  }
0xa1: {  	s23 =	simm.s32 $0x1B8B  }
0xa2: {  	_ =	swait.ge [sflag:s23], $0x1  }
0xa3: {  	[sflag:s23] =	ssyncset.done $0x0  }
0xa4: {  	s25 =	simm.s32 $0x1B8E;
	s24 =	sld [smem:$0x3FFE];
	[sflag:s23] =	ssyncadd.s32 $0xFFFFFFFF  }
0xa5: {  	s26 =	simm.s32 $execute0_lowered;
	[smem:$0x3FD2] =	sst s25  }
0xa6: {  	s4 =	sshll.u32 s26, $0x1;
	_ =	strace $0x8000004C;
	[dreg:$0x1] =	wrdreg $0xFFFFFFFF  }
0xa7: {  	s28 =	simm.s32 $_size_execute0_lowered;
	s2 =	sadd.s32 s2, s4;
	[dreg:$0x0] =	wrdreg $0x0  }
0xa8: {  	s4 =	sshll.u32 s28, $0x1;
	[dreg:$0x2] =	wrdreg s2  }
0xa9: {  	[dreg:$0x3] =	wrdreg s4  }
0xaa: {  	[dreg:$0x4] =	wrdreg $0xC0  }
0xab: {  	_ =	task [dreg:s6], $0x5FFFF  }
0xac: {  	[dreg:$0x1] =	wrdreg $0xFFFFFFFF  }
0xad: {  	[dreg:$0x0] =	wrdreg $0x60  }
0xae: {  	[dreg:$0x2] =	wrdreg s24  }
0xaf: {  	[dreg:$0x3] =	wrdreg $0x0  }
0xb0: {  	[dreg:$0x4] =	wrdreg $0x18800  }
0xb1: {  	[dreg:$0x5] =	wrdreg $0x9  }
0xb2: {  	_ =	task.clear_ibuf [dreg:s6], $0x6FFFF;
	_ =	strace $0x9000004C  }
0xb3: {  	s29 =	simm.s32 $0x9;
	_ =	strace $0x8000004E  }
0xb4: {  	_ =	swait.ge [sflag:s29], $0x1  }
0xb5: {  	[sflag:s29] =	ssyncadd.s32 $0xFFFFFFFF  }
0xb6: {  	_ =	strace $0x9000004E  }
0xb7: {  	_ =	sfence  }
0xb8: {  	s30 =	sld [smem:$0x0];
	_ =	sdelay $0x2  }
0xb9: {  	s31 =	sshll.u32 s1, $0xD;
	s1 =	sshrl.u32 s1, $0x2  }
0xba: {  	s3 =	sand.u32 $0x4000, s31;
	s1 =	sadd.s32 s1, s30  }
0xbb: {  	s0 =	sor.u32 s3, s0;
	s1 =	sshll.u32 s1, $0x11  }
0xbc: {  	s0 =	sor.u32 s1, s0  }
0xbd: {  	s0 =	sadd.s32 $0x8F2B, s0  }
0xbe: {  	[sflag:s0] =	ssyncadd.remote.s32 $0x1  }
0xbf: {  	_ =	sfence.sel $0xFFFF  }
0xc0: {  	[dreg:$0x0] =	wrdreg $0xFFFFFFFF;
	(pc) =	sbr.abs _section_cstart, $3  }
0xc1: {  	[dreg:$0x1] =	wrdreg $0xFFFFFFFF  }
0xc2: {  	_ =	task.clear_ibuf [dreg:s6], $0x2FFFF;
	_ =	strace $0x9FFFFFFF  }
0xc3: {  	(tm) =	ssettm $0x7FFFFFFF  }
tec
execute0_lowered:
.L_overlay_start_1:
0x0: {  	(tag) =	ssettag $0x1  }
0x1: {  	s0 =	rddreg [dreg:$0x0]  }
0x2: {  	s1 =	rddreg [dreg:$0x1]  }
0x3: {  	s2 =	rddreg [dreg:$0x2];
	s4 =	simm.s32 $0x0;
	s11 =	stileid.u32  }
0x4: {  	s3 =	srdreg.scid;
	s30 =	simm.s32 $0x7A80;
	s31 =	simm.s32 $0x9380  }
0x5: {  	s28 =	simm.s32 $0xBB00;
	s29 =	simm.s32 $0x10A00;
	s13 =	simm.s32 $0x6  }
0x6: {  	s14 =	simm.s32 $0x7;
	[smem:$0x7FF] =	sst s4;
	s5 =	sadd.s32 $0x77E00, s0  }
0x7: {  	s15 =	smul.u32 $0x1880, s11;
	s3 =	sand.u32 $0x1, s3;
	s6 =	sadd.s32 $0x3600, s0  }
0x8: {  	s11 =	smul.u32 $0xC350, s11;
	s12 =	sadd.s32 $0x34400, s0;
	_ =	strace $0x8000004D  }
0x9: {  	[dreg:$0x4] =	wrdreg s5;
	s7 =	ssub.s32 $0x2, s3;
	s8 =	smul.u32 $0xC3500, s3  }
0xa: {  	p0 =	seq.s32 s3, $0x0;
	s5 =	simm.s32 $0x2710;
	s9 =	sshrl.u32 s15, $0x3  }
0xb: {  	s10 =	sshrl.u32 s7, $0x1;
	s18 =	sadd.s32 s15, s1;
	s0 =	sadd.s32 s9, s0  }
0xc: {  	s7 =	ssub.s32 s7, s10;
	[dreg:$0x8] =	wrdreg s18;
	s9 =	sadd.s32 $0x65200, s0  }
0xd: {  	s8 =	sadd.s32 s11, s8;
	s16 =	sadd.s32 $0x71A00, s0;
	[dreg:$0x5] =	wrdreg s9  }
0xe: {  	s17 =	sadd.s32 $0x74C00, s0;
	s8 =	sshrl.u32 s8, $0x3;
	[dreg:$0x6] =	wrdreg s16  }
0xf: {  	s11 =	simm.s32 $0x5;
	[dreg:$0x7] =	wrdreg s17;
	s19 =	sadd.s32 s6, s8  }
0x10: {  	s20 =	sadd.s32 $0x4E2, s8;
	s21 =	sadd.s32 s12, s8;
	[dreg:$0x9] =	wrdreg s19  }
0x11: {  	s23 =	sadd.s32 $0x9C4, s8;
	[dreg:$0xa] =	wrdreg s21;
	s22 =	sadd.s32 s6, s20  }
0x12: {  	s25 =	sadd.s32 $0xEA6, s8;
	s9 =	sadd.s32 s12, s20;
	[dreg:$0xb] =	wrdreg s22  }
0x13: {  	s8 =	sadd.s32 $0x1388, s8;
	s24 =	sadd.s32 s6, s23;
	[dreg:$0xc] =	wrdreg s9  }
0x14: {  	s10 =	sadd.s32 s12, s23;
	s26 =	sadd.s32 s6, s25;
	[dreg:$0xd] =	wrdreg s24  }
0x15: {  	s6 =	sadd.s32 s6, s8;
	s8 =	sadd.s32 s12, s8;
	[dreg:$0xe] =	wrdreg s10  }
0x16: {  	s20 =	sadd.s32 $0x6E800, s0;
	s21 =	sadd.s32 s15, s2;
	[dreg:$0xf] =	wrdreg s26  }
0x17: {  	s15 =	simm.s32 $0x0;
	s9 =	sadd.s32 s12, s25;
	[dreg:$0x11] =	wrdreg s6  }
0x18: {  	s6 =	simm.s32 $0x68400;
	[dreg:$0x12] =	wrdreg s8;
	s22 =	smax.u32 s7, $0x1  }
0x19: {  	s24 =	simm.s32 $0x3100;
	s25 =	simm.s32 $0x8;
	s26 =	simm.s32 $0x3  }
0x1a: {  	s7 =	simm.s32 $0x2;
	s8 =	simm.s32 $0x4;
	s10 =	simm.s32 $0x18080  }
0x1b: {  	s12 =	simm.s32 $0x1A800;
	[dreg:$0x10] =	wrdreg s9;
	s6 =	simm.s32 @!p0 $0x6B600  }
0x1c: {  	p0 =	sne.s32 s3, $0x0;
	s3 =	simm.s32 $0x1;
	s9 =	simm.s32 $0x13180  }
0x1d: {  	v0 =	vimm.f32 $0.0e+00;
	s23 =	sadd.s32 s6, s0;
	s0 =	simm.s32 $0xE280;
	s6 =	simm.s32 $0x15900  }
.LBB2_1:
0x1e: {  	s16 =	rddreg [dreg:$0x5]  }
0x1f: {  	[tilespmem:s24], [sflag:$0x8] =	stream.linear.gather [hbm4b:s16+s4], $0x1880, $0x38;
	[tilespmem:$0x1CF80] =	vst v63  }
0x20: {  	_ =	swait.ge [sflag:s25], $0x1880  }
0x21: {  	[sflag:s25] =	ssyncset.done $0x0  }
0x22: {  	s17 =	simm.s32 $0x4980;
	s19 =	rddreg [dreg:$0x6];
	[sflag:s25] =	ssyncadd.s32 $0xFFFFE780  }
0x23: {  	[tilespmem:s17], [sflag:$0x8] =	stream.linear.gather [hbm4b:s19+s4], $0x1880, $0x38;
	[tilespmem:$0x1CF80] =	vst v63  }
0x24: {  	_ =	swait.ge [sflag:s25], $0x1880  }
0x25: {  	[sflag:s25] =	ssyncset.done $0x0  }
0x26: {  	s19 =	simm.s32 $0x6200;
	s18 =	rddreg [dreg:$0x7];
	[sflag:s25] =	ssyncadd.s32 $0xFFFFE780  }
0x27: {  	[tilespmem:s19], [sflag:$0x8] =	stream.linear.gather [hbm4b:s18+s4], $0x1880, $0x38;
	[tilespmem:$0x1CF80] =	vst v63  }
0x28: {  	_ =	swait.ge [sflag:s25], $0x1880  }
0x29: {  	[sflag:s25] =	ssyncset.done $0x0  }
0x2a: {  	s19 =	simm.s32 $0x9300;
	s18 =	rddreg [dreg:$0x4];
	[sflag:s25] =	ssyncadd.s32 $0xFFFFE780  }
0x2b: {  	[tilespmem:s19], [sflag:$0x8] =	stream.linear.gather [hbm4b:s18+s4], $0x80, $0x38;
	[tilespmem:$0x1CF80] =	vst v63  }
0x2c: {  	_ =	swait.ge [sflag:s25], $0x80  }
0x2d: {  	[sflag:s25] =	ssyncset.done $0x0  }
0x2e: {  	s16 =	simm.s32 $0x0;
	[sflag:s25] =	ssyncadd.s32 $0xFFFFFF80  }
0x2f: {  	v4 =	vld [tilespmem:s16+$0x3100]  }
0x30: {  	v5 =	vld [tilespmem:s16+$0x4980];
	_ =	sdelay $0x1  }
0x31: {  	v1 =	vld [tilespmem:$0x9300]  }
0x32: {  	v2 =	vld [tilespmem:$0x9310]  }
0x33: {  	v3 =	vld [tilespmem:$0x9320]  }
0x34: {  	s17 =	simm.s32 $0x10;
	v7 =	vld [tilespmem:s16+$0x6200];
	v4 =	vadd.f32 v5, v4  }
0x35: {  	v5 =	vld [tilespmem:s17+$0x4980]  }
0x36: {  	v6 =	vmul.f32 v4, v1;
	v4 =	vld [tilespmem:s17+$0x3100];
	_ =	sdelay $0x2  }
0x37: {  	s18 =	simm.s32 $0x80;
	v7 =	vmul.f32 v7, v3;
	v6 =	vadd.f32 v6, v2  }
.LBB2_2:
0x38: {  	s19 =	sshra.s32 s18, $0x2;
	v8 =	vld [tilespmem:s17+$0x6200];
	p1 =	sne.s32 s18, $0x61C0  }
.Ltmp0:
0x39: {  	s18 =	sadd.s32 $0x40, s18;
	v9 =	vadd.f32 v5, v4;
	v4 =	vld [tilespmem:s19+$0x3100];
	v6 =	vadd.f32 v6, v7;
	(pc) =	sbr.rel @p1 .LBB2_2-.Ltmp0, $4  }
0x3a: {  	v5 =	vld [tilespmem:s19+$0x4980]  }
0x3b: {  	v7 =	vmul.f32 v9, v1;
	v6 =	vmax.f32 v6, $0.0e+00  }
0x3c: {  	[tilespmem:s16+$0x7A80] =	vst v6;
	s16 =	smov.u32 s17;
	s17 =	smov.u32 s19  }
0x3d: {  	v6 =	vadd.f32 v7, v2;
	v7 =	vmul.f32 v8, v3  }
0x3e: {  	v8 =	vld [tilespmem:s17+$0x6200]  }
0x3f: {  	v4 =	vadd.f32 v5, v4;
	_ =	sdelay $0x1  }
0x40: {  	v1 =	vmul.f32 v4, v1;
	_ =	sdelay $0x1  }
0x41: {  	v1 =	vadd.f32 v1, v2;
	v2 =	vmul.f32 v8, v3  }
0x42: {  	v3 =	vadd.f32 v6, v7  }
0x43: {  	v1 =	vadd.f32 v1, v2  }
0x44: {  	v2 =	vmax.f32 v3, $0.0e+00  }
0x45: {  	[tilespmem:s16+$0x7A80] =	vst v2;
	v1 =	vmax.f32 v1, $0.0e+00  }
0x46: {  	s19 =	rddreg [dreg:$0x8];
	[tilespmem:s17+$0x7A80] =	vst v1  }
0x47: {  	[spmem:s19] =	stream.linear.scatter [tilespmem:s30], [sflag:$0x8], $0x1880, $0x38;
	[tilespmem:$0x1CF80] =	vst v63  }
0x48: {  	_ =	swait.ge [sflag:s25], $0x1880  }
0x49: {  	[sflag:s25] =	ssyncset.done $0x0  }
0x4a: {  	s16 =	simm.s32 @!p0 $0x0;
	s17 =	simm.s32 @!p0 $0x7A80;
	[sflag:s25] =	ssyncadd.s32 $0xFFFFE780  }
0x4b: {  	[hbm4b:s20+s16] =	stream.linear.scatter @!p0 [tilespmem:s17], [sflag:$0x8], $0x1880, $0x38;
	[tilespmem:$0x1CF80] =	vst v63  }
0x4c: {  	s16 =	simm.s32 @!p0 $0x8  }
0x4d: {  	_ =	swait.ge @!p0 [sflag:s16], $0x1880  }
0x4e: {  	[sflag:s16] =	ssyncset.done @!p0 $0x0  }
0x4f: {  	s17 =	simm.s32 $0x0;
	[sflag:s16] =	ssyncadd.s32 @!p0 $0xFFFFE780;
	s16 =	simm.s32 $0x40  }
.LBB2_4:
0x50: {  	p1 =	sne.s32 s16, $0x61C0;
	[tilespmem:s17+$0x3100] =	vst v0;
	s17 =	smov.u32 s16;
	s16 =	sadd.s32 $0x40, s16  }
.Ltmp1:
0x51: {  	(pc) =	sbr.rel @p1 .LBB2_4-.Ltmp1, $2  }
0x52: {  	_ =	sdelay $0x2  }
0x53: {  	s17 =	sshra.s32 s17, $0x2  }
0x54: {  	[tilespmem:s17+$0x3100] =	vst v0  }
0x55: {  	[spmem:s21] =	stream.linear.scatter [tilespmem:s24], [sflag:$0x8], $0x1880, $0x38;
	[tilespmem:$0x1CF80] =	vst v63  }
0x56: {  	_ =	swait.ge [sflag:s25], $0x1880  }
0x57: {  	[sflag:s25] =	ssyncset.done $0x0  }
0x58: {  	[sflag:s25] =	ssyncadd.s32 $0xFFFFE780  }
0x59: {  	[bflag:$0x0] =	sbarrier.arrive $0xFFFF  }
0x5a: {  	s16 =	rddreg [dreg:$0x9]  }
0x5b: {  	[tilespmem:s31], [sflag:$0x1] =	stream.linear.gather [hbm4b:s16+s4], $0x2710, $0x38;
	[tilespmem:$0x1CF80] =	vst v63  }
0x5c: {  	s17 =	rddreg [dreg:$0xa]  }
0x5d: {  	[tilespmem:s0], [sflag:$0x3] =	stream.linear.gather [hbm4b:s17+s4], $0x2710, $0x38;
	[tilespmem:$0x1CF80] =	vst v63  }
0x5e: {  	_ =	swait.ge [sflag:s3], $0x2710  }
0x5f: {  	[sflag:s3] =	ssyncset.done $0x0  }
0x60: {  	[sflag:s3] =	ssyncadd.s32 $0xFFFFD8F0  }
0x61: {  	_ =	swait.ge [sflag:s26], $0x2710  }
0x62: {  	[sflag:s26] =	ssyncset.done $0x0  }
0x63: {  	s18 =	rddreg [dreg:$0xb];
	[sflag:s26] =	ssyncadd.s32 $0xFFFFD8F0  }
0x64: {  	[tilespmem:s28], [sflag:$0x2] =	stream.linear.gather [hbm4b:s18+s4], $0x2710, $0x38;
	[tilespmem:$0x1CF80] =	vst v63  }
0x65: {  	s19 =	rddreg [dreg:$0xc]  }
0x66: {  	[tilespmem:s29], [sflag:$0x4] =	stream.linear.gather [hbm4b:s19+s4], $0x2710, $0x38;
	[tilespmem:$0x1CF80] =	vst v63  }
0x67: {  	_ = 	snop  }
0x68: {  	[tilespmem:s6], [sflag:$0x8] =	stream.indirect.gather [spmem:s1], $0x1, s31, s5, $0xb8;
	[tilespmem:$0x1CF80] =	vst v63  }
0x69: {  	_ =	swait.ge [sflag:s25], $0x2710  }
0x6a: {  	[sflag:s25] =	ssyncset.done $0x0  }
0x6b: {  	[sflag:s25] =	ssyncadd.s32 $0xFFFFD8F0  }
0x6c: {  	[spmem:s2] =	stream.indirect.scatter.add.f32 [tilespmem:s6], [sflag:$0x5], $0x1, s0, s5, $0xb8;
	[tilespmem:$0x1CF80] =	vst v63  }
0x6d: {  	_ =	swait.ge [sflag:s7], $0x2710  }
0x6e: {  	[sflag:s7] =	ssyncset.done $0x0  }
0x6f: {  	[sflag:s7] =	ssyncadd.s32 $0xFFFFD8F0  }
0x70: {  	_ =	swait.ge [sflag:s8], $0x2710  }
0x71: {  	[sflag:s8] =	ssyncset.done $0x0  }
0x72: {  	s17 =	rddreg [dreg:$0xd];
	[sflag:s8] =	ssyncadd.s32 $0xFFFFD8F0  }
0x73: {  	[tilespmem:s31], [sflag:$0x1] =	stream.linear.gather [hbm4b:s17+s4], $0x2710, $0x38;
	[tilespmem:$0x1CF80] =	vst v63  }
0x74: {  	s18 =	rddreg [dreg:$0xe]  }
0x75: {  	[tilespmem:s9], [sflag:$0x3] =	stream.linear.gather [hbm4b:s18+s4], $0x2710, $0x38;
	[tilespmem:$0x1CF80] =	vst v63  }
0x76: {  	_ = 	snop  }
0x77: {  	[tilespmem:s10], [sflag:$0x8] =	stream.indirect.gather [spmem:s1], $0x1, s28, s5, $0xb8;
	[tilespmem:$0x1CF80] =	vst v63  }
0x78: {  	_ =	swait.ge [sflag:s25], $0x2710  }
0x79: {  	[sflag:s25] =	ssyncset.done $0x0  }
0x7a: {  	[sflag:s25] =	ssyncadd.s32 $0xFFFFD8F0  }
0x7b: {  	[spmem:s2] =	stream.indirect.scatter.add.f32 [tilespmem:s10], [sflag:$0x6], $0x1, s29, s5, $0xb8;
	[tilespmem:$0x1CF80] =	vst v63  }
0x7c: {  	_ =	swait.ge [sflag:s11], $0x2710  }
0x7d: {  	[sflag:s11] =	ssyncset.done $0x0  }
0x7e: {  	[sflag:s11] =	ssyncadd.s32 $0xFFFFD8F0  }
0x7f: {  	_ =	swait.ge [sflag:s3], $0x2710  }
0x80: {  	[sflag:s3] =	ssyncset.done $0x0  }
0x81: {  	[sflag:s3] =	ssyncadd.s32 $0xFFFFD8F0  }
0x82: {  	_ =	swait.ge [sflag:s26], $0x2710  }
0x83: {  	[sflag:s26] =	ssyncset.done $0x0  }
0x84: {  	s19 =	rddreg [dreg:$0xf];
	[sflag:s26] =	ssyncadd.s32 $0xFFFFD8F0  }
0x85: {  	[tilespmem:s28], [sflag:$0x2] =	stream.linear.gather [hbm4b:s19+s4], $0x2710, $0x38;
	[tilespmem:$0x1CF80] =	vst v63  }
0x86: {  	s17 =	rddreg [dreg:$0x10]  }
0x87: {  	[tilespmem:s0], [sflag:$0x4] =	stream.linear.gather [hbm4b:s17+s4], $0x2710, $0x38;
	[tilespmem:$0x1CF80] =	vst v63  }
0x88: {  	_ = 	snop  }
0x89: {  	[tilespmem:s12], [sflag:$0x8] =	stream.indirect.gather [spmem:s1], $0x1, s31, s5, $0xb8;
	[tilespmem:$0x1CF80] =	vst v63  }
0x8a: {  	_ =	swait.ge [sflag:s25], $0x2710  }
0x8b: {  	[sflag:s25] =	ssyncset.done $0x0  }
0x8c: {  	[sflag:s25] =	ssyncadd.s32 $0xFFFFD8F0  }
0x8d: {  	[spmem:s2] =	stream.indirect.scatter.add.f32 [tilespmem:s12], [sflag:$0x7], $0x1, s9, s5, $0xb8;
	[tilespmem:$0x1CF80] =	vst v63  }
0x8e: {  	_ =	swait.ge [sflag:s13], $0x2710  }
0x8f: {  	[sflag:s13] =	ssyncset.done $0x0  }
0x90: {  	[sflag:s13] =	ssyncadd.s32 $0xFFFFD8F0  }
0x91: {  	_ =	swait.ge [sflag:s7], $0x2710  }
0x92: {  	[sflag:s7] =	ssyncset.done $0x0  }
0x93: {  	[sflag:s7] =	ssyncadd.s32 $0xFFFFD8F0  }
0x94: {  	_ =	swait.ge [sflag:s8], $0x2710  }
0x95: {  	[sflag:s8] =	ssyncset.done $0x0  }
0x96: {  	s18 =	rddreg [dreg:$0x11];
	[sflag:s8] =	ssyncadd.s32 $0xFFFFD8F0  }
0x97: {  	[tilespmem:s31], [sflag:$0x1] =	stream.linear.gather [hbm4b:s18+s4], $0x2710, $0x38;
	[tilespmem:$0x1CF80] =	vst v63  }
0x98: {  	s19 =	rddreg [dreg:$0x12]  }
0x99: {  	[tilespmem:s29], [sflag:$0x3] =	stream.linear.gather [hbm4b:s19+s4], $0x2710, $0x38;
	[tilespmem:$0x1CF80] =	vst v63  }
0x9a: {  	_ = 	snop  }
0x9b: {  	[tilespmem:s6], [sflag:$0x8] =	stream.indirect.gather [spmem:s1], $0x1, s28, s5, $0xb8;
	[tilespmem:$0x1CF80] =	vst v63  }
0x9c: {  	_ =	swait.ge [sflag:s25], $0x2710  }
0x9d: {  	[sflag:s25] =	ssyncset.done $0x0  }
0x9e: {  	[sflag:s25] =	ssyncadd.s32 $0xFFFFD8F0  }
0x9f: {  	[spmem:s2] =	stream.indirect.scatter.add.f32 [tilespmem:s6], [sflag:$0x5], $0x1, s0, s5, $0xb8;
	[tilespmem:$0x1CF80] =	vst v63  }
0xa0: {  	_ =	swait.ge [sflag:s14], $0x2710  }
0xa1: {  	[sflag:s14] =	ssyncset.done $0x0  }
0xa2: {  	[sflag:s14] =	ssyncadd.s32 $0xFFFFD8F0  }
0xa3: {  	_ =	swait.ge [sflag:s3], $0x2710  }
0xa4: {  	[sflag:s3] =	ssyncset.done $0x0  }
0xa5: {  	[sflag:s3] =	ssyncadd.s32 $0xFFFFD8F0  }
0xa6: {  	_ =	swait.ge [sflag:s26], $0x2710  }
0xa7: {  	[sflag:s26] =	ssyncset.done $0x0  }
0xa8: {  	[sflag:s26] =	ssyncadd.s32 $0xFFFFD8F0  }
0xa9: {  	[tilespmem:s10], [sflag:$0x8] =	stream.indirect.gather [spmem:s1], $0x1, s31, s5, $0xb8;
	[tilespmem:$0x1CF80] =	vst v63  }
0xaa: {  	_ =	swait.ge [sflag:s25], $0x2710  }
0xab: {  	[sflag:s25] =	ssyncset.done $0x0  }
0xac: {  	[sflag:s25] =	ssyncadd.s32 $0xFFFFD8F0  }
0xad: {  	[spmem:s2] =	stream.indirect.scatter.add.f32 [tilespmem:s10], [sflag:$0x6], $0x1, s29, s5, $0xb8;
	[tilespmem:$0x1CF80] =	vst v63  }
0xae: {  	_ =	swait.ge [sflag:s11], $0x2710  }
0xaf: {  	[sflag:s11] =	ssyncset.done $0x0  }
0xb0: {  	[sflag:s11] =	ssyncadd.s32 $0xFFFFD8F0  }
0xb1: {  	_ =	swait.ge [sflag:s13], $0x2710  }
0xb2: {  	[sflag:s13] =	ssyncset.done $0x0  }
0xb3: {  	[sflag:s13] =	ssyncadd.s32 $0xFFFFD8F0  }
0xb4: {  	[bflag:$0x0] =	sbarrier.arrive $0xFFFF  }
0xb5: {  	[tilespmem:s30], [sflag:$0x8] =	stream.linear.gather [spmem:s21], $0x1880, $0x38;
	[tilespmem:$0x1CF80] =	vst v63  }
0xb6: {  	s15 =	sadd.s32 $0x1, s15;
	_ =	swait.ge [sflag:s25], $0x1880  }
0xb7: {  	p1 =	sne.s32 s15, s22;
	[sflag:s25] =	ssyncset.done $0x0  }
.Ltmp2:
0xb8: {  	[sflag:s25] =	ssyncadd.s32 $0xFFFFE780;
	(pc) =	sbr.rel @p1 .LBB2_1-.Ltmp2, $4  }
0xb9: {  	[hbm4b:s23+s4] =	stream.linear.scatter [tilespmem:s30], [sflag:$0x8], $0x1880, $0x38;
	[tilespmem:$0x1CF80] =	vst v63  }
0xba: {  	_ =	swait.ge [sflag:s25], $0x1880  }
0xbb: {  	[sflag:s25] =	ssyncset.done $0x0  }
0xbc: {  	[sflag:s25] =	ssyncadd.s32 $0xFFFFE780  }
0xbd: {  	_ =	sfence.sel $0x180000  }
0xbe: {  	[bflag:$0x0] =	sbarrier.arrive $0xFFFF  }
0xbf: {  	_ =	strace $0x9000004D  }
0xc0: {  	s0 =	stileid.u32;
	[bflag:$0x2] =	sbarrier.arrive $0xFFFF  }
0xc1: {  	p0 =	sne.s32 s0, $0x0;
	s0 =	rddreg [dreg:$0x3]  }
0xc2: {  	s0 =	sadd.s32 @!p0 $0x100000, s0  }
0xc3: {  	[sflag:s0] =	ssyncadd.tile.s32 @!p0 $0x1;
	_ =	shalt  }
.Lfunc_end2:
_tile_overlayer_lowered:
.L_overlay_start_2:
0xc4: {  	(tag) =	ssettag $0x2  }
0xc5: {  	s0 =	rddreg [dreg:$0x0];
	s2 =	stileid.u32  }
0xc6: {  	s1 =	rddreg [dreg:$0x1];
	p0 =	sne.s32 s2, $0x0  }
0xc7: {  	s3 =	rddreg [dreg:$0x2];
	[bflag:$0x3] =	sbarrier.arrive $0xFFFF;
	s2 =	simm.s32 @!p0 $0x1C08  }
0xc8: {  	[timem:s3], [sflag:s2] =	dma.local @!p0 [hbm:s0], s1  }
0xc9: {  	s0 =	simm.s32 @!p0 $0x8  }
0xca: {  	_ =	swait.ge @!p0 [sflag:s0], s1  }
0xcb: {  	s1 =	ssub.s32 @!p0 $0x0, s1;
	[sflag:s0] =	ssyncset.done @!p0 $0x0  }
0xcc: {  	[sflag:s0] =	ssyncadd.s32 @!p0 s1  }
0xcd: {  	[bflag:$0x3] =	sbarrier.arrive $0xFFFF  }
0xce: {  	_ =	shalt  }

// kernel: kernel.8.cloned.1.call-start
scs
__scs_entry_jumppad:
0x0: {  	(pc) =	sbr.rel $0x88, $3  }
0x1: {  	(tag) =	ssettag $0x0;
	lr =	simm.s32 $0x1  }
0x2: {  	[smem:$0x3F92] =	sst lr;
	_ =	strace $0xD0000000  }
0x3: {  	_ = 	snop  }
0x4: {  	_ = 	snop  }
0x5: {  	_ = 	snop  }
0x6: {  	_ = 	snop  }
0x7: {  	_ = 	snop  }
__scs_overlays_trampoline_lowered:
0x8: {  	[smem:$0x3FA1] =	sst s0  }
0x9: {  	[smem:$0x3FA2] =	sst s1  }
0xa: {  	[smem:$0x3FA3] =	sst s2  }
0xb: {  	[smem:$0x3FA4] =	sst s3  }
0xc: {  	[smem:$0x3FA5] =	sst s4  }
0xd: {  	[smem:$0x3FA6] =	sst s5  }
0xe: {  	[smem:$0x3FA7] =	sst s6  }
0xf: {  	[smem:$0x3FA8] =	sst s7  }
0x10: {  	[smem:$0x3FA9] =	sst s8  }
0x11: {  	[smem:$0x3FAA] =	sst s9;
	s0 =	simm.s32 @!p0 $0x0  }
0x12: {  	s1 =	sld [smem:$0x3F90];
	s0 =	simm.s32 @p0 $0x1  }
0x13: {  	[smem:$0x3FAB] =	sst s0;
	s0 =	simm.s32 @!p1 $0x0  }
0x14: {  	s2 =	sld [smem:$0x3F8F];
	s0 =	simm.s32 @p1 $0x1  }
0x15: {  	[smem:$0x3FAC] =	sst s0;
	s0 =	simm.s32 @!p2 $0x0  }
0x16: {  	s3 =	sld [smem:$0x3FDB];
	s0 =	simm.s32 @p2 $0x1  }
0x17: {  	s4 =	simm.s32 $0x1BF5;
	[smem:$0x3FAE] =	sst s0  }
0x18: {  	s0 =	sld [smem:$0x3F91];
	_ =	swait.ge [sflag:s4], $0x0  }
0x19: {  	s7 =	sld [smem:$0x3F92]  }
0x1a: {  	s8 =	sadd.s32 $0xFFFFE003, lr  }
0x1b: {  	s9 =	sadd.s32 $0xFFFFFEF7, lr;
	s5 =	simm.s32 $0xFFFFFFFF;
	p2 =	slt.u32 s8, $0xFFFFF086  }
0x1c: {  	p1 =	slt.u32 s9, $0xF7A;
	s5 =	simm.s32 @!p2 $0x0  }
0x1d: {  	s5 =	simm.s32 @p1 $0x1;
	p0 =	seq.s32 s7, s2  }
0x1e: {  	s7 =	smul.u32 @!p0 $0xF7A, s2;
	p2 =	seq.s32 @!p0 s5, $0x0  }
0x1f: {  	s9 =	smul.u32 $0xF7A, s1;
	s8 =	simm.s32 @!p0 $0x1BF5;
	p2 =	por !p2, p0  }
0x20: {  	[sflag:s8] =	ssyncset.s32 @!p0 $0xFFFFF086;
	s6 =	sadd.s32 @!p0 s3, s7;
	s7 =	simm.s32 @!p0 $0x108  }
0x21: {  	s3 =	sadd.s32 s3, s9;
	s6 =	sadd.s32 @!p0 $0x88, s6;
	s7 =	simm.s32 @p2 $0x1082  }
0x22: {  	[simem:s7], [sflag:s8] =	dma.local @!p0 [hbm:s6], $0xF7A  }
0x23: {  	s9 =	sor.u32 $0xD0000000, s2;
	s6 =	simm.s32 $0x108;
	_ =	swait.ge @!p0 [sflag:s8], $0x0  }
0x24: {  	s3 =	sadd.s32 $0x88, s3;
	s6 =	simm.s32 @!p1 $0x1082;
	[sflag:s4] =	ssyncset.s32 $0xFFFFF086  }
0x25: {  	[simem:s6], [sflag:s4] =	dma.local [hbm:s3], $0xF7A  }
0x26: {  	[smem:$0x3F92] =	sst s1;
	(tag) =	ssettag s2;
	_ =	strace s9  }
0x27: {  	s1 =	sld [smem:$0x3FA2]  }
0x28: {  	s2 =	sld [smem:$0x3FA3]  }
0x29: {  	s4 =	sld [smem:$0x3FA5]  }
0x2a: {  	p0 =	seq.s32 s5, $0x0;
	s5 =	sld [smem:$0x3FA6]  }
0x2b: {  	s6 =	sld [smem:$0x3FA7]  }
0x2c: {  	s7 =	sld [smem:$0x3FA8]  }
0x2d: {  	s3 =	simm.s32 $0x108;
	s8 =	sld [smem:$0x3FA9]  }
0x2e: {  	s3 =	simm.s32 @!p0 $0x1082;
	s9 =	sld [smem:$0x3FAA]  }
0x2f: {  	lr =	sadd.s32 s0, s3;
	s0 =	sld [smem:$0x3FA1]  }
0x30: {  	s3 =	sld [smem:$0x3FA4]  }
0x31: {  	[smem:$0x3FAD] =	sst s10  }
0x32: {  	s10 =	sld [smem:$0x3FAB];
	_ =	sdelay $0x3  }
0x33: {  	p0 =	seq.s32 s10, $0x1;
	s10 =	sld [smem:$0x3FAD];
	_ =	sdelay $0x3  }
0x34: {  	[smem:$0x3FAD] =	sst s10  }
0x35: {  	s10 =	sld [smem:$0x3FAC];
	_ =	sdelay $0x3  }
0x36: {  	p1 =	seq.s32 s10, $0x1;
	s10 =	sld [smem:$0x3FAD];
	_ =	sdelay $0x3  }
0x37: {  	[smem:$0x3FAD] =	sst s10  }
0x38: {  	s10 =	sld [smem:$0x3FAE]  }
0x39: {  	_ = 	snop;
	(pc) =	sbr.ind lr, $3  }
0x3a: {  	_ = 	snop  }
0x3b: {  	_ = 	snop  }
0x3c: {  	p2 =	seq.s32 s10, $0x1;
	s10 =	sld [smem:$0x3FAD]  }
0x3d: {  	_ =	shalt  }
0x3e: {  	_ =	shalt  }
0x3f: {  	_ =	shalt  }
0x40: {  	_ =	shalt  }
0x41: {  	_ =	shalt  }
0x42: {  	_ =	shalt  }
0x43: {  	_ =	shalt  }
0x44: {  	_ =	shalt  }
0x45: {  	_ =	shalt  }
0x46: {  	_ =	shalt  }
0x47: {  	_ =	shalt  }
0x48: {  	_ =	shalt  }
0x49: {  	_ =	shalt  }
0x4a: {  	_ =	shalt  }
0x4b: {  	_ =	shalt  }
0x4c: {  	_ =	shalt  }
0x4d: {  	_ =	shalt  }
0x4e: {  	_ =	shalt  }
0x4f: {  	_ =	shalt  }
0x50: {  	_ =	shalt  }
0x51: {  	_ =	shalt  }
0x52: {  	_ =	shalt  }
0x53: {  	_ =	shalt  }
0x54: {  	_ =	shalt  }
0x55: {  	_ =	shalt  }
0x56: {  	_ =	shalt  }
0x57: {  	_ =	shalt  }
0x58: {  	_ =	shalt  }
0x59: {  	_ =	shalt  }
0x5a: {  	_ =	shalt  }
0x5b: {  	_ =	shalt  }
0x5c: {  	_ =	shalt  }
0x5d: {  	_ =	shalt  }
0x5e: {  	_ =	shalt  }
0x5f: {  	_ =	shalt  }
0x60: {  	_ =	shalt  }
0x61: {  	_ =	shalt  }
0x62: {  	_ =	shalt  }
0x63: {  	_ =	shalt  }
0x64: {  	_ =	shalt  }
0x65: {  	_ =	shalt  }
0x66: {  	_ =	shalt  }
0x67: {  	_ =	shalt  }
0x68: {  	_ =	shalt  }
0x69: {  	_ =	shalt  }
0x6a: {  	_ =	shalt  }
0x6b: {  	_ =	shalt  }
0x6c: {  	_ =	shalt  }
0x6d: {  	_ =	shalt  }
0x6e: {  	_ =	shalt  }
0x6f: {  	_ =	shalt  }
0x70: {  	_ =	shalt  }
0x71: {  	_ =	shalt  }
0x72: {  	_ =	shalt  }
0x73: {  	_ =	shalt  }
0x74: {  	_ =	shalt  }
0x75: {  	_ =	shalt  }
0x76: {  	_ =	shalt  }
0x77: {  	_ =	shalt  }
0x78: {  	_ =	shalt  }
0x79: {  	_ =	shalt  }
0x7a: {  	_ =	shalt  }
0x7b: {  	_ =	shalt  }
0x7c: {  	_ =	shalt  }
0x7d: {  	_ =	shalt  }
0x7e: {  	_ =	shalt  }
0x7f: {  	_ =	shalt  }
0x80: {  	_ =	shalt  }
0x81: {  	_ =	shalt  }
0x82: {  	_ =	shalt  }
0x83: {  	_ =	shalt  }
0x84: {  	_ =	shalt  }
0x85: {  	_ =	shalt  }
0x86: {  	_ =	shalt  }
0x87: {  	_ =	shalt  }
.Lfunc_end0:
.L_simem_size_0:
called_computation_lowered:
.L_overlay_start_0:
0x88: {  	s2 =	sld [smem:$0x3FD9]  }
0x89: {  	s3 =	sld [smem:$0x3FFE];
	_ =	sdelay $0x1  }
0x8a: {  	s1 =	srdreg.scid  }
0x8b: {  	s0 =	sand.u32 $0x1, s1  }
0x8c: {  	s16 =	sshll.u32 s0, $0xA;
	s2 =	sadd.s32 s3, s2  }
0x8d: {  	s2 =	sadd.s32 s2, s16  }
0x8e: {  	[smem:$0x3FB9] =	sst s2  }
0x8f: {  	_ = 	snop  }
0x90: {  	(tm) =	ssettm $0x1  }
0x91: {  	s17 =	sld [smem:$0x3FFB];
	_ =	sdelay $0x3  }
0x92: {  	_ =	strace s17  }
0x93: {  	s2 =	sld [smem:$0x3FFC];
	_ =	sdelay $0x3  }
0x94: {  	_ =	strace s2  }
0x95: {  	s2 =	sld [smem:$0x3FFD];
	_ =	sdelay $0x3  }
0x96: {  	_ =	strace s2  }
0x97: {  	_ =	strace $0x8FFFFFFF  }
0x98: {  	s18 =	sld [smem:$0x3FDB];
	_ =	sdelay $0x1  }
0x99: {  	s19 =	simm.s32 $_scs_section_size  }
0x9a: {  	s4 =	simm.s32 $_size__tile_overlayer_lowered;
	s5 =	simm.s32 $_tile_overlayer_lowered  }
0x9b: {  	s22 =	simm.s32 $0x1BFF;
	s21 =	sshll.u32 s5, $0x1;
	s2 =	sadd.s32 s19, s18  }
0x9c: {  	s6 =	simm.s32 $0x0;
	s20 =	sshll.u32 s4, $0x1;
	s4 =	sadd.s32 s21, s2  }
0x9d: {  	[timem:s6], [sflag:s22] =	dma.local [hbm:s4], s20  }
0x9e: {  	_ =	swait.ge [sflag:s22], s20  }
0x9f: {  	s3 =	ssub.s32 $0x0, s20;
	[sflag:s22] =	ssyncset.done $0x0  }
0xa0: {  	[sflag:s22] =	ssyncadd.s32 s3;
	_ =	sdelay $0x1  }
0xa1: {  	s23 =	simm.s32 $0x1B8B  }
0xa2: {  	_ =	swait.ge [sflag:s23], $0x1  }
0xa3: {  	[sflag:s23] =	ssyncset.done $0x0  }
0xa4: {  	s25 =	simm.s32 $0x1B8E;
	s24 =	sld [smem:$0x3FFE];
	[sflag:s23] =	ssyncadd.s32 $0xFFFFFFFF  }
0xa5: {  	s26 =	simm.s32 $execute0_lowered;
	[smem:$0x3FD2] =	sst s25  }
0xa6: {  	s4 =	sshll.u32 s26, $0x1;
	_ =	strace $0x80000046;
	[dreg:$0x1] =	wrdreg $0xFFFFFFFF  }
0xa7: {  	s28 =	simm.s32 $_size_execute0_lowered;
	s2 =	sadd.s32 s2, s4;
	[dreg:$0x0] =	wrdreg $0x0  }
0xa8: {  	s4 =	sshll.u32 s28, $0x1;
	[dreg:$0x2] =	wrdreg s2  }
0xa9: {  	[dreg:$0x3] =	wrdreg s4  }
0xaa: {  	[dreg:$0x4] =	wrdreg $0xC0  }
0xab: {  	_ =	task [dreg:s6], $0x5FFFF  }
0xac: {  	[dreg:$0x1] =	wrdreg $0xFFFFFFFF  }
0xad: {  	[dreg:$0x0] =	wrdreg $0x60  }
0xae: {  	[dreg:$0x2] =	wrdreg s24  }
0xaf: {  	[dreg:$0x3] =	wrdreg $0x0  }
0xb0: {  	[dreg:$0x4] =	wrdreg $0x18800  }
0xb1: {  	[dreg:$0x5] =	wrdreg $0x9  }
0xb2: {  	_ =	task.clear_ibuf [dreg:s6], $0x6FFFF;
	_ =	strace $0x90000046  }
0xb3: {  	s29 =	simm.s32 $0x9;
	_ =	strace $0x80000048  }
0xb4: {  	_ =	swait.ge [sflag:s29], $0x1  }
0xb5: {  	[sflag:s29] =	ssyncadd.s32 $0xFFFFFFFF  }
0xb6: {  	_ =	strace $0x90000048  }
0xb7: {  	_ =	sfence  }
0xb8: {  	s30 =	sld [smem:$0x0];
	_ =	sdelay $0x2  }
0xb9: {  	s31 =	sshll.u32 s1, $0xD;
	s1 =	sshrl.u32 s1, $0x2  }
0xba: {  	s3 =	sand.u32 $0x4000, s31;
	s1 =	sadd.s32 s1, s30  }
0xbb: {  	s0 =	sor.u32 s3, s0;
	s1 =	sshll.u32 s1, $0x11  }
0xbc: {  	s0 =	sor.u32 s1, s0  }
0xbd: {  	s0 =	sadd.s32 $0x8F2B, s0  }
0xbe: {  	[sflag:s0] =	ssyncadd.remote.s32 $0x1  }
0xbf: {  	_ =	sfence.sel $0xFFFF  }
0xc0: {  	[dreg:$0x0] =	wrdreg $0xFFFFFFFF;
	(pc) =	sbr.abs _section_cstart, $3  }
0xc1: {  	[dreg:$0x1] =	wrdreg $0xFFFFFFFF  }
0xc2: {  	_ =	task.clear_ibuf [dreg:s6], $0x2FFFF;
	_ =	strace $0x9FFFFFFF  }
0xc3: {  	(tm) =	ssettm $0x7FFFFFFF  }
tec
execute0_lowered:
.L_overlay_start_1:
0x0: {  	(tag) =	ssettag $0x1  }
0x1: {  	s0 =	rddreg [dreg:$0x0]  }
0x2: {  	s2 =	rddreg [dreg:$0x1]  }
0x3: {  	s3 =	rddreg [dreg:$0x2];
	s9 =	stileid.u32  }
0x4: {  	s4 =	simm.s32 $0x0;
	s5 =	srdreg.scid;
	s28 =	simm.s32 $0x8980  }
0x5: {  	s29 =	simm.s32 $0xD880;
	s30 =	simm.s32 $0x2710;
	s31 =	simm.s32 $0x12780  }
0x6: {  	s1 =	smul.u32 $0x1880, s9;
	[smem:$0x7FF] =	sst s4;
	s5 =	sand.u32 $0x1, s5  }
0x7: {  	s9 =	smul.u32 $0xC350, s9;
	s10 =	sadd.s32 $0x3600, s0;
	_ =	strace $0x80000047  }
0x8: {  	s7 =	smul.u32 $0xC3500, s5;
	s8 =	ssub.s32 $0x2, s5;
	p0 =	seq.s32 s5, $0x1  }
0x9: {  	s5 =	simm.s32 $0x6E800;
	s6 =	sshrl.u32 s1, $0x3;
	s11 =	sshrl.u32 s8, $0x1  }
0xa: {  	s19 =	sadd.s32 s1, s2;
	s5 =	simm.s32 @!p0 $0x6B600;
	s6 =	sadd.s32 s6, s0  }
0xb: {  	s0 =	sadd.s32 $0x34400, s0;
	s8 =	ssub.s32 s8, s11;
	s9 =	sadd.s32 s9, s7  }
0xc: {  	[dreg:$0x5] =	wrdreg s19;
	s7 =	sadd.s32 s1, s3;
	s11 =	simm.s32 $0x0  }
0xd: {  	s18 =	sadd.s32 $0x65200, s6;
	s20 =	sshrl.u32 s9, $0x3;
	s19 =	sadd.s32 s5, s6  }
0xe: {  	s5 =	simm.s32 $0x14F00;
	s6 =	simm.s32 $0x5;
	[dreg:$0x4] =	wrdreg s18  }
0xf: {  	s9 =	sadd.s32 s10, s20;
	s21 =	sadd.s32 s0, s20;
	s22 =	sadd.s32 $0x4E2, s20  }
0x10: {  	s24 =	sadd.s32 $0x9C4, s20;
	s26 =	sadd.s32 $0xEA6, s20;
	s1 =	sadd.s32 $0x1388, s20  }
0x11: {  	s18 =	smax.u32 s8, $0x1;
	s20 =	simm.s32 $0x4980;
	[dreg:$0x6] =	wrdreg s9  }
0x12: {  	s8 =	simm.s32 $0x17680;
	[dreg:$0x7] =	wrdreg s21;
	s23 =	sadd.s32 s10, s22  }
0x13: {  	s9 =	sadd.s32 s0, s22;
	s25 =	sadd.s32 s10, s24;
	s14 =	sadd.s32 s10, s26  }
0x14: {  	s15 =	sadd.s32 s0, s26;
	s16 =	sadd.s32 s10, s1;
	s17 =	sadd.s32 s0, s1  }
0x15: {  	s21 =	simm.s32 $0x8;
	s26 =	simm.s32 $0x3;
	[dreg:$0x8] =	wrdreg s23  }
0x16: {  	s1 =	simm.s32 $0x4;
	s22 =	simm.s32 $0x10000;
	[dreg:$0x9] =	wrdreg s9  }
0x17: {  	s10 =	simm.s32 $0x7;
	[dreg:$0xa] =	wrdreg s25;
	s9 =	sadd.s32 s0, s24  }
0x18: {  	s23 =	simm.s32 $0x6200;
	s24 =	simm.s32 $0xB100;
	s25 =	simm.s32 $0x1  }
0x19: {  	v0 =	vimm.f32 $0.0e+00;
	s0 =	simm.s32 $0x2;
	[dreg:$0xb] =	wrdreg s9;
	s9 =	simm.s32 $0x6  }
.LBB2_1:
0x1a: {  	s12 =	rddreg [dreg:$0x4]  }
0x1b: {  	[tilespmem:s20], [sflag:$0x8] =	stream.linear.gather [hbm4b:s12+s4], $0x1880, $0x38;
	[tilespmem:$0x19E00] =	vst v63  }
0x1c: {  	_ =	swait.ge [sflag:s21], $0x1880  }
0x1d: {  	[sflag:s21] =	ssyncset.done $0x0  }
0x1e: {  	s13 =	rddreg [dreg:$0x5];
	[sflag:s21] =	ssyncadd.s32 $0xFFFFE780  }
0x1f: {  	[spmem:s13] =	stream.linear.scatter [tilespmem:s20], [sflag:$0x8], $0x1880, $0x38;
	[tilespmem:$0x19E00] =	vst v63  }
0x20: {  	_ =	swait.ge [sflag:s21], $0x1880  }
0x21: {  	[sflag:s21] =	ssyncset.done $0x0  }
0x22: {  	s12 =	simm.s32 $0x40;
	s13 =	simm.s32 $0x0;
	[sflag:s21] =	ssyncadd.s32 $0xFFFFE780  }
.LBB2_2:
0x23: {  	p0 =	sne.s32 s12, $0x61C0;
	[tilespmem:s13+$0x3100] =	vst v0;
	s13 =	smov.u32 s12;
	s12 =	sadd.s32 $0x40, s12  }
.Ltmp0:
0x24: {  	(pc) =	sbr.rel @p0 .LBB2_2-.Ltmp0, $2  }
0x25: {  	_ =	sdelay $0x2  }
0x26: {  	s13 =	sshra.s32 s13, $0x2  }
0x27: {  	[tilespmem:s13+$0x3100] =	vst v0;
	s12 =	simm.s32 $0x3100  }
0x28: {  	[spmem:s7] =	stream.linear.scatter [tilespmem:s12], [sflag:$0x8], $0x1880, $0x38;
	[tilespmem:$0x19E00] =	vst v63  }
0x29: {  	_ =	swait.ge [sflag:s21], $0x1880  }
0x2a: {  	[sflag:s21] =	ssyncset.done $0x0  }
0x2b: {  	[sflag:s21] =	ssyncadd.s32 $0xFFFFE780  }
0x2c: {  	[bflag:$0x0] =	sbarrier.arrive $0xFFFF  }
0x2d: {  	s13 =	rddreg [dreg:$0x6]  }
0x2e: {  	[tilespmem:s23], [sflag:$0x1] =	stream.linear.gather [hbm4b:s13+s4], $0x2710, $0x38;
	[tilespmem:$0x19E00] =	vst v63  }
0x2f: {  	s13 =	rddreg [dreg:$0x7]  }
0x30: {  	[tilespmem:s24], [sflag:$0x3] =	stream.linear.gather [hbm4b:s13+s4], $0x2710, $0x38;
	[tilespmem:$0x19E00] =	vst v63  }
0x31: {  	_ =	swait.ge [sflag:s25], $0x2710  }
0x32: {  	[sflag:s25] =	ssyncset.done $0x0  }
0x33: {  	[sflag:s25] =	ssyncadd.s32 $0xFFFFD8F0  }
0x34: {  	_ =	swait.ge [sflag:s26], $0x2710  }
0x35: {  	[sflag:s26] =	ssyncset.done $0x0  }
0x36: {  	s13 =	rddreg [dreg:$0x8];
	[sflag:s26] =	ssyncadd.s32 $0xFFFFD8F0  }
0x37: {  	[tilespmem:s28], [sflag:$0x2] =	stream.linear.gather [hbm4b:s13+s4], $0x2710, $0x38;
	[tilespmem:$0x19E00] =	vst v63  }
0x38: {  	s13 =	rddreg [dreg:$0x9]  }
0x39: {  	[tilespmem:s29], [sflag:$0x4] =	stream.linear.gather [hbm4b:s13+s4], $0x2710, $0x38;
	[tilespmem:$0x19E00] =	vst v63  }
0x3a: {  	_ = 	snop  }
0x3b: {  	[tilespmem:s31], [sflag:$0x8] =	stream.indirect.gather [spmem:s2], $0x1, s23, s30, $0xb8;
	[tilespmem:$0x19E00] =	vst v63  }
0x3c: {  	_ =	swait.ge [sflag:s21], $0x2710  }
0x3d: {  	[sflag:s21] =	ssyncset.done $0x0  }
0x3e: {  	[sflag:s21] =	ssyncadd.s32 $0xFFFFD8F0  }
0x3f: {  	[spmem:s3] =	stream.indirect.scatter.add.f32 [tilespmem:s31], [sflag:$0x5], $0x1, s24, s30, $0xb8;
	[tilespmem:$0x19E00] =	vst v63  }
0x40: {  	_ =	swait.ge [sflag:s0], $0x2710  }
0x41: {  	[sflag:s0] =	ssyncset.done $0x0  }
0x42: {  	[sflag:s0] =	ssyncadd.s32 $0xFFFFD8F0  }
0x43: {  	_ =	swait.ge [sflag:s1], $0x2710  }
0x44: {  	[sflag:s1] =	ssyncset.done $0x0  }
0x45: {  	s13 =	rddreg [dreg:$0xa];
	[sflag:s1] =	ssyncadd.s32 $0xFFFFD8F0  }
0x46: {  	[tilespmem:s23], [sflag:$0x1] =	stream.linear.gather [hbm4b:s13+s4], $0x2710, $0x38;
	[tilespmem:$0x19E00] =	vst v63  }
0x47: {  	s13 =	rddreg [dreg:$0xb]  }
0x48: {  	[tilespmem:s22], [sflag:$0x3] =	stream.linear.gather [hbm4b:s13+s4], $0x2710, $0x38;
	[tilespmem:$0x19E00] =	vst v63  }
0x49: {  	_ = 	snop  }
0x4a: {  	[tilespmem:s5], [sflag:$0x8] =	stream.indirect.gather [spmem:s2], $0x1, s28, s30, $0xb8;
	[tilespmem:$0x19E00] =	vst v63  }
0x4b: {  	_ =	swait.ge [sflag:s21], $0x2710  }
0x4c: {  	[sflag:s21] =	ssyncset.done $0x0  }
0x4d: {  	[sflag:s21] =	ssyncadd.s32 $0xFFFFD8F0  }
0x4e: {  	[spmem:s3] =	stream.indirect.scatter.add.f32 [tilespmem:s5], [sflag:$0x6], $0x1, s29, s30, $0xb8;
	[tilespmem:$0x19E00] =	vst v63  }
0x4f: {  	_ =	swait.ge [sflag:s6], $0x2710  }
0x50: {  	[sflag:s6] =	ssyncset.done $0x0  }
0x51: {  	[sflag:s6] =	ssyncadd.s32 $0xFFFFD8F0  }
0x52: {  	_ =	swait.ge [sflag:s25], $0x2710  }
0x53: {  	[sflag:s25] =	ssyncset.done $0x0  }
0x54: {  	[sflag:s25] =	ssyncadd.s32 $0xFFFFD8F0  }
0x55: {  	_ =	swait.ge [sflag:s26], $0x2710  }
0x56: {  	[sflag:s26] =	ssyncset.done $0x0  }
0x57: {  	[sflag:s26] =	ssyncadd.s32 $0xFFFFD8F0  }
0x58: {  	[tilespmem:s28], [sflag:$0x2] =	stream.linear.gather [hbm4b:s14+s4], $0x2710, $0x38;
	[tilespmem:$0x19E00] =	vst v63  }
0x59: {  	_ = 	snop  }
0x5a: {  	[tilespmem:s24], [sflag:$0x4] =	stream.linear.gather [hbm4b:s15+s4], $0x2710, $0x38;
	[tilespmem:$0x19E00] =	vst v63  }
0x5b: {  	_ = 	snop  }
0x5c: {  	[tilespmem:s8], [sflag:$0x8] =	stream.indirect.gather [spmem:s2], $0x1, s23, s30, $0xb8;
	[tilespmem:$0x19E00] =	vst v63  }
0x5d: {  	_ =	swait.ge [sflag:s21], $0x2710  }
0x5e: {  	[sflag:s21] =	ssyncset.done $0x0  }
0x5f: {  	[sflag:s21] =	ssyncadd.s32 $0xFFFFD8F0  }
0x60: {  	[spmem:s3] =	stream.indirect.scatter.add.f32 [tilespmem:s8], [sflag:$0x7], $0x1, s22, s30, $0xb8;
	[tilespmem:$0x19E00] =	vst v63  }
0x61: {  	_ =	swait.ge [sflag:s9], $0x2710  }
0x62: {  	[sflag:s9] =	ssyncset.done $0x0  }
0x63: {  	[sflag:s9] =	ssyncadd.s32 $0xFFFFD8F0  }
0x64: {  	_ =	swait.ge [sflag:s0], $0x2710  }
0x65: {  	[sflag:s0] =	ssyncset.done $0x0  }
0x66: {  	[sflag:s0] =	ssyncadd.s32 $0xFFFFD8F0  }
0x67: {  	_ =	swait.ge [sflag:s1], $0x2710  }
0x68: {  	[sflag:s1] =	ssyncset.done $0x0  }
0x69: {  	[sflag:s1] =	ssyncadd.s32 $0xFFFFD8F0  }
0x6a: {  	[tilespmem:s23], [sflag:$0x1] =	stream.linear.gather [hbm4b:s16+s4], $0x2710, $0x38;
	[tilespmem:$0x19E00] =	vst v63  }
0x6b: {  	_ = 	snop  }
0x6c: {  	[tilespmem:s29], [sflag:$0x3] =	stream.linear.gather [hbm4b:s17+s4], $0x2710, $0x38;
	[tilespmem:$0x19E00] =	vst v63  }
0x6d: {  	_ = 	snop  }
0x6e: {  	[tilespmem:s31], [sflag:$0x8] =	stream.indirect.gather [spmem:s2], $0x1, s28, s30, $0xb8;
	[tilespmem:$0x19E00] =	vst v63  }
0x6f: {  	_ =	swait.ge [sflag:s21], $0x2710  }
0x70: {  	[sflag:s21] =	ssyncset.done $0x0  }
0x71: {  	[sflag:s21] =	ssyncadd.s32 $0xFFFFD8F0  }
0x72: {  	[spmem:s3] =	stream.indirect.scatter.add.f32 [tilespmem:s31], [sflag:$0x5], $0x1, s24, s30, $0xb8;
	[tilespmem:$0x19E00] =	vst v63  }
0x73: {  	_ =	swait.ge [sflag:s10], $0x2710  }
0x74: {  	[sflag:s10] =	ssyncset.done $0x0  }
0x75: {  	[sflag:s10] =	ssyncadd.s32 $0xFFFFD8F0  }
0x76: {  	_ =	swait.ge [sflag:s25], $0x2710  }
0x77: {  	[sflag:s25] =	ssyncset.done $0x0  }
0x78: {  	[sflag:s25] =	ssyncadd.s32 $0xFFFFD8F0  }
0x79: {  	_ =	swait.ge [sflag:s26], $0x2710  }
0x7a: {  	[sflag:s26] =	ssyncset.done $0x0  }
0x7b: {  	[sflag:s26] =	ssyncadd.s32 $0xFFFFD8F0  }
0x7c: {  	[tilespmem:s5], [sflag:$0x8] =	stream.indirect.gather [spmem:s2], $0x1, s23, s30, $0xb8;
	[tilespmem:$0x19E00] =	vst v63  }
0x7d: {  	_ =	swait.ge [sflag:s21], $0x2710  }
0x7e: {  	[sflag:s21] =	ssyncset.done $0x0  }
0x7f: {  	[sflag:s21] =	ssyncadd.s32 $0xFFFFD8F0  }
0x80: {  	[spmem:s3] =	stream.indirect.scatter.add.f32 [tilespmem:s5], [sflag:$0x6], $0x1, s29, s30, $0xb8;
	[tilespmem:$0x19E00] =	vst v63  }
0x81: {  	_ =	swait.ge [sflag:s6], $0x2710  }
0x82: {  	[sflag:s6] =	ssyncset.done $0x0  }
0x83: {  	[sflag:s6] =	ssyncadd.s32 $0xFFFFD8F0  }
0x84: {  	_ =	swait.ge [sflag:s9], $0x2710  }
0x85: {  	[sflag:s9] =	ssyncset.done $0x0  }
0x86: {  	[sflag:s9] =	ssyncadd.s32 $0xFFFFD8F0  }
0x87: {  	[bflag:$0x0] =	sbarrier.arrive $0xFFFF  }
0x88: {  	[tilespmem:s20], [sflag:$0x8] =	stream.linear.gather [spmem:s7], $0x1880, $0x38;
	[tilespmem:$0x19E00] =	vst v63  }
0x89: {  	s11 =	sadd.s32 $0x1, s11;
	_ =	swait.ge [sflag:s21], $0x1880  }
0x8a: {  	p0 =	sne.s32 s11, s18;
	[sflag:s21] =	ssyncset.done $0x0  }
.Ltmp1:
0x8b: {  	[sflag:s21] =	ssyncadd.s32 $0xFFFFE780;
	(pc) =	sbr.rel @p0 .LBB2_1-.Ltmp1, $4  }
0x8c: {  	[hbm4b:s19+s4] =	stream.linear.scatter [tilespmem:s20], [sflag:$0x8], $0x1880, $0x38;
	[tilespmem:$0x19E00] =	vst v63  }
0x8d: {  	_ =	swait.ge [sflag:s21], $0x1880  }
0x8e: {  	[sflag:s21] =	ssyncset.done $0x0  }
0x8f: {  	[sflag:s21] =	ssyncadd.s32 $0xFFFFE780  }
0x90: {  	_ =	sfence.sel $0x180000  }
0x91: {  	[bflag:$0x0] =	sbarrier.arrive $0xFFFF  }
0x92: {  	_ =	strace $0x90000047  }
0x93: {  	s0 =	stileid.u32;
	[bflag:$0x2] =	sbarrier.arrive $0xFFFF  }
0x94: {  	p0 =	sne.s32 s0, $0x0;
	s0 =	rddreg [dreg:$0x3]  }
0x95: {  	s0 =	sadd.s32 @!p0 $0x100000, s0  }
0x96: {  	[sflag:s0] =	ssyncadd.tile.s32 @!p0 $0x1;
	_ =	shalt  }
.Lfunc_end2:
_tile_overlayer_lowered:
.L_overlay_start_2:
0x97: {  	(tag) =	ssettag $0x2  }
0x98: {  	s0 =	rddreg [dreg:$0x0];
	s2 =	stileid.u32  }
0x99: {  	s1 =	rddreg [dreg:$0x1];
	p0 =	sne.s32 s2, $0x0  }
0x9a: {  	s3 =	rddreg [dreg:$0x2];
	[bflag:$0x3] =	sbarrier.arrive $0xFFFF;
	s2 =	simm.s32 @!p0 $0x1C08  }
0x9b: {  	[timem:s3], [sflag:s2] =	dma.local @!p0 [hbm:s0], s1  }
0x9c: {  	s0 =	simm.s32 @!p0 $0x8  }
0x9d: {  	_ =	swait.ge @!p0 [sflag:s0], s1  }
0x9e: {  	s1 =	ssub.s32 @!p0 $0x0, s1;
	[sflag:s0] =	ssyncset.done @!p0 $0x0  }
0x9f: {  	[sflag:s0] =	ssyncadd.s32 @!p0 s1  }
0xa0: {  	[bflag:$0x3] =	sbarrier.arrive $0xFFFF  }
0xa1: {  	_ =	shalt  }

</sc_bundles>
